<compile_context>
chip_gen: v7x
topology: tpu7x:2x2x1
jax: 0.10.2.dev20260603
libtpu: 0.0.44.dev20260713+nightly
codegen_flags: <defaults>
</compile_context>

<pallas_src>
import functools

import jax
import jax.numpy as jnp
from jax import lax
from jax.experimental import pallas as pl
from jax.experimental.pallas import tpu as pltpu
from jax.experimental.pallas import tpu_sc as plsc

N = 10000
E = 320000
F_IN = 128
H = 64
G = 64

CHUNK = 128
NCHUNK = E // CHUNK
N_PAD = 10112
NCOPY = 2
ACC_ROWS = NCOPY * N_PAD
ROWS_PER_TILE = ACC_ROWS // 16

CB = 64
NCHUNK_PAD = 2560
IDX_GRID = NCHUNK_PAD // CB

BLK = 2000


def _didx_body(dst_ref, out_ref):
    d = dst_ref[...]
    a = d[:, :, None]
    b = d[:, None, :]
    ii = lax.broadcasted_iota(jnp.int32, (CB, CHUNK, CHUNK), 1)
    jj = lax.broadcasted_iota(jnp.int32, (CB, CHUNK, CHUNK), 2)
    dup = jnp.logical_and(a == b, jj < ii)
    has = jnp.max(dup.astype(jnp.int32), axis=2)
    out_ref[...] = d + has * N_PAD


def _tc_didx(dst2):
    return pl.pallas_call(
        _didx_body,
        grid=(IDX_GRID,),
        in_specs=[pl.BlockSpec((CB, CHUNK), lambda i: (i, 0))],
        out_specs=pl.BlockSpec((CB, CHUNK), lambda i: (i, 0)),
        out_shape=jax.ShapeDtypeStruct((NCHUNK_PAD, CHUNK), jnp.int32),
    )(dst2)


CPT = NCHUNK // 16


def _gc(fh):
    return 4 if fh == H else 6


@functools.cache
def _make_sc_segment_sum(fh):
    GC = _gc(fh)
    NGRP = CPT // GC
    mesh = plsc.VectorSubcoreMesh(core_axis_name="c", subcore_axis_name="s")

    @functools.partial(
        pl.kernel,
        mesh=mesh,
        compiler_params=pltpu.CompilerParams(use_tc_tiling_on_sc=False),
        out_type=jax.ShapeDtypeStruct((2, ACC_ROWS, fh), jnp.float32),
        scratch_types=[
            pltpu.VMEM((GC * CHUNK,), jnp.int32),
            pltpu.VMEM((GC, CHUNK), jnp.int32),
            pltpu.VMEM((GC, CHUNK, fh), jnp.float32),
            pltpu.VMEM_SHARED((ACC_ROWS, fh), jnp.float32),
            pltpu.SemaphoreType.DMA,
            pltpu.SemaphoreType.DMA((GC,)),
        ],
    )
    def _sc_segment_sum(table_hbm, src_hbm, didx3_hbm, didx_hbm, zeros_hbm,
                        out_hbm, si, di, rows, acc, sem_i, sgs):
        c = lax.axis_index("c")
        s = lax.axis_index("s")
        sg = [sgs.at[b] for b in range(GC)]
        row0 = pl.multiple_of(s * ROWS_PER_TILE, 8)

        pltpu.sync_copy(zeros_hbm.at[pl.ds(row0, ROWS_PER_TILE)],
                        acc.at[pl.ds(row0, ROWS_PER_TILE)])
        plsc.subcore_barrier()

        def group(m, carry):
            ch0 = s * CPT + m * GC
            e0 = pl.multiple_of(ch0 * CHUNK, 8)
            h_si = pltpu.async_copy(src_hbm.at[pl.ds(e0, GC * CHUNK)],
                                    si, sem_i)
            h_di = pltpu.async_copy(didx3_hbm.at[s * NGRP + m], di, sem_i)
            h_si.wait()
            h_di.wait()
            hs = [pltpu.async_copy(
                      table_hbm.at[c].at[si.at[pl.ds(b * CHUNK, CHUNK)]],
                      rows.at[b], sg[b])
                  for b in range(GC)]
            for b in range(GC):
                hs[b].wait()
                pltpu.sync_copy(rows.at[b], acc.at[di.at[b]], add=True)
            return carry

        lax.fori_loop(0, NGRP, group, 0)

        @pl.when(s < NCHUNK - CPT * 16)
        def _():
            ch = 16 * CPT + s
            e0 = pl.multiple_of(ch * CHUNK, 8)
            pltpu.sync_copy(src_hbm.at[pl.ds(e0, CHUNK)],
                            si.at[pl.ds(0, CHUNK)])
            pltpu.sync_copy(didx_hbm.at[ch], di.at[0])
            pltpu.async_copy(table_hbm.at[c].at[si.at[pl.ds(0, CHUNK)]],
                             rows.at[0], sg[0]).wait()
            pltpu.sync_copy(rows.at[0], acc.at[di.at[0]], add=True)

        plsc.subcore_barrier()
        pltpu.sync_copy(acc.at[pl.ds(row0, ROWS_PER_TILE)],
                        out_hbm.at[c, pl.ds(row0, ROWS_PER_TILE)])

    return _sc_segment_sum


def _mlp1_body(x_ref, agg_ref, vec_ref, w1a_ref, w1b_ref, h_ref):
    v = vec_ref[...]
    a = agg_ref[...]
    agg = jnp.concatenate([a[0, 0] + a[0, 1], a[1, 0] + a[1, 1]], axis=1)
    t = x_ref[...] + agg
    t = jnp.dot(t, w1a_ref[...], preferred_element_type=jnp.float32) + v[0]
    t = t / jnp.sqrt(1.0 + 1e-5) * v[1] + v[2]
    t = jnp.maximum(t, 0.0)
    t = jnp.dot(t, w1b_ref[...], preferred_element_type=jnp.float32) + v[3]
    t = jnp.maximum(t, 0.0)
    h_ref[...] = t / jnp.sqrt(1.0 + 1e-5) * v[4] + v[5]


def _tc_mlp1(x, aggp, vecs, w1a, w1b):
    return pl.pallas_call(
        _mlp1_body,
        grid=(N // BLK,),
        in_specs=[
            pl.BlockSpec((BLK, F_IN), lambda i: (i, 0)),
            pl.BlockSpec((2, NCOPY, BLK, H), lambda i: (0, 0, i, 0)),
            pl.BlockSpec((8, H), lambda i: (0, 0)),
            pl.BlockSpec((F_IN, H), lambda i: (0, 0)),
            pl.BlockSpec((H, H), lambda i: (0, 0)),
        ],
        out_specs=pl.BlockSpec((BLK, H), lambda i: (i, 0)),
        out_shape=jax.ShapeDtypeStruct((N, H), jnp.float32),
    )(x, aggp, vecs, w1a, w1b)


def _final_body(h_ref, agg_ref, vec_ref, w2a_ref, w2b_ref, batch_ref,
                wl1_ref, wl2p_ref, out_ref, pool_acc):
    i = pl.program_id(0)
    v = vec_ref[...]
    a = agg_ref[...]
    agg = jnp.concatenate([a[0, 0] + a[0, 1], a[1, 0] + a[1, 1]], axis=1)
    t = h_ref[...] + agg
    t = jnp.dot(t, w2a_ref[...], preferred_element_type=jnp.float32) + v[0]
    t = t / jnp.sqrt(1.0 + 1e-5) * v[1] + v[2]
    t = jnp.maximum(t, 0.0)
    t = jnp.dot(t, w2b_ref[...], preferred_element_type=jnp.float32) + v[3]
    t = jnp.maximum(t, 0.0)
    h2 = t / jnp.sqrt(1.0 + 1e-5) * v[4] + v[5]

    gid = lax.broadcasted_iota(jnp.int32, (BLK, G), 1)
    onehot = jnp.where(batch_ref[...] == gid, 1.0, 0.0).astype(jnp.float32)
    part = lax.dot_general(onehot, h2, (((0,), (0,)), ((), ())),
                           preferred_element_type=jnp.float32,
                           precision=lax.Precision.HIGHEST)

    @pl.when(i == 0)
    def _():
        pool_acc[...] = jnp.zeros_like(pool_acc)

    pool_acc[...] += part

    @pl.when(i == pl.num_programs(0) - 1)
    def _():
        pooled = pool_acc[...]
        p1 = jnp.dot(pooled, wl1_ref[...],
                     preferred_element_type=jnp.float32) + v[6]
        p1 = jnp.maximum(p1, 0.0)
        out = jnp.dot(p1, wl2p_ref[...], preferred_element_type=jnp.float32)
        out_ref[...] = out[:, 0:1] + v[8][0]


def _tc_final(h, aggp, vecs, w2a, w2b, batch2d, wl1, wl2p):
    return pl.pallas_call(
        _final_body,
        grid=(N // BLK,),
        in_specs=[
            pl.BlockSpec((BLK, H), lambda i: (i, 0)),
            pl.BlockSpec((2, NCOPY, BLK, H // 2), lambda i: (0, 0, i, 0)),
            pl.BlockSpec((16, H), lambda i: (0, 0)),
            pl.BlockSpec((H, H), lambda i: (0, 0)),
            pl.BlockSpec((H, H), lambda i: (0, 0)),
            pl.BlockSpec((BLK, 1), lambda i: (i, 0)),
            pl.BlockSpec((H, G), lambda i: (0, 0)),
            pl.BlockSpec((H, 128), lambda i: (0, 0)),
        ],
        out_specs=pl.BlockSpec((G, 1), lambda i: (0, 0)),
        out_shape=jax.ShapeDtypeStruct((G, 1), jnp.float32),
        scratch_shapes=[pltpu.VMEM((G, G), jnp.float32)],
    )(h, aggp, vecs, w2a, w2b, batch2d, wl1, wl2p)


def kernel(x, edge_index, batch,
           w1a, b1a, g1a, be1a, w1b, b1b, g_bn1, be_bn1,
           w2a, b2a, g2a, be2a, w2b, b2b, g_bn2, be_bn2,
           wl1, bl1, wl2, bl2):
    src = edge_index[0]
    dst = edge_index[1]

    dst2 = jnp.concatenate(
        [dst, jnp.zeros((NCHUNK_PAD * CHUNK - E,), jnp.int32)]
    ).reshape(NCHUNK_PAD, CHUNK)
    didx = _tc_didx(dst2)
    body = didx[:16 * CPT]
    didx3_64 = body.reshape(16 * (CPT // _gc(H)), _gc(H), CHUNK)
    didx3_32 = body.reshape(16 * (CPT // _gc(H // 2)), _gc(H // 2), CHUNK)

    vecs1 = jnp.stack([
        b1a, g1a, be1a, b1b, g_bn1, be_bn1,
        jnp.zeros((H,), jnp.float32), jnp.zeros((H,), jnp.float32)])
    vecs2 = jnp.stack([
        b2a, g2a, be2a, b2b, g_bn2, be_bn2,
        bl1, wl2[:, 0], jnp.full((H,), bl2[0], jnp.float32)]
        + [jnp.zeros((H,), jnp.float32)] * 7)

    seg64 = _make_sc_segment_sum(H)
    seg32 = _make_sc_segment_sum(H // 2)

    x_halves = jnp.stack([x[:, :H], x[:, H:]])
    zeros64 = jnp.zeros((ACC_ROWS, H), jnp.float32)
    agg1 = seg64(x_halves, src, didx3_64, didx, zeros64)
    h = _tc_mlp1(x, agg1.reshape(2, NCOPY, N_PAD, H), vecs1, w1a, w1b)

    h_halves = jnp.stack([h[:, :H // 2], h[:, H // 2:]])
    zeros32 = jnp.zeros((ACC_ROWS, H // 2), jnp.float32)
    agg2 = seg32(h_halves, src, didx3_32, didx, zeros32)
    wl2p = jnp.concatenate(
        [wl2, jnp.zeros((H, 127), jnp.float32)], axis=1)
    out = _tc_final(h, agg2.reshape(2, NCOPY, N_PAD, H // 2), vecs2,
                    w2a, w2b, batch.reshape(N, 1), wl1, wl2p)
    return out

# --- scband reference (transcript-rebuilt; emitter-appended) ---
"""Pipeline reference for scband-ginmodel-31172872634885 (READ-ONLY COPY).

The authoritative reference and input builder live on the scoring server;
editing this copy changes nothing except your own understanding.
"""

import jax, jax.numpy as jnp
import numpy as np

N = 10000
E = 320000
F_IN = 128
H = 64
G = 64  # number of graphs in the batch


def _lin_init(key, fan_in, fan_out):
    kw, kb = jax.random.split(key)
    lim = 1.0 / np.sqrt(fan_in)
    w = jax.random.uniform(kw, (fan_in, fan_out), minval=-lim, maxval=lim, dtype=jnp.float32)
    b = jax.random.uniform(kb, (fan_out,), minval=-lim, maxval=lim, dtype=jnp.float32)
    return w, b


def setup_inputs(seed: int = 0) -> dict:
    key = jax.random.key(seed)
    ks = jax.random.split(key, 12)
    x = jax.random.normal(ks[0], (N, F_IN), dtype=jnp.float32)
    edge_index = jax.random.randint(ks[1], (2, E), 0, N, dtype=jnp.int32)
    batch = jnp.sort(jax.random.randint(ks[2], (N,), 0, G, dtype=jnp.int32))
    w1a, b1a = _lin_init(ks[3], F_IN, H)
    w1b, b1b = _lin_init(ks[4], H, H)
    w2a, b2a = _lin_init(ks[5], H, H)
    w2b, b2b = _lin_init(ks[6], H, H)
    wl1, bl1 = _lin_init(ks[7], H, H)
    wl2, bl2 = _lin_init(ks[8], H, 1)
    ones = jnp.ones((H,), dtype=jnp.float32)
    zeros = jnp.zeros((H,), dtype=jnp.float32)
    return {
        'x': x, 'edge_index': edge_index, 'batch': batch,
        'w1a': w1a, 'b1a': b1a, 'g1a': ones, 'be1a': zeros,
        'w1b': w1b, 'b1b': b1b, 'g_bn1': ones, 'be_bn1': zeros,
        'w2a': w2a, 'b2a': b2a, 'g2a': ones, 'be2a': zeros,
        'w2b': w2b, 'b2b': b2b, 'g_bn2': ones, 'be_bn2': zeros,
        'wl1': wl1, 'bl1': bl1, 'wl2': wl2, 'bl2': bl2,
    }


def _bn_eval(h, gamma, beta, eps=1e-5):
    # BatchNorm1d in eval mode with running_mean=0, running_var=1
    return h / jnp.sqrt(1.0 + eps) * gamma + beta


def reference(x, edge_index, batch,
              w1a, b1a, g1a, be1a, w1b, b1b, g_bn1, be_bn1,
              w2a, b2a, g2a, be2a, w2b, b2b, g_bn2, be_bn2,
              wl1, bl1, wl2, bl2):
    src = edge_index[0]
    dst = edge_index[1]

    # GINConv 1: eps=0 -> h = nn1(x + sum_{j->i} x_j)
    agg = jax.ops.segment_sum(jnp.take(x, src, axis=0), dst, num_segments=N)
    h = x + agg
    h = h @ w1a + b1a
    h = _bn_eval(h, g1a, be1a)
    h = jax.nn.relu(h)
    h = h @ w1b + b1b
    h = jax.nn.relu(h)
    h = _bn_eval(h, g_bn1, be_bn1)

    # GINConv 2
    agg2 = jax.ops.segment_sum(jnp.take(h, src, axis=0), dst, num_segments=N)
    h2 = h + agg2
    h2 = h2 @ w2a + b2a
    h2 = _bn_eval(h2, g2a, be2a)
    h2 = jax.nn.relu(h2)
    h2 = h2 @ w2b + b2b
    h2 = jax.nn.relu(h2)
    h2 = _bn_eval(h2, g_bn2, be_bn2)

    # global_add_pool over graph ids
    pooled = jax.ops.segment_sum(h2, batch, num_segments=G)

    out = jax.nn.relu(pooled @ wl1 + bl1)
    # dropout(p=0.5) is identity in eval mode
    out = out @ wl2 + bl2
    return out

if __name__ == "__main__":
    import jax
    _d = setup_inputs()
    print(jax.jit(kernel)(*tuple(_d.values())))

</pallas_src>

<mosaic_0001>
#map = affine_map<(d0, d1) -> (0, 0, 0)>
#map1 = affine_map<(d0, d1) -> (0)>
#map2 = affine_map<(d0, d1) -> (0, 0)>
module attributes {stable_mosaic.version = 14 : i64} {
  func.func @_sc_segment_sum(%arg0: i32, %arg1: i32, %arg2: memref<2x10000x64xf32, #tpu.memory_space<hbm>>, %arg3: memref<320000xi32, #tpu.memory_space<hbm>>, %arg4: memref<624x4x128xi32, #tpu.memory_space<hbm>>, %arg5: memref<2560x128xi32, #tpu.memory_space<hbm>>, %arg6: memref<20224x64xf32, #tpu.memory_space<hbm>>, %arg7: memref<2x20224x64xf32, #tpu.memory_space<hbm>>, %arg8: memref<512xi32, #tpu.memory_space<vmem>>, %arg9: memref<4x128xi32, #tpu.memory_space<vmem>>, %arg10: memref<4x128x64xf32, #tpu.memory_space<vmem>>, %arg11: memref<20224x64xf32, #tpu.memory_space<vmem_shared>>, %arg12: memref<!tpu.dma_semaphore, #tpu.memory_space<semaphore_mem>>, %arg13: memref<4x!tpu.dma_semaphore, #tpu.memory_space<semaphore_mem>>) attributes {dimension_semantics = [#tpu.dimension_semantics<core_parallel>, #tpu.dimension_semantics<subcore_parallel>], iteration_bounds = array<i64: 2, 16>, scalar_prefetch = 0 : i64, scratch_operands = 6 : i64, tpu.core_type = #tpu.core_type<sc_vector_subcore>, window_params = [{transform_indices = #map}, {transform_indices = #map1}, {transform_indices = #map}, {transform_indices = #map2}, {transform_indices = #map2}, {transform_indices = #map}]} {
    %mul3A = arith.constant 1264 : i32
    %mul3A_0 = arith.muli %arg1, %mul3A : i32
    %multiple_of3A = tpu.assume_multiple %mul3A_0, 8 : i32
    "tpu.region"() ({
      %run_scoped3A = tpu.sem_alloc : memref<!tpu.dma_semaphore, #tpu.memory_space<semaphore_mem>>
      %dma_start3A = arith.constant 0 : i32
      %dma_start3A_14 = tpu.memref_slice %arg11[%multiple_of3A, %dma_start3A] : memref<20224x64xf32, #tpu.memory_space<vmem_shared>> -> memref<1264x64xf32, #tpu.memory_space<vmem_shared>>
      %dma_start3A_15 = arith.constant 0 : i32
      %dma_start3A_16 = tpu.memref_slice %arg6[%multiple_of3A, %dma_start3A_15] : memref<20224x64xf32, #tpu.memory_space<hbm>> -> memref<1264x64xf32, #tpu.memory_space<hbm>>
      tpu.enqueue_dma source(%dma_start3A_16 : memref<1264x64xf32, #tpu.memory_space<hbm>>) target(%dma_start3A_14 : memref<1264x64xf32, #tpu.memory_space<vmem_shared>>) target_semaphore(%run_scoped3A : memref<!tpu.dma_semaphore, #tpu.memory_space<semaphore_mem>>)
      %dma_wait3A = arith.constant 0 : i32
      %dma_wait3A_17 = tpu.memref_slice %arg11[%multiple_of3A, %dma_wait3A] : memref<20224x64xf32, #tpu.memory_space<vmem_shared>> -> memref<1264x64xf32, #tpu.memory_space<vmem_shared>>
      %dma_wait3A_18 = arith.constant 0 : i32
      %dma_wait3A_19 = tpu.memref_slice %arg6[%multiple_of3A, %dma_wait3A_18] : memref<20224x64xf32, #tpu.memory_space<hbm>> -> memref<1264x64xf32, #tpu.memory_space<hbm>>
      tpu.wait_dma2 semaphore(%run_scoped3A : memref<!tpu.dma_semaphore, #tpu.memory_space<semaphore_mem>>) src(%dma_wait3A_19 : memref<1264x64xf32, #tpu.memory_space<hbm>>) dst(%dma_wait3A_17 : memref<1264x64xf32, #tpu.memory_space<vmem_shared>>)
      tpu.yield
    }) : () -> ()
    %barrier3A = arith.constant 0 : index
    tpu.barrier barrier_id(%barrier3A)
    %scan3A = arith.constant 0 : i32
    %scan3A_1 = arith.constant 0 : i32
    %scan3A_2 = arith.constant 1 : i32
    %scan3A_3 = arith.constant 2 : i32
    %scan3A_4 = arith.constant 3 : i32
    %scan3A_5 = arith.constant 0 : i32
    %scan3A_6 = arith.constant 39 : i32
    %scan3A_7 = arith.addi %scan3A_5, %scan3A_6 : i32
    %scan3A_8 = arith.constant 1 : i32
    scf.for %scan3A_14 = %scan3A_5 to %scan3A_7 step %scan3A_8  : i32 {
      %mul3A_15 = arith.constant 156 : i32
      %mul3A_16 = arith.muli %arg1, %mul3A_15 : i32
      %mul3A_17 = arith.constant 4 : i32
      %mul3A_18 = arith.muli %scan3A_14, %mul3A_17 : i32
      %add3A = arith.addi %mul3A_16, %mul3A_18 : i32
      %mul3A_19 = arith.constant 128 : i32
      %mul3A_20 = arith.muli %add3A, %mul3A_19 : i32
      %multiple_of3A_21 = tpu.assume_multiple %mul3A_20, 8 : i32
      %dma_start3A = tpu.memref_slice %arg3[%multiple_of3A_21] : memref<320000xi32, #tpu.memory_space<hbm>> -> memref<512xi32, #tpu.memory_space<hbm>>
      %dma_start3A_22 = tpu.memref_slice %arg3[%multiple_of3A_21] : memref<320000xi32, #tpu.memory_space<hbm>> -> memref<512xi32, #tpu.memory_space<hbm>>
      tpu.enqueue_dma source(%dma_start3A_22 : memref<512xi32, #tpu.memory_space<hbm>>) target(%arg8 : memref<512xi32, #tpu.memory_space<vmem>>) target_semaphore(%arg12 : memref<!tpu.dma_semaphore, #tpu.memory_space<semaphore_mem>>)
      %mul3A_23 = arith.constant 39 : i32
      %mul3A_24 = arith.muli %arg1, %mul3A_23 : i32
      %add3A_25 = arith.addi %mul3A_24, %scan3A_14 : i32
      %dma_start3A_26 = arith.constant 0 : i32
      %dma_start3A_27 = arith.constant 0 : i32
      %dma_start3A_28 = tpu.memref_slice %arg4[%add3A_25, %dma_start3A_26, %dma_start3A_27] : memref<624x4x128xi32, #tpu.memory_space<hbm>> -> memref<1x4x128xi32, #tpu.memory_space<hbm>>
      %dma_start3A_29 = tpu.memref_squeeze %dma_start3A_28 : memref<1x4x128xi32, #tpu.memory_space<hbm>> -> memref<4x128xi32, #tpu.memory_space<hbm>>
      %dma_start3A_30 = arith.constant 0 : i32
      %dma_start3A_31 = arith.constant 0 : i32
      %dma_start3A_32 = tpu.memref_slice %arg4[%add3A_25, %dma_start3A_30, %dma_start3A_31] : memref<624x4x128xi32, #tpu.memory_space<hbm>> -> memref<1x4x128xi32, #tpu.memory_space<hbm>>
      %dma_start3A_33 = tpu.memref_squeeze %dma_start3A_32 : memref<1x4x128xi32, #tpu.memory_space<hbm>> -> memref<4x128xi32, #tpu.memory_space<hbm>>
      tpu.enqueue_dma source(%dma_start3A_33 : memref<4x128xi32, #tpu.memory_space<hbm>>) target(%arg9 : memref<4x128xi32, #tpu.memory_space<vmem>>) target_semaphore(%arg12 : memref<!tpu.dma_semaphore, #tpu.memory_space<semaphore_mem>>)
      %dma_wait3A = tpu.memref_slice %arg3[%multiple_of3A_21] : memref<320000xi32, #tpu.memory_space<hbm>> -> memref<512xi32, #tpu.memory_space<hbm>>
      %dma_wait3A_34 = tpu.memref_slice %arg3[%multiple_of3A_21] : memref<320000xi32, #tpu.memory_space<hbm>> -> memref<512xi32, #tpu.memory_space<hbm>>
      tpu.wait_dma2 semaphore(%arg12 : memref<!tpu.dma_semaphore, #tpu.memory_space<semaphore_mem>>) src(%dma_wait3A_34 : memref<512xi32, #tpu.memory_space<hbm>>) dst(%arg8 : memref<512xi32, #tpu.memory_space<vmem>>)
      %dma_wait3A_35 = arith.constant 0 : i32
      %dma_wait3A_36 = arith.constant 0 : i32
      %dma_wait3A_37 = tpu.memref_slice %arg4[%add3A_25, %dma_wait3A_35, %dma_wait3A_36] : memref<624x4x128xi32, #tpu.memory_space<hbm>> -> memref<1x4x128xi32, #tpu.memory_space<hbm>>
      %dma_wait3A_38 = tpu.memref_squeeze %dma_wait3A_37 : memref<1x4x128xi32, #tpu.memory_space<hbm>> -> memref<4x128xi32, #tpu.memory_space<hbm>>
      %dma_wait3A_39 = arith.constant 0 : i32
      %dma_wait3A_40 = arith.constant 0 : i32
      %dma_wait3A_41 = tpu.memref_slice %arg4[%add3A_25, %dma_wait3A_39, %dma_wait3A_40] : memref<624x4x128xi32, #tpu.memory_space<hbm>> -> memref<1x4x128xi32, #tpu.memory_space<hbm>>
      %dma_wait3A_42 = tpu.memref_squeeze %dma_wait3A_41 : memref<1x4x128xi32, #tpu.memory_space<hbm>> -> memref<4x128xi32, #tpu.memory_space<hbm>>
      tpu.wait_dma2 semaphore(%arg12 : memref<!tpu.dma_semaphore, #tpu.memory_space<semaphore_mem>>) src(%dma_wait3A_42 : memref<4x128xi32, #tpu.memory_space<hbm>>) dst(%arg9 : memref<4x128xi32, #tpu.memory_space<vmem>>)
      %dma_start3A_43 = arith.constant 0 : i32
      %dma_start3A_44 = arith.constant 0 : i32
      %dma_start3A_45 = arith.constant 0 : i32
      %dma_start3A_46 = tpu.memref_slice %arg10[%dma_start3A_43, %dma_start3A_44, %dma_start3A_45] : memref<4x128x64xf32, #tpu.memory_space<vmem>> -> memref<1x128x64xf32, #tpu.memory_space<vmem>>
      %dma_start3A_47 = tpu.memref_squeeze %dma_start3A_46 : memref<1x128x64xf32, #tpu.memory_space<vmem>> -> memref<128x64xf32, #tpu.memory_space<vmem>>
      %dma_start3A_48 = arith.constant 0 : i32
      %dma_start3A_49 = tpu.memref_slice %arg8[%dma_start3A_48] : memref<512xi32, #tpu.memory_space<vmem>> -> memref<128xi32, #tpu.memory_space<vmem>>
      %dma_start3A_50 = arith.constant 0 : i32
      %dma_start3A_51 = arith.constant 0 : i32
      %dma_start3A_52 = tpu.memref_slice %arg2[%arg0, %dma_start3A_50, %dma_start3A_51] : memref<2x10000x64xf32, #tpu.memory_space<hbm>> -> memref<1x10000x64xf32, #tpu.memory_space<hbm>>
      %dma_start3A_53 = tpu.memref_squeeze %dma_start3A_52 : memref<1x10000x64xf32, #tpu.memory_space<hbm>> -> memref<10000x64xf32, #tpu.memory_space<hbm>>
      %dma_start3A_54 = arith.constant 0 : i32
      %dma_start3A_55 = arith.constant 0 : i32
      %dma_start3A_56 = tpu.memref_slice %dma_start3A_53[%dma_start3A_54, %dma_start3A_55] : memref<10000x64xf32, #tpu.memory_space<hbm>> -> memref<10000x64xf32, #tpu.memory_space<hbm>>
      %dma_start3A_57 = tpu.memref_slice %arg13[%scan3A_1] : memref<4x!tpu.dma_semaphore, #tpu.memory_space<semaphore_mem>> -> memref<1x!tpu.dma_semaphore, #tpu.memory_space<semaphore_mem>>
      %dma_start3A_58 = tpu.memref_squeeze %dma_start3A_57 : memref<1x!tpu.dma_semaphore, #tpu.memory_space<semaphore_mem>> -> memref<!tpu.dma_semaphore, #tpu.memory_space<semaphore_mem>>
      tpu.enqueue_indirect_dma source(%dma_start3A_56 : memref<10000x64xf32, #tpu.memory_space<hbm>>) target(%dma_start3A_47 : memref<128x64xf32, #tpu.memory_space<vmem>>) offsets(%dma_start3A_49 : memref<128xi32, #tpu.memory_space<vmem>>) semaphore(%dma_start3A_58 : memref<!tpu.dma_semaphore, #tpu.memory_space<semaphore_mem>>)
      %dma_start3A_59 = arith.constant 1 : i32
      %dma_start3A_60 = arith.constant 0 : i32
      %dma_start3A_61 = arith.constant 0 : i32
      %dma_start3A_62 = tpu.memref_slice %arg10[%dma_start3A_59, %dma_start3A_60, %dma_start3A_61] : memref<4x128x64xf32, #tpu.memory_space<vmem>> -> memref<1x128x64xf32, #tpu.memory_space<vmem>>
      %dma_start3A_63 = tpu.memref_squeeze %dma_start3A_62 : memref<1x128x64xf32, #tpu.memory_space<vmem>> -> memref<128x64xf32, #tpu.memory_space<vmem>>
      %dma_start3A_64 = arith.constant 128 : i32
      %dma_start3A_65 = tpu.memref_slice %arg8[%dma_start3A_64] : memref<512xi32, #tpu.memory_space<vmem>> -> memref<128xi32, #tpu.memory_space<vmem>>
      %dma_start3A_66 = arith.constant 0 : i32
      %dma_start3A_67 = arith.constant 0 : i32
      %dma_start3A_68 = tpu.memref_slice %arg2[%arg0, %dma_start3A_66, %dma_start3A_67] : memref<2x10000x64xf32, #tpu.memory_space<hbm>> -> memref<1x10000x64xf32, #tpu.memory_space<hbm>>
      %dma_start3A_69 = tpu.memref_squeeze %dma_start3A_68 : memref<1x10000x64xf32, #tpu.memory_space<hbm>> -> memref<10000x64xf32, #tpu.memory_space<hbm>>
      %dma_start3A_70 = arith.constant 0 : i32
      %dma_start3A_71 = arith.constant 0 : i32
      %dma_start3A_72 = tpu.memref_slice %dma_start3A_69[%dma_start3A_70, %dma_start3A_71] : memref<10000x64xf32, #tpu.memory_space<hbm>> -> memref<10000x64xf32, #tpu.memory_space<hbm>>
      %dma_start3A_73 = tpu.memref_slice %arg13[%scan3A_2] : memref<4x!tpu.dma_semaphore, #tpu.memory_space<semaphore_mem>> -> memref<1x!tpu.dma_semaphore, #tpu.memory_space<semaphore_mem>>
      %dma_start3A_74 = tpu.memref_squeeze %dma_start3A_73 : memref<1x!tpu.dma_semaphore, #tpu.memory_space<semaphore_mem>> -> memref<!tpu.dma_semaphore, #tpu.memory_space<semaphore_mem>>
      tpu.enqueue_indirect_dma source(%dma_start3A_72 : memref<10000x64xf32, #tpu.memory_space<hbm>>) target(%dma_start3A_63 : memref<128x64xf32, #tpu.memory_space<vmem>>) offsets(%dma_start3A_65 : memref<128xi32, #tpu.memory_space<vmem>>) semaphore(%dma_start3A_74 : memref<!tpu.dma_semaphore, #tpu.memory_space<semaphore_mem>>)
      %dma_start3A_75 = arith.constant 2 : i32
      %dma_start3A_76 = arith.constant 0 : i32
      %dma_start3A_77 = arith.constant 0 : i32
      %dma_start3A_78 = tpu.memref_slice %arg10[%dma_start3A_75, %dma_start3A_76, %dma_start3A_77] : memref<4x128x64xf32, #tpu.memory_space<vmem>> -> memref<1x128x64xf32, #tpu.memory_space<vmem>>
      %dma_start3A_79 = tpu.memref_squeeze %dma_start3A_78 : memref<1x128x64xf32, #tpu.memory_space<vmem>> -> memref<128x64xf32, #tpu.memory_space<vmem>>
      %dma_start3A_80 = arith.constant 256 : i32
      %dma_start3A_81 = tpu.memref_slice %arg8[%dma_start3A_80] : memref<512xi32, #tpu.memory_space<vmem>> -> memref<128xi32, #tpu.memory_space<vmem>>
      %dma_start3A_82 = arith.constant 0 : i32
      %dma_start3A_83 = arith.constant 0 : i32
      %dma_start3A_84 = tpu.memref_slice %arg2[%arg0, %dma_start3A_82, %dma_start3A_83] : memref<2x10000x64xf32, #tpu.memory_space<hbm>> -> memref<1x10000x64xf32, #tpu.memory_space<hbm>>
      %dma_start3A_85 = tpu.memref_squeeze %dma_start3A_84 : memref<1x10000x64xf32, #tpu.memory_space<hbm>> -> memref<10000x64xf32, #tpu.memory_space<hbm>>
      %dma_start3A_86 = arith.constant 0 : i32
      %dma_start3A_87 = arith.constant 0 : i32
      %dma_start3A_88 = tpu.memref_slice %dma_start3A_85[%dma_start3A_86, %dma_start3A_87] : memref<10000x64xf32, #tpu.memory_space<hbm>> -> memref<10000x64xf32, #tpu.memory_space<hbm>>
      %dma_start3A_89 = tpu.memref_slice %arg13[%scan3A_3] : memref<4x!tpu.dma_semaphore, #tpu.memory_space<semaphore_mem>> -> memref<1x!tpu.dma_semaphore, #tpu.memory_space<semaphore_mem>>
      %dma_start3A_90 = tpu.memref_squeeze %dma_start3A_89 : memref<1x!tpu.dma_semaphore, #tpu.memory_space<semaphore_mem>> -> memref<!tpu.dma_semaphore, #tpu.memory_space<semaphore_mem>>
      tpu.enqueue_indirect_dma source(%dma_start3A_88 : memref<10000x64xf32, #tpu.memory_space<hbm>>) target(%dma_start3A_79 : memref<128x64xf32, #tpu.memory_space<vmem>>) offsets(%dma_start3A_81 : memref<128xi32, #tpu.memory_space<vmem>>) semaphore(%dma_start3A_90 : memref<!tpu.dma_semaphore, #tpu.memory_space<semaphore_mem>>)
      %dma_start3A_91 = arith.constant 3 : i32
      %dma_start3A_92 = arith.constant 0 : i32
      %dma_start3A_93 = arith.constant 0 : i32
      %dma_start3A_94 = tpu.memref_slice %arg10[%dma_start3A_91, %dma_start3A_92, %dma_start3A_93] : memref<4x128x64xf32, #tpu.memory_space<vmem>> -> memref<1x128x64xf32, #tpu.memory_space<vmem>>
      %dma_start3A_95 = tpu.memref_squeeze %dma_start3A_94 : memref<1x128x64xf32, #tpu.memory_space<vmem>> -> memref<128x64xf32, #tpu.memory_space<vmem>>
      %dma_start3A_96 = arith.constant 384 : i32
      %dma_start3A_97 = tpu.memref_slice %arg8[%dma_start3A_96] : memref<512xi32, #tpu.memory_space<vmem>> -> memref<128xi32, #tpu.memory_space<vmem>>
      %dma_start3A_98 = arith.constant 0 : i32
      %dma_start3A_99 = arith.constant 0 : i32
      %dma_start3A_100 = tpu.memref_slice %arg2[%arg0, %dma_start3A_98, %dma_start3A_99] : memref<2x10000x64xf32, #tpu.memory_space<hbm>> -> memref<1x10000x64xf32, #tpu.memory_space<hbm>>
      %dma_start3A_101 = tpu.memref_squeeze %dma_start3A_100 : memref<1x10000x64xf32, #tpu.memory_space<hbm>> -> memref<10000x64xf32, #tpu.memory_space<hbm>>
      %dma_start3A_102 = arith.constant 0 : i32
      %dma_start3A_103 = arith.constant 0 : i32
      %dma_start3A_104 = tpu.memref_slice %dma_start3A_101[%dma_start3A_102, %dma_start3A_103] : memref<10000x64xf32, #tpu.memory_space<hbm>> -> memref<10000x64xf32, #tpu.memory_space<hbm>>
      %dma_start3A_105 = tpu.memref_slice %arg13[%scan3A_4] : memref<4x!tpu.dma_semaphore, #tpu.memory_space<semaphore_mem>> -> memref<1x!tpu.dma_semaphore, #tpu.memory_space<semaphore_mem>>
      %dma_start3A_106 = tpu.memref_squeeze %dma_start3A_105 : memref<1x!tpu.dma_semaphore, #tpu.memory_space<semaphore_mem>> -> memref<!tpu.dma_semaphore, #tpu.memory_space<semaphore_mem>>
      tpu.enqueue_indirect_dma source(%dma_start3A_104 : memref<10000x64xf32, #tpu.memory_space<hbm>>) target(%dma_start3A_95 : memref<128x64xf32, #tpu.memory_space<vmem>>) offsets(%dma_start3A_97 : memref<128xi32, #tpu.memory_space<vmem>>) semaphore(%dma_start3A_106 : memref<!tpu.dma_semaphore, #tpu.memory_space<semaphore_mem>>)
      %dma_wait3A_107 = arith.constant 0 : i32
      %dma_wait3A_108 = arith.constant 0 : i32
      %dma_wait3A_109 = arith.constant 0 : i32
      %dma_wait3A_110 = tpu.memref_slice %arg10[%dma_wait3A_107, %dma_wait3A_108, %dma_wait3A_109] : memref<4x128x64xf32, #tpu.memory_space<vmem>> -> memref<1x128x64xf32, #tpu.memory_space<vmem>>
      %dma_wait3A_111 = tpu.memref_squeeze %dma_wait3A_110 : memref<1x128x64xf32, #tpu.memory_space<vmem>> -> memref<128x64xf32, #tpu.memory_space<vmem>>
      %dma_wait3A_112 = arith.constant 0 : i32
      %dma_wait3A_113 = tpu.memref_slice %arg8[%dma_wait3A_112] : memref<512xi32, #tpu.memory_space<vmem>> -> memref<128xi32, #tpu.memory_space<vmem>>
      %dma_wait3A_114 = arith.constant 0 : i32
      %dma_wait3A_115 = arith.constant 0 : i32
      %dma_wait3A_116 = tpu.memref_slice %arg2[%arg0, %dma_wait3A_114, %dma_wait3A_115] : memref<2x10000x64xf32, #tpu.memory_space<hbm>> -> memref<1x10000x64xf32, #tpu.memory_space<hbm>>
      %dma_wait3A_117 = tpu.memref_squeeze %dma_wait3A_116 : memref<1x10000x64xf32, #tpu.memory_space<hbm>> -> memref<10000x64xf32, #tpu.memory_space<hbm>>
      %dma_wait3A_118 = arith.constant 0 : i32
      %dma_wait3A_119 = arith.constant 0 : i32
      %dma_wait3A_120 = tpu.memref_slice %dma_wait3A_117[%dma_wait3A_118, %dma_wait3A_119] : memref<10000x64xf32, #tpu.memory_space<hbm>> -> memref<10000x64xf32, #tpu.memory_space<hbm>>
      %dma_wait3A_121 = tpu.memref_slice %arg13[%scan3A_1] : memref<4x!tpu.dma_semaphore, #tpu.memory_space<semaphore_mem>> -> memref<1x!tpu.dma_semaphore, #tpu.memory_space<semaphore_mem>>
      %dma_wait3A_122 = tpu.memref_squeeze %dma_wait3A_121 : memref<1x!tpu.dma_semaphore, #tpu.memory_space<semaphore_mem>> -> memref<!tpu.dma_semaphore, #tpu.memory_space<semaphore_mem>>
      tpu.wait_indirect_dma semaphore(%dma_wait3A_122 : memref<!tpu.dma_semaphore, #tpu.memory_space<semaphore_mem>>) src(%dma_wait3A_120 : memref<10000x64xf32, #tpu.memory_space<hbm>>) dst(%dma_wait3A_111 : memref<128x64xf32, #tpu.memory_space<vmem>>)
      %run_scoped3A = arith.constant 0 : i32
      %run_scoped3A_123 = arith.constant 0 : i32
      "tpu.region"() ({
        %run_scoped3A_178 = tpu.sem_alloc : memref<!tpu.dma_semaphore, #tpu.memory_space<semaphore_mem>>
        %dma_start3A_179 = arith.constant 0 : i32
        %dma_start3A_180 = arith.constant 0 : i32
        %dma_start3A_181 = tpu.memref_slice %arg10[%run_scoped3A, %dma_start3A_179, %dma_start3A_180] : memref<4x128x64xf32, #tpu.memory_space<vmem>> -> memref<1x128x64xf32, #tpu.memory_space<vmem>>
        %dma_start3A_182 = tpu.memref_squeeze %dma_start3A_181 : memref<1x128x64xf32, #tpu.memory_space<vmem>> -> memref<128x64xf32, #tpu.memory_space<vmem>>
        %dma_start3A_183 = arith.constant 0 : i32
        %dma_start3A_184 = tpu.memref_slice %arg9[%run_scoped3A_123, %dma_start3A_183] : memref<4x128xi32, #tpu.memory_space<vmem>> -> memref<1x128xi32, #tpu.memory_space<vmem>>
        %dma_start3A_185 = tpu.memref_squeeze %dma_start3A_184 : memref<1x128xi32, #tpu.memory_space<vmem>> -> memref<128xi32, #tpu.memory_space<vmem>>
        %dma_start3A_186 = arith.constant 0 : i32
        %dma_start3A_187 = arith.constant 0 : i32
        %dma_start3A_188 = tpu.memref_slice %arg11[%dma_start3A_186, %dma_start3A_187] : memref<20224x64xf32, #tpu.memory_space<vmem_shared>> -> memref<20224x64xf32, #tpu.memory_space<vmem_shared>>
        tpu.enqueue_indirect_dma source(%dma_start3A_182 : memref<128x64xf32, #tpu.memory_space<vmem>>) target(%dma_start3A_188 : memref<20224x64xf32, #tpu.memory_space<vmem_shared>>) offsets(%dma_start3A_185 : memref<128xi32, #tpu.memory_space<vmem>>) semaphore(%run_scoped3A_178 : memref<!tpu.dma_semaphore, #tpu.memory_space<semaphore_mem>>) {add = true}
        %dma_wait3A_189 = arith.constant 0 : i32
        %dma_wait3A_190 = arith.constant 0 : i32
        %dma_wait3A_191 = tpu.memref_slice %arg10[%run_scoped3A, %dma_wait3A_189, %dma_wait3A_190] : memref<4x128x64xf32, #tpu.memory_space<vmem>> -> memref<1x128x64xf32, #tpu.memory_space<vmem>>
        %dma_wait3A_192 = tpu.memref_squeeze %dma_wait3A_191 : memref<1x128x64xf32, #tpu.memory_space<vmem>> -> memref<128x64xf32, #tpu.memory_space<vmem>>
        %dma_wait3A_193 = arith.constant 0 : i32
        %dma_wait3A_194 = tpu.memref_slice %arg9[%run_scoped3A_123, %dma_wait3A_193] : memref<4x128xi32, #tpu.memory_space<vmem>> -> memref<1x128xi32, #tpu.memory_space<vmem>>
        %dma_wait3A_195 = tpu.memref_squeeze %dma_wait3A_194 : memref<1x128xi32, #tpu.memory_space<vmem>> -> memref<128xi32, #tpu.memory_space<vmem>>
        %dma_wait3A_196 = arith.constant 0 : i32
        %dma_wait3A_197 = arith.constant 0 : i32
        %dma_wait3A_198 = tpu.memref_slice %arg11[%dma_wait3A_196, %dma_wait3A_197] : memref<20224x64xf32, #tpu.memory_space<vmem_shared>> -> memref<20224x64xf32, #tpu.memory_space<vmem_shared>>
        tpu.wait_indirect_dma semaphore(%run_scoped3A_178 : memref<!tpu.dma_semaphore, #tpu.memory_space<semaphore_mem>>) src(%dma_wait3A_192 : memref<128x64xf32, #tpu.memory_space<vmem>>) dst(%dma_wait3A_198 : memref<20224x64xf32, #tpu.memory_space<vmem_shared>>)
        tpu.yield
      }) : () -> ()
      %dma_wait3A_124 = arith.constant 1 : i32
      %dma_wait3A_125 = arith.constant 0 : i32
      %dma_wait3A_126 = arith.constant 0 : i32
      %dma_wait3A_127 = tpu.memref_slice %arg10[%dma_wait3A_124, %dma_wait3A_125, %dma_wait3A_126] : memref<4x128x64xf32, #tpu.memory_space<vmem>> -> memref<1x128x64xf32, #tpu.memory_space<vmem>>
      %dma_wait3A_128 = tpu.memref_squeeze %dma_wait3A_127 : memref<1x128x64xf32, #tpu.memory_space<vmem>> -> memref<128x64xf32, #tpu.memory_space<vmem>>
      %dma_wait3A_129 = arith.constant 128 : i32
      %dma_wait3A_130 = tpu.memref_slice %arg8[%dma_wait3A_129] : memref<512xi32, #tpu.memory_space<vmem>> -> memref<128xi32, #tpu.memory_space<vmem>>
      %dma_wait3A_131 = arith.constant 0 : i32
      %dma_wait3A_132 = arith.constant 0 : i32
      %dma_wait3A_133 = tpu.memref_slice %arg2[%arg0, %dma_wait3A_131, %dma_wait3A_132] : memref<2x10000x64xf32, #tpu.memory_space<hbm>> -> memref<1x10000x64xf32, #tpu.memory_space<hbm>>
      %dma_wait3A_134 = tpu.memref_squeeze %dma_wait3A_133 : memref<1x10000x64xf32, #tpu.memory_space<hbm>> -> memref<10000x64xf32, #tpu.memory_space<hbm>>
      %dma_wait3A_135 = arith.constant 0 : i32
      %dma_wait3A_136 = arith.constant 0 : i32
      %dma_wait3A_137 = tpu.memref_slice %dma_wait3A_134[%dma_wait3A_135, %dma_wait3A_136] : memref<10000x64xf32, #tpu.memory_space<hbm>> -> memref<10000x64xf32, #tpu.memory_space<hbm>>
      %dma_wait3A_138 = tpu.memref_slice %arg13[%scan3A_2] : memref<4x!tpu.dma_semaphore, #tpu.memory_space<semaphore_mem>> -> memref<1x!tpu.dma_semaphore, #tpu.memory_space<semaphore_mem>>
      %dma_wait3A_139 = tpu.memref_squeeze %dma_wait3A_138 : memref<1x!tpu.dma_semaphore, #tpu.memory_space<semaphore_mem>> -> memref<!tpu.dma_semaphore, #tpu.memory_space<semaphore_mem>>
      tpu.wait_indirect_dma semaphore(%dma_wait3A_139 : memref<!tpu.dma_semaphore, #tpu.memory_space<semaphore_mem>>) src(%dma_wait3A_137 : memref<10000x64xf32, #tpu.memory_space<hbm>>) dst(%dma_wait3A_128 : memref<128x64xf32, #tpu.memory_space<vmem>>)
      %run_scoped3A_140 = arith.constant 1 : i32
      %run_scoped3A_141 = arith.constant 1 : i32
      "tpu.region"() ({
        %run_scoped3A_178 = tpu.sem_alloc : memref<!tpu.dma_semaphore, #tpu.memory_space<semaphore_mem>>
        %dma_start3A_179 = arith.constant 0 : i32
        %dma_start3A_180 = arith.constant 0 : i32
        %dma_start3A_181 = tpu.memref_slice %arg10[%run_scoped3A_140, %dma_start3A_179, %dma_start3A_180] : memref<4x128x64xf32, #tpu.memory_space<vmem>> -> memref<1x128x64xf32, #tpu.memory_space<vmem>>
        %dma_start3A_182 = tpu.memref_squeeze %dma_start3A_181 : memref<1x128x64xf32, #tpu.memory_space<vmem>> -> memref<128x64xf32, #tpu.memory_space<vmem>>
        %dma_start3A_183 = arith.constant 0 : i32
        %dma_start3A_184 = tpu.memref_slice %arg9[%run_scoped3A_141, %dma_start3A_183] : memref<4x128xi32, #tpu.memory_space<vmem>> -> memref<1x128xi32, #tpu.memory_space<vmem>>
        %dma_start3A_185 = tpu.memref_squeeze %dma_start3A_184 : memref<1x128xi32, #tpu.memory_space<vmem>> -> memref<128xi32, #tpu.memory_space<vmem>>
        %dma_start3A_186 = arith.constant 0 : i32
        %dma_start3A_187 = arith.constant 0 : i32
        %dma_start3A_188 = tpu.memref_slice %arg11[%dma_start3A_186, %dma_start3A_187] : memref<20224x64xf32, #tpu.memory_space<vmem_shared>> -> memref<20224x64xf32, #tpu.memory_space<vmem_shared>>
        tpu.enqueue_indirect_dma source(%dma_start3A_182 : memref<128x64xf32, #tpu.memory_space<vmem>>) target(%dma_start3A_188 : memref<20224x64xf32, #tpu.memory_space<vmem_shared>>) offsets(%dma_start3A_185 : memref<128xi32, #tpu.memory_space<vmem>>) semaphore(%run_scoped3A_178 : memref<!tpu.dma_semaphore, #tpu.memory_space<semaphore_mem>>) {add = true}
        %dma_wait3A_189 = arith.constant 0 : i32
        %dma_wait3A_190 = arith.constant 0 : i32
        %dma_wait3A_191 = tpu.memref_slice %arg10[%run_scoped3A_140, %dma_wait3A_189, %dma_wait3A_190] : memref<4x128x64xf32, #tpu.memory_space<vmem>> -> memref<1x128x64xf32, #tpu.memory_space<vmem>>
        %dma_wait3A_192 = tpu.memref_squeeze %dma_wait3A_191 : memref<1x128x64xf32, #tpu.memory_space<vmem>> -> memref<128x64xf32, #tpu.memory_space<vmem>>
        %dma_wait3A_193 = arith.constant 0 : i32
        %dma_wait3A_194 = tpu.memref_slice %arg9[%run_scoped3A_141, %dma_wait3A_193] : memref<4x128xi32, #tpu.memory_space<vmem>> -> memref<1x128xi32, #tpu.memory_space<vmem>>
        %dma_wait3A_195 = tpu.memref_squeeze %dma_wait3A_194 : memref<1x128xi32, #tpu.memory_space<vmem>> -> memref<128xi32, #tpu.memory_space<vmem>>
        %dma_wait3A_196 = arith.constant 0 : i32
        %dma_wait3A_197 = arith.constant 0 : i32
        %dma_wait3A_198 = tpu.memref_slice %arg11[%dma_wait3A_196, %dma_wait3A_197] : memref<20224x64xf32, #tpu.memory_space<vmem_shared>> -> memref<20224x64xf32, #tpu.memory_space<vmem_shared>>
        tpu.wait_indirect_dma semaphore(%run_scoped3A_178 : memref<!tpu.dma_semaphore, #tpu.memory_space<semaphore_mem>>) src(%dma_wait3A_192 : memref<128x64xf32, #tpu.memory_space<vmem>>) dst(%dma_wait3A_198 : memref<20224x64xf32, #tpu.memory_space<vmem_shared>>)
        tpu.yield
      }) : () -> ()
      %dma_wait3A_142 = arith.constant 2 : i32
      %dma_wait3A_143 = arith.constant 0 : i32
      %dma_wait3A_144 = arith.constant 0 : i32
      %dma_wait3A_145 = tpu.memref_slice %arg10[%dma_wait3A_142, %dma_wait3A_143, %dma_wait3A_144] : memref<4x128x64xf32, #tpu.memory_space<vmem>> -> memref<1x128x64xf32, #tpu.memory_space<vmem>>
      %dma_wait3A_146 = tpu.memref_squeeze %dma_wait3A_145 : memref<1x128x64xf32, #tpu.memory_space<vmem>> -> memref<128x64xf32, #tpu.memory_space<vmem>>
      %dma_wait3A_147 = arith.constant 256 : i32
      %dma_wait3A_148 = tpu.memref_slice %arg8[%dma_wait3A_147] : memref<512xi32, #tpu.memory_space<vmem>> -> memref<128xi32, #tpu.memory_space<vmem>>
      %dma_wait3A_149 = arith.constant 0 : i32
      %dma_wait3A_150 = arith.constant 0 : i32
      %dma_wait3A_151 = tpu.memref_slice %arg2[%arg0, %dma_wait3A_149, %dma_wait3A_150] : memref<2x10000x64xf32, #tpu.memory_space<hbm>> -> memref<1x10000x64xf32, #tpu.memory_space<hbm>>
      %dma_wait3A_152 = tpu.memref_squeeze %dma_wait3A_151 : memref<1x10000x64xf32, #tpu.memory_space<hbm>> -> memref<10000x64xf32, #tpu.memory_space<hbm>>
      %dma_wait3A_153 = arith.constant 0 : i32
      %dma_wait3A_154 = arith.constant 0 : i32
      %dma_wait3A_155 = tpu.memref_slice %dma_wait3A_152[%dma_wait3A_153, %dma_wait3A_154] : memref<10000x64xf32, #tpu.memory_space<hbm>> -> memref<10000x64xf32, #tpu.memory_space<hbm>>
      %dma_wait3A_156 = tpu.memref_slice %arg13[%scan3A_3] : memref<4x!tpu.dma_semaphore, #tpu.memory_space<semaphore_mem>> -> memref<1x!tpu.dma_semaphore, #tpu.memory_space<semaphore_mem>>
      %dma_wait3A_157 = tpu.memref_squeeze %dma_wait3A_156 : memref<1x!tpu.dma_semaphore, #tpu.memory_space<semaphore_mem>> -> memref<!tpu.dma_semaphore, #tpu.memory_space<semaphore_mem>>
      tpu.wait_indirect_dma semaphore(%dma_wait3A_157 : memref<!tpu.dma_semaphore, #tpu.memory_space<semaphore_mem>>) src(%dma_wait3A_155 : memref<10000x64xf32, #tpu.memory_space<hbm>>) dst(%dma_wait3A_146 : memref<128x64xf32, #tpu.memory_space<vmem>>)
      %run_scoped3A_158 = arith.constant 2 : i32
      %run_scoped3A_159 = arith.constant 2 : i32
      "tpu.region"() ({
        %run_scoped3A_178 = tpu.sem_alloc : memref<!tpu.dma_semaphore, #tpu.memory_space<semaphore_mem>>
        %dma_start3A_179 = arith.constant 0 : i32
        %dma_start3A_180 = arith.constant 0 : i32
        %dma_start3A_181 = tpu.memref_slice %arg10[%run_scoped3A_158, %dma_start3A_179, %dma_start3A_180] : memref<4x128x64xf32, #tpu.memory_space<vmem>> -> memref<1x128x64xf32, #tpu.memory_space<vmem>>
        %dma_start3A_182 = tpu.memref_squeeze %dma_start3A_181 : memref<1x128x64xf32, #tpu.memory_space<vmem>> -> memref<128x64xf32, #tpu.memory_space<vmem>>
        %dma_start3A_183 = arith.constant 0 : i32
        %dma_start3A_184 = tpu.memref_slice %arg9[%run_scoped3A_159, %dma_start3A_183] : memref<4x128xi32, #tpu.memory_space<vmem>> -> memref<1x128xi32, #tpu.memory_space<vmem>>
        %dma_start3A_185 = tpu.memref_squeeze %dma_start3A_184 : memref<1x128xi32, #tpu.memory_space<vmem>> -> memref<128xi32, #tpu.memory_space<vmem>>
        %dma_start3A_186 = arith.constant 0 : i32
        %dma_start3A_187 = arith.constant 0 : i32
        %dma_start3A_188 = tpu.memref_slice %arg11[%dma_start3A_186, %dma_start3A_187] : memref<20224x64xf32, #tpu.memory_space<vmem_shared>> -> memref<20224x64xf32, #tpu.memory_space<vmem_shared>>
        tpu.enqueue_indirect_dma source(%dma_start3A_182 : memref<128x64xf32, #tpu.memory_space<vmem>>) target(%dma_start3A_188 : memref<20224x64xf32, #tpu.memory_space<vmem_shared>>) offsets(%dma_start3A_185 : memref<128xi32, #tpu.memory_space<vmem>>) semaphore(%run_scoped3A_178 : memref<!tpu.dma_semaphore, #tpu.memory_space<semaphore_mem>>) {add = true}
        %dma_wait3A_189 = arith.constant 0 : i32
        %dma_wait3A_190 = arith.constant 0 : i32
        %dma_wait3A_191 = tpu.memref_slice %arg10[%run_scoped3A_158, %dma_wait3A_189, %dma_wait3A_190] : memref<4x128x64xf32, #tpu.memory_space<vmem>> -> memref<1x128x64xf32, #tpu.memory_space<vmem>>
        %dma_wait3A_192 = tpu.memref_squeeze %dma_wait3A_191 : memref<1x128x64xf32, #tpu.memory_space<vmem>> -> memref<128x64xf32, #tpu.memory_space<vmem>>
        %dma_wait3A_193 = arith.constant 0 : i32
        %dma_wait3A_194 = tpu.memref_slice %arg9[%run_scoped3A_159, %dma_wait3A_193] : memref<4x128xi32, #tpu.memory_space<vmem>> -> memref<1x128xi32, #tpu.memory_space<vmem>>
        %dma_wait3A_195 = tpu.memref_squeeze %dma_wait3A_194 : memref<1x128xi32, #tpu.memory_space<vmem>> -> memref<128xi32, #tpu.memory_space<vmem>>
        %dma_wait3A_196 = arith.constant 0 : i32
        %dma_wait3A_197 = arith.constant 0 : i32
        %dma_wait3A_198 = tpu.memref_slice %arg11[%dma_wait3A_196, %dma_wait3A_197] : memref<20224x64xf32, #tpu.memory_space<vmem_shared>> -> memref<20224x64xf32, #tpu.memory_space<vmem_shared>>
        tpu.wait_indirect_dma semaphore(%run_scoped3A_178 : memref<!tpu.dma_semaphore, #tpu.memory_space<semaphore_mem>>) src(%dma_wait3A_192 : memref<128x64xf32, #tpu.memory_space<vmem>>) dst(%dma_wait3A_198 : memref<20224x64xf32, #tpu.memory_space<vmem_shared>>)
        tpu.yield
      }) : () -> ()
      %dma_wait3A_160 = arith.constant 3 : i32
      %dma_wait3A_161 = arith.constant 0 : i32
      %dma_wait3A_162 = arith.constant 0 : i32
      %dma_wait3A_163 = tpu.memref_slice %arg10[%dma_wait3A_160, %dma_wait3A_161, %dma_wait3A_162] : memref<4x128x64xf32, #tpu.memory_space<vmem>> -> memref<1x128x64xf32, #tpu.memory_space<vmem>>
      %dma_wait3A_164 = tpu.memref_squeeze %dma_wait3A_163 : memref<1x128x64xf32, #tpu.memory_space<vmem>> -> memref<128x64xf32, #tpu.memory_space<vmem>>
      %dma_wait3A_165 = arith.constant 384 : i32
      %dma_wait3A_166 = tpu.memref_slice %arg8[%dma_wait3A_165] : memref<512xi32, #tpu.memory_space<vmem>> -> memref<128xi32, #tpu.memory_space<vmem>>
      %dma_wait3A_167 = arith.constant 0 : i32
      %dma_wait3A_168 = arith.constant 0 : i32
      %dma_wait3A_169 = tpu.memref_slice %arg2[%arg0, %dma_wait3A_167, %dma_wait3A_168] : memref<2x10000x64xf32, #tpu.memory_space<hbm>> -> memref<1x10000x64xf32, #tpu.memory_space<hbm>>
      %dma_wait3A_170 = tpu.memref_squeeze %dma_wait3A_169 : memref<1x10000x64xf32, #tpu.memory_space<hbm>> -> memref<10000x64xf32, #tpu.memory_space<hbm>>
      %dma_wait3A_171 = arith.constant 0 : i32
      %dma_wait3A_172 = arith.constant 0 : i32
      %dma_wait3A_173 = tpu.memref_slice %dma_wait3A_170[%dma_wait3A_171, %dma_wait3A_172] : memref<10000x64xf32, #tpu.memory_space<hbm>> -> memref<10000x64xf32, #tpu.memory_space<hbm>>
      %dma_wait3A_174 = tpu.memref_slice %arg13[%scan3A_4] : memref<4x!tpu.dma_semaphore, #tpu.memory_space<semaphore_mem>> -> memref<1x!tpu.dma_semaphore, #tpu.memory_space<semaphore_mem>>
      %dma_wait3A_175 = tpu.memref_squeeze %dma_wait3A_174 : memref<1x!tpu.dma_semaphore, #tpu.memory_space<semaphore_mem>> -> memref<!tpu.dma_semaphore, #tpu.memory_space<semaphore_mem>>
      tpu.wait_indirect_dma semaphore(%dma_wait3A_175 : memref<!tpu.dma_semaphore, #tpu.memory_space<semaphore_mem>>) src(%dma_wait3A_173 : memref<10000x64xf32, #tpu.memory_space<hbm>>) dst(%dma_wait3A_164 : memref<128x64xf32, #tpu.memory_space<vmem>>)
      %run_scoped3A_176 = arith.constant 3 : i32
      %run_scoped3A_177 = arith.constant 3 : i32
      "tpu.region"() ({
        %run_scoped3A_178 = tpu.sem_alloc : memref<!tpu.dma_semaphore, #tpu.memory_space<semaphore_mem>>
        %dma_start3A_179 = arith.constant 0 : i32
        %dma_start3A_180 = arith.constant 0 : i32
        %dma_start3A_181 = tpu.memref_slice %arg10[%run_scoped3A_176, %dma_start3A_179, %dma_start3A_180] : memref<4x128x64xf32, #tpu.memory_space<vmem>> -> memref<1x128x64xf32, #tpu.memory_space<vmem>>
        %dma_start3A_182 = tpu.memref_squeeze %dma_start3A_181 : memref<1x128x64xf32, #tpu.memory_space<vmem>> -> memref<128x64xf32, #tpu.memory_space<vmem>>
        %dma_start3A_183 = arith.constant 0 : i32
        %dma_start3A_184 = tpu.memref_slice %arg9[%run_scoped3A_177, %dma_start3A_183] : memref<4x128xi32, #tpu.memory_space<vmem>> -> memref<1x128xi32, #tpu.memory_space<vmem>>
        %dma_start3A_185 = tpu.memref_squeeze %dma_start3A_184 : memref<1x128xi32, #tpu.memory_space<vmem>> -> memref<128xi32, #tpu.memory_space<vmem>>
        %dma_start3A_186 = arith.constant 0 : i32
        %dma_start3A_187 = arith.constant 0 : i32
        %dma_start3A_188 = tpu.memref_slice %arg11[%dma_start3A_186, %dma_start3A_187] : memref<20224x64xf32, #tpu.memory_space<vmem_shared>> -> memref<20224x64xf32, #tpu.memory_space<vmem_shared>>
        tpu.enqueue_indirect_dma source(%dma_start3A_182 : memref<128x64xf32, #tpu.memory_space<vmem>>) target(%dma_start3A_188 : memref<20224x64xf32, #tpu.memory_space<vmem_shared>>) offsets(%dma_start3A_185 : memref<128xi32, #tpu.memory_space<vmem>>) semaphore(%run_scoped3A_178 : memref<!tpu.dma_semaphore, #tpu.memory_space<semaphore_mem>>) {add = true}
        %dma_wait3A_189 = arith.constant 0 : i32
        %dma_wait3A_190 = arith.constant 0 : i32
        %dma_wait3A_191 = tpu.memref_slice %arg10[%run_scoped3A_176, %dma_wait3A_189, %dma_wait3A_190] : memref<4x128x64xf32, #tpu.memory_space<vmem>> -> memref<1x128x64xf32, #tpu.memory_space<vmem>>
        %dma_wait3A_192 = tpu.memref_squeeze %dma_wait3A_191 : memref<1x128x64xf32, #tpu.memory_space<vmem>> -> memref<128x64xf32, #tpu.memory_space<vmem>>
        %dma_wait3A_193 = arith.constant 0 : i32
        %dma_wait3A_194 = tpu.memref_slice %arg9[%run_scoped3A_177, %dma_wait3A_193] : memref<4x128xi32, #tpu.memory_space<vmem>> -> memref<1x128xi32, #tpu.memory_space<vmem>>
        %dma_wait3A_195 = tpu.memref_squeeze %dma_wait3A_194 : memref<1x128xi32, #tpu.memory_space<vmem>> -> memref<128xi32, #tpu.memory_space<vmem>>
        %dma_wait3A_196 = arith.constant 0 : i32
        %dma_wait3A_197 = arith.constant 0 : i32
        %dma_wait3A_198 = tpu.memref_slice %arg11[%dma_wait3A_196, %dma_wait3A_197] : memref<20224x64xf32, #tpu.memory_space<vmem_shared>> -> memref<20224x64xf32, #tpu.memory_space<vmem_shared>>
        tpu.wait_indirect_dma semaphore(%run_scoped3A_178 : memref<!tpu.dma_semaphore, #tpu.memory_space<semaphore_mem>>) src(%dma_wait3A_192 : memref<128x64xf32, #tpu.memory_space<vmem>>) dst(%dma_wait3A_198 : memref<20224x64xf32, #tpu.memory_space<vmem_shared>>)
        tpu.yield
      }) : () -> ()
    }
    %scan3A_9 = arith.constant 39 : i32
    %lt3A = arith.constant 4 : i32
    %lt3A_10 = arith.cmpi slt, %arg1, %lt3A : i32
    %convert_element_type3A = arith.extui %lt3A_10 : i1 to i32
    %cond3A = arith.constant 0 : i32
    %cond3A_11 = arith.constant 0 : i32
    %cond3A_12 = arith.cmpi ne, %convert_element_type3A, %cond3A_11 : i32
    scf.if %cond3A_12 {
      %add3A = arith.constant 2496 : i32
      %add3A_14 = arith.addi %add3A, %arg1 : i32
      %mul3A_15 = arith.constant 128 : i32
      %mul3A_16 = arith.muli %add3A_14, %mul3A_15 : i32
      %multiple_of3A_17 = tpu.assume_multiple %mul3A_16, 8 : i32
      "tpu.region"() ({
        %run_scoped3A_50 = tpu.sem_alloc : memref<!tpu.dma_semaphore, #tpu.memory_space<semaphore_mem>>
        %dma_start3A_51 = arith.constant 0 : i32
        %dma_start3A_52 = tpu.memref_slice %arg8[%dma_start3A_51] : memref<512xi32, #tpu.memory_space<vmem>> -> memref<128xi32, #tpu.memory_space<vmem>>
        %dma_start3A_53 = tpu.memref_slice %arg3[%multiple_of3A_17] : memref<320000xi32, #tpu.memory_space<hbm>> -> memref<128xi32, #tpu.memory_space<hbm>>
        %dma_start3A_54 = arith.constant 0 : i32
        %dma_start3A_55 = tpu.memref_slice %arg8[%dma_start3A_54] : memref<512xi32, #tpu.memory_space<vmem>> -> memref<128xi32, #tpu.memory_space<vmem>>
        %dma_start3A_56 = tpu.memref_slice %arg3[%multiple_of3A_17] : memref<320000xi32, #tpu.memory_space<hbm>> -> memref<128xi32, #tpu.memory_space<hbm>>
        tpu.enqueue_dma source(%dma_start3A_56 : memref<128xi32, #tpu.memory_space<hbm>>) target(%dma_start3A_55 : memref<128xi32, #tpu.memory_space<vmem>>) target_semaphore(%run_scoped3A_50 : memref<!tpu.dma_semaphore, #tpu.memory_space<semaphore_mem>>)
        %dma_wait3A_57 = arith.constant 0 : i32
        %dma_wait3A_58 = tpu.memref_slice %arg8[%dma_wait3A_57] : memref<512xi32, #tpu.memory_space<vmem>> -> memref<128xi32, #tpu.memory_space<vmem>>
        %dma_wait3A_59 = tpu.memref_slice %arg3[%multiple_of3A_17] : memref<320000xi32, #tpu.memory_space<hbm>> -> memref<128xi32, #tpu.memory_space<hbm>>
        %dma_wait3A_60 = arith.constant 0 : i32
        %dma_wait3A_61 = tpu.memref_slice %arg8[%dma_wait3A_60] : memref<512xi32, #tpu.memory_space<vmem>> -> memref<128xi32, #tpu.memory_space<vmem>>
        %dma_wait3A_62 = tpu.memref_slice %arg3[%multiple_of3A_17] : memref<320000xi32, #tpu.memory_space<hbm>> -> memref<128xi32, #tpu.memory_space<hbm>>
        tpu.wait_dma2 semaphore(%run_scoped3A_50 : memref<!tpu.dma_semaphore, #tpu.memory_space<semaphore_mem>>) src(%dma_wait3A_62 : memref<128xi32, #tpu.memory_space<hbm>>) dst(%dma_wait3A_61 : memref<128xi32, #tpu.memory_space<vmem>>)
        tpu.yield
      }) : () -> ()
      %run_scoped3A = arith.constant 0 : i32
      "tpu.region"() ({
        %run_scoped3A_50 = tpu.sem_alloc : memref<!tpu.dma_semaphore, #tpu.memory_space<semaphore_mem>>
        %dma_start3A_51 = arith.constant 0 : i32
        %dma_start3A_52 = tpu.memref_slice %arg9[%run_scoped3A, %dma_start3A_51] : memref<4x128xi32, #tpu.memory_space<vmem>> -> memref<1x128xi32, #tpu.memory_space<vmem>>
        %dma_start3A_53 = tpu.memref_squeeze %dma_start3A_52 : memref<1x128xi32, #tpu.memory_space<vmem>> -> memref<128xi32, #tpu.memory_space<vmem>>
        %dma_start3A_54 = arith.constant 0 : i32
        %dma_start3A_55 = tpu.memref_slice %arg5[%add3A_14, %dma_start3A_54] : memref<2560x128xi32, #tpu.memory_space<hbm>> -> memref<1x128xi32, #tpu.memory_space<hbm>>
        %dma_start3A_56 = tpu.memref_squeeze %dma_start3A_55 : memref<1x128xi32, #tpu.memory_space<hbm>> -> memref<128xi32, #tpu.memory_space<hbm>>
        %dma_start3A_57 = arith.constant 0 : i32
        %dma_start3A_58 = tpu.memref_slice %arg9[%run_scoped3A, %dma_start3A_57] : memref<4x128xi32, #tpu.memory_space<vmem>> -> memref<1x128xi32, #tpu.memory_space<vmem>>
        %dma_start3A_59 = tpu.memref_squeeze %dma_start3A_58 : memref<1x128xi32, #tpu.memory_space<vmem>> -> memref<128xi32, #tpu.memory_space<vmem>>
        %dma_start3A_60 = arith.constant 0 : i32
        %dma_start3A_61 = tpu.memref_slice %arg5[%add3A_14, %dma_start3A_60] : memref<2560x128xi32, #tpu.memory_space<hbm>> -> memref<1x128xi32, #tpu.memory_space<hbm>>
        %dma_start3A_62 = tpu.memref_squeeze %dma_start3A_61 : memref<1x128xi32, #tpu.memory_space<hbm>> -> memref<128xi32, #tpu.memory_space<hbm>>
        tpu.enqueue_dma source(%dma_start3A_62 : memref<128xi32, #tpu.memory_space<hbm>>) target(%dma_start3A_59 : memref<128xi32, #tpu.memory_space<vmem>>) target_semaphore(%run_scoped3A_50 : memref<!tpu.dma_semaphore, #tpu.memory_space<semaphore_mem>>)
        %dma_wait3A_63 = arith.constant 0 : i32
        %dma_wait3A_64 = tpu.memref_slice %arg9[%run_scoped3A, %dma_wait3A_63] : memref<4x128xi32, #tpu.memory_space<vmem>> -> memref<1x128xi32, #tpu.memory_space<vmem>>
        %dma_wait3A_65 = tpu.memref_squeeze %dma_wait3A_64 : memref<1x128xi32, #tpu.memory_space<vmem>> -> memref<128xi32, #tpu.memory_space<vmem>>
        %dma_wait3A_66 = arith.constant 0 : i32
        %dma_wait3A_67 = tpu.memref_slice %arg5[%add3A_14, %dma_wait3A_66] : memref<2560x128xi32, #tpu.memory_space<hbm>> -> memref<1x128xi32, #tpu.memory_space<hbm>>
        %dma_wait3A_68 = tpu.memref_squeeze %dma_wait3A_67 : memref<1x128xi32, #tpu.memory_space<hbm>> -> memref<128xi32, #tpu.memory_space<hbm>>
        %dma_wait3A_69 = arith.constant 0 : i32
        %dma_wait3A_70 = tpu.memref_slice %arg9[%run_scoped3A, %dma_wait3A_69] : memref<4x128xi32, #tpu.memory_space<vmem>> -> memref<1x128xi32, #tpu.memory_space<vmem>>
        %dma_wait3A_71 = tpu.memref_squeeze %dma_wait3A_70 : memref<1x128xi32, #tpu.memory_space<vmem>> -> memref<128xi32, #tpu.memory_space<vmem>>
        %dma_wait3A_72 = arith.constant 0 : i32
        %dma_wait3A_73 = tpu.memref_slice %arg5[%add3A_14, %dma_wait3A_72] : memref<2560x128xi32, #tpu.memory_space<hbm>> -> memref<1x128xi32, #tpu.memory_space<hbm>>
        %dma_wait3A_74 = tpu.memref_squeeze %dma_wait3A_73 : memref<1x128xi32, #tpu.memory_space<hbm>> -> memref<128xi32, #tpu.memory_space<hbm>>
        tpu.wait_dma2 semaphore(%run_scoped3A_50 : memref<!tpu.dma_semaphore, #tpu.memory_space<semaphore_mem>>) src(%dma_wait3A_74 : memref<128xi32, #tpu.memory_space<hbm>>) dst(%dma_wait3A_71 : memref<128xi32, #tpu.memory_space<vmem>>)
        tpu.yield
      }) : () -> ()
      %dma_start3A = arith.constant 0 : i32
      %dma_start3A_18 = arith.constant 0 : i32
      %dma_start3A_19 = arith.constant 0 : i32
      %dma_start3A_20 = tpu.memref_slice %arg10[%dma_start3A, %dma_start3A_18, %dma_start3A_19] : memref<4x128x64xf32, #tpu.memory_space<vmem>> -> memref<1x128x64xf32, #tpu.memory_space<vmem>>
      %dma_start3A_21 = tpu.memref_squeeze %dma_start3A_20 : memref<1x128x64xf32, #tpu.memory_space<vmem>> -> memref<128x64xf32, #tpu.memory_space<vmem>>
      %dma_start3A_22 = arith.constant 0 : i32
      %dma_start3A_23 = tpu.memref_slice %arg8[%dma_start3A_22] : memref<512xi32, #tpu.memory_space<vmem>> -> memref<128xi32, #tpu.memory_space<vmem>>
      %dma_start3A_24 = arith.constant 0 : i32
      %dma_start3A_25 = arith.constant 0 : i32
      %dma_start3A_26 = tpu.memref_slice %arg2[%arg0, %dma_start3A_24, %dma_start3A_25] : memref<2x10000x64xf32, #tpu.memory_space<hbm>> -> memref<1x10000x64xf32, #tpu.memory_space<hbm>>
      %dma_start3A_27 = tpu.memref_squeeze %dma_start3A_26 : memref<1x10000x64xf32, #tpu.memory_space<hbm>> -> memref<10000x64xf32, #tpu.memory_space<hbm>>
      %dma_start3A_28 = arith.constant 0 : i32
      %dma_start3A_29 = arith.constant 0 : i32
      %dma_start3A_30 = tpu.memref_slice %dma_start3A_27[%dma_start3A_28, %dma_start3A_29] : memref<10000x64xf32, #tpu.memory_space<hbm>> -> memref<10000x64xf32, #tpu.memory_space<hbm>>
      %dma_start3A_31 = tpu.memref_slice %arg13[%cond3A] : memref<4x!tpu.dma_semaphore, #tpu.memory_space<semaphore_mem>> -> memref<1x!tpu.dma_semaphore, #tpu.memory_space<semaphore_mem>>
      %dma_start3A_32 = tpu.memref_squeeze %dma_start3A_31 : memref<1x!tpu.dma_semaphore, #tpu.memory_space<semaphore_mem>> -> memref<!tpu.dma_semaphore, #tpu.memory_space<semaphore_mem>>
      tpu.enqueue_indirect_dma source(%dma_start3A_30 : memref<10000x64xf32, #tpu.memory_space<hbm>>) target(%dma_start3A_21 : memref<128x64xf32, #tpu.memory_space<vmem>>) offsets(%dma_start3A_23 : memref<128xi32, #tpu.memory_space<vmem>>) semaphore(%dma_start3A_32 : memref<!tpu.dma_semaphore, #tpu.memory_space<semaphore_mem>>)
      %dma_wait3A = arith.constant 0 : i32
      %dma_wait3A_33 = arith.constant 0 : i32
      %dma_wait3A_34 = arith.constant 0 : i32
      %dma_wait3A_35 = tpu.memref_slice %arg10[%dma_wait3A, %dma_wait3A_33, %dma_wait3A_34] : memref<4x128x64xf32, #tpu.memory_space<vmem>> -> memref<1x128x64xf32, #tpu.memory_space<vmem>>
      %dma_wait3A_36 = tpu.memref_squeeze %dma_wait3A_35 : memref<1x128x64xf32, #tpu.memory_space<vmem>> -> memref<128x64xf32, #tpu.memory_space<vmem>>
      %dma_wait3A_37 = arith.constant 0 : i32
      %dma_wait3A_38 = tpu.memref_slice %arg8[%dma_wait3A_37] : memref<512xi32, #tpu.memory_space<vmem>> -> memref<128xi32, #tpu.memory_space<vmem>>
      %dma_wait3A_39 = arith.constant 0 : i32
      %dma_wait3A_40 = arith.constant 0 : i32
      %dma_wait3A_41 = tpu.memref_slice %arg2[%arg0, %dma_wait3A_39, %dma_wait3A_40] : memref<2x10000x64xf32, #tpu.memory_space<hbm>> -> memref<1x10000x64xf32, #tpu.memory_space<hbm>>
      %dma_wait3A_42 = tpu.memref_squeeze %dma_wait3A_41 : memref<1x10000x64xf32, #tpu.memory_space<hbm>> -> memref<10000x64xf32, #tpu.memory_space<hbm>>
      %dma_wait3A_43 = arith.constant 0 : i32
      %dma_wait3A_44 = arith.constant 0 : i32
      %dma_wait3A_45 = tpu.memref_slice %dma_wait3A_42[%dma_wait3A_43, %dma_wait3A_44] : memref<10000x64xf32, #tpu.memory_space<hbm>> -> memref<10000x64xf32, #tpu.memory_space<hbm>>
      %dma_wait3A_46 = tpu.memref_slice %arg13[%cond3A] : memref<4x!tpu.dma_semaphore, #tpu.memory_space<semaphore_mem>> -> memref<1x!tpu.dma_semaphore, #tpu.memory_space<semaphore_mem>>
      %dma_wait3A_47 = tpu.memref_squeeze %dma_wait3A_46 : memref<1x!tpu.dma_semaphore, #tpu.memory_space<semaphore_mem>> -> memref<!tpu.dma_semaphore, #tpu.memory_space<semaphore_mem>>
      tpu.wait_indirect_dma semaphore(%dma_wait3A_47 : memref<!tpu.dma_semaphore, #tpu.memory_space<semaphore_mem>>) src(%dma_wait3A_45 : memref<10000x64xf32, #tpu.memory_space<hbm>>) dst(%dma_wait3A_36 : memref<128x64xf32, #tpu.memory_space<vmem>>)
      %run_scoped3A_48 = arith.constant 0 : i32
      %run_scoped3A_49 = arith.constant 0 : i32
      "tpu.region"() ({
        %run_scoped3A_50 = tpu.sem_alloc : memref<!tpu.dma_semaphore, #tpu.memory_space<semaphore_mem>>
        %dma_start3A_51 = arith.constant 0 : i32
        %dma_start3A_52 = arith.constant 0 : i32
        %dma_start3A_53 = tpu.memref_slice %arg10[%run_scoped3A_48, %dma_start3A_51, %dma_start3A_52] : memref<4x128x64xf32, #tpu.memory_space<vmem>> -> memref<1x128x64xf32, #tpu.memory_space<vmem>>
        %dma_start3A_54 = tpu.memref_squeeze %dma_start3A_53 : memref<1x128x64xf32, #tpu.memory_space<vmem>> -> memref<128x64xf32, #tpu.memory_space<vmem>>
        %dma_start3A_55 = arith.constant 0 : i32
        %dma_start3A_56 = tpu.memref_slice %arg9[%run_scoped3A_49, %dma_start3A_55] : memref<4x128xi32, #tpu.memory_space<vmem>> -> memref<1x128xi32, #tpu.memory_space<vmem>>
        %dma_start3A_57 = tpu.memref_squeeze %dma_start3A_56 : memref<1x128xi32, #tpu.memory_space<vmem>> -> memref<128xi32, #tpu.memory_space<vmem>>
        %dma_start3A_58 = arith.constant 0 : i32
        %dma_start3A_59 = arith.constant 0 : i32
        %dma_start3A_60 = tpu.memref_slice %arg11[%dma_start3A_58, %dma_start3A_59] : memref<20224x64xf32, #tpu.memory_space<vmem_shared>> -> memref<20224x64xf32, #tpu.memory_space<vmem_shared>>
        tpu.enqueue_indirect_dma source(%dma_start3A_54 : memref<128x64xf32, #tpu.memory_space<vmem>>) target(%dma_start3A_60 : memref<20224x64xf32, #tpu.memory_space<vmem_shared>>) offsets(%dma_start3A_57 : memref<128xi32, #tpu.memory_space<vmem>>) semaphore(%run_scoped3A_50 : memref<!tpu.dma_semaphore, #tpu.memory_space<semaphore_mem>>) {add = true}
        %dma_wait3A_61 = arith.constant 0 : i32
        %dma_wait3A_62 = arith.constant 0 : i32
        %dma_wait3A_63 = tpu.memref_slice %arg10[%run_scoped3A_48, %dma_wait3A_61, %dma_wait3A_62] : memref<4x128x64xf32, #tpu.memory_space<vmem>> -> memref<1x128x64xf32, #tpu.memory_space<vmem>>
        %dma_wait3A_64 = tpu.memref_squeeze %dma_wait3A_63 : memref<1x128x64xf32, #tpu.memory_space<vmem>> -> memref<128x64xf32, #tpu.memory_space<vmem>>
        %dma_wait3A_65 = arith.constant 0 : i32
        %dma_wait3A_66 = tpu.memref_slice %arg9[%run_scoped3A_49, %dma_wait3A_65] : memref<4x128xi32, #tpu.memory_space<vmem>> -> memref<1x128xi32, #tpu.memory_space<vmem>>
        %dma_wait3A_67 = tpu.memref_squeeze %dma_wait3A_66 : memref<1x128xi32, #tpu.memory_space<vmem>> -> memref<128xi32, #tpu.memory_space<vmem>>
        %dma_wait3A_68 = arith.constant 0 : i32
        %dma_wait3A_69 = arith.constant 0 : i32
        %dma_wait3A_70 = tpu.memref_slice %arg11[%dma_wait3A_68, %dma_wait3A_69] : memref<20224x64xf32, #tpu.memory_space<vmem_shared>> -> memref<20224x64xf32, #tpu.memory_space<vmem_shared>>
        tpu.wait_indirect_dma semaphore(%run_scoped3A_50 : memref<!tpu.dma_semaphore, #tpu.memory_space<semaphore_mem>>) src(%dma_wait3A_64 : memref<128x64xf32, #tpu.memory_space<vmem>>) dst(%dma_wait3A_70 : memref<20224x64xf32, #tpu.memory_space<vmem_shared>>)
        tpu.yield
      }) : () -> ()
    } else {
    }
    %barrier3A_13 = arith.constant 0 : index
    tpu.barrier barrier_id(%barrier3A_13)
    "tpu.region"() ({
      %run_scoped3A = tpu.sem_alloc : memref<!tpu.dma_semaphore, #tpu.memory_space<semaphore_mem>>
      %dma_start3A = arith.constant 0 : i32
      %dma_start3A_14 = tpu.memref_slice %arg7[%arg0, %multiple_of3A, %dma_start3A] : memref<2x20224x64xf32, #tpu.memory_space<hbm>> -> memref<1x1264x64xf32, #tpu.memory_space<hbm>>
      %dma_start3A_15 = tpu.memref_squeeze %dma_start3A_14 : memref<1x1264x64xf32, #tpu.memory_space<hbm>> -> memref<1264x64xf32, #tpu.memory_space<hbm>>
      %dma_start3A_16 = arith.constant 0 : i32
      %dma_start3A_17 = tpu.memref_slice %arg11[%multiple_of3A, %dma_start3A_16] : memref<20224x64xf32, #tpu.memory_space<vmem_shared>> -> memref<1264x64xf32, #tpu.memory_space<vmem_shared>>
      tpu.enqueue_dma source(%dma_start3A_17 : memref<1264x64xf32, #tpu.memory_space<vmem_shared>>) target(%dma_start3A_15 : memref<1264x64xf32, #tpu.memory_space<hbm>>) target_semaphore(%run_scoped3A : memref<!tpu.dma_semaphore, #tpu.memory_space<semaphore_mem>>)
      %dma_wait3A = arith.constant 0 : i32
      %dma_wait3A_18 = tpu.memref_slice %arg7[%arg0, %multiple_of3A, %dma_wait3A] : memref<2x20224x64xf32, #tpu.memory_space<hbm>> -> memref<1x1264x64xf32, #tpu.memory_space<hbm>>
      %dma_wait3A_19 = tpu.memref_squeeze %dma_wait3A_18 : memref<1x1264x64xf32, #tpu.memory_space<hbm>> -> memref<1264x64xf32, #tpu.memory_space<hbm>>
      %dma_wait3A_20 = arith.constant 0 : i32
      %dma_wait3A_21 = tpu.memref_slice %arg11[%multiple_of3A, %dma_wait3A_20] : memref<20224x64xf32, #tpu.memory_space<vmem_shared>> -> memref<1264x64xf32, #tpu.memory_space<vmem_shared>>
      tpu.wait_dma2 semaphore(%run_scoped3A : memref<!tpu.dma_semaphore, #tpu.memory_space<semaphore_mem>>) src(%dma_wait3A_21 : memref<1264x64xf32, #tpu.memory_space<vmem_shared>>) dst(%dma_wait3A_19 : memref<1264x64xf32, #tpu.memory_space<hbm>>)
      tpu.yield
    }) : () -> ()
    return
  }
}

#map = affine_map<(d0, d1) -> (0, 0, 0)>
#map1 = affine_map<(d0, d1) -> (0)>
#map2 = affine_map<(d0, d1) -> (0, 0)>
module attributes {stable_mosaic.version = 14 : i64} {
  func.func @_sc_segment_sum(%arg0: i32, %arg1: i32, %arg2: memref<2x10000x32xf32, #tpu.memory_space<hbm>>, %arg3: memref<320000xi32, #tpu.memory_space<hbm>>, %arg4: memref<416x6x128xi32, #tpu.memory_space<hbm>>, %arg5: memref<2560x128xi32, #tpu.memory_space<hbm>>, %arg6: memref<20224x32xf32, #tpu.memory_space<hbm>>, %arg7: memref<2x20224x32xf32, #tpu.memory_space<hbm>>, %arg8: memref<768xi32, #tpu.memory_space<vmem>>, %arg9: memref<6x128xi32, #tpu.memory_space<vmem>>, %arg10: memref<6x128x32xf32, #tpu.memory_space<vmem>>, %arg11: memref<20224x32xf32, #tpu.memory_space<vmem_shared>>, %arg12: memref<!tpu.dma_semaphore, #tpu.memory_space<semaphore_mem>>, %arg13: memref<6x!tpu.dma_semaphore, #tpu.memory_space<semaphore_mem>>) attributes {dimension_semantics = [#tpu.dimension_semantics<core_parallel>, #tpu.dimension_semantics<subcore_parallel>], iteration_bounds = array<i64: 2, 16>, scalar_prefetch = 0 : i64, scratch_operands = 6 : i64, tpu.core_type = #tpu.core_type<sc_vector_subcore>, window_params = [{transform_indices = #map}, {transform_indices = #map1}, {transform_indices = #map}, {transform_indices = #map2}, {transform_indices = #map2}, {transform_indices = #map}]} {
    %mul3A = arith.constant 1264 : i32
    %mul3A_0 = arith.muli %arg1, %mul3A : i32
    %multiple_of3A = tpu.assume_multiple %mul3A_0, 8 : i32
    "tpu.region"() ({
      %run_scoped3A = tpu.sem_alloc : memref<!tpu.dma_semaphore, #tpu.memory_space<semaphore_mem>>
      %dma_start3A = arith.constant 0 : i32
      %dma_start3A_16 = tpu.memref_slice %arg11[%multiple_of3A, %dma_start3A] : memref<20224x32xf32, #tpu.memory_space<vmem_shared>> -> memref<1264x32xf32, #tpu.memory_space<vmem_shared>>
      %dma_start3A_17 = arith.constant 0 : i32
      %dma_start3A_18 = tpu.memref_slice %arg6[%multiple_of3A, %dma_start3A_17] : memref<20224x32xf32, #tpu.memory_space<hbm>> -> memref<1264x32xf32, #tpu.memory_space<hbm>>
      tpu.enqueue_dma source(%dma_start3A_18 : memref<1264x32xf32, #tpu.memory_space<hbm>>) target(%dma_start3A_16 : memref<1264x32xf32, #tpu.memory_space<vmem_shared>>) target_semaphore(%run_scoped3A : memref<!tpu.dma_semaphore, #tpu.memory_space<semaphore_mem>>)
      %dma_wait3A = arith.constant 0 : i32
      %dma_wait3A_19 = tpu.memref_slice %arg11[%multiple_of3A, %dma_wait3A] : memref<20224x32xf32, #tpu.memory_space<vmem_shared>> -> memref<1264x32xf32, #tpu.memory_space<vmem_shared>>
      %dma_wait3A_20 = arith.constant 0 : i32
      %dma_wait3A_21 = tpu.memref_slice %arg6[%multiple_of3A, %dma_wait3A_20] : memref<20224x32xf32, #tpu.memory_space<hbm>> -> memref<1264x32xf32, #tpu.memory_space<hbm>>
      tpu.wait_dma2 semaphore(%run_scoped3A : memref<!tpu.dma_semaphore, #tpu.memory_space<semaphore_mem>>) src(%dma_wait3A_21 : memref<1264x32xf32, #tpu.memory_space<hbm>>) dst(%dma_wait3A_19 : memref<1264x32xf32, #tpu.memory_space<vmem_shared>>)
      tpu.yield
    }) : () -> ()
    %barrier3A = arith.constant 0 : index
    tpu.barrier barrier_id(%barrier3A)
    %scan3A = arith.constant 0 : i32
    %scan3A_1 = arith.constant 0 : i32
    %scan3A_2 = arith.constant 1 : i32
    %scan3A_3 = arith.constant 2 : i32
    %scan3A_4 = arith.constant 3 : i32
    %scan3A_5 = arith.constant 4 : i32
    %scan3A_6 = arith.constant 5 : i32
    %scan3A_7 = arith.constant 0 : i32
    %scan3A_8 = arith.constant 26 : i32
    %scan3A_9 = arith.addi %scan3A_7, %scan3A_8 : i32
    %scan3A_10 = arith.constant 1 : i32
    scf.for %scan3A_16 = %scan3A_7 to %scan3A_9 step %scan3A_10  : i32 {
      %mul3A_17 = arith.constant 156 : i32
      %mul3A_18 = arith.muli %arg1, %mul3A_17 : i32
      %mul3A_19 = arith.constant 6 : i32
      %mul3A_20 = arith.muli %scan3A_16, %mul3A_19 : i32
      %add3A = arith.addi %mul3A_18, %mul3A_20 : i32
      %mul3A_21 = arith.constant 128 : i32
      %mul3A_22 = arith.muli %add3A, %mul3A_21 : i32
      %multiple_of3A_23 = tpu.assume_multiple %mul3A_22, 8 : i32
      %dma_start3A = tpu.memref_slice %arg3[%multiple_of3A_23] : memref<320000xi32, #tpu.memory_space<hbm>> -> memref<768xi32, #tpu.memory_space<hbm>>
      %dma_start3A_24 = tpu.memref_slice %arg3[%multiple_of3A_23] : memref<320000xi32, #tpu.memory_space<hbm>> -> memref<768xi32, #tpu.memory_space<hbm>>
      tpu.enqueue_dma source(%dma_start3A_24 : memref<768xi32, #tpu.memory_space<hbm>>) target(%arg8 : memref<768xi32, #tpu.memory_space<vmem>>) target_semaphore(%arg12 : memref<!tpu.dma_semaphore, #tpu.memory_space<semaphore_mem>>)
      %mul3A_25 = arith.constant 26 : i32
      %mul3A_26 = arith.muli %arg1, %mul3A_25 : i32
      %add3A_27 = arith.addi %mul3A_26, %scan3A_16 : i32
      %dma_start3A_28 = arith.constant 0 : i32
      %dma_start3A_29 = arith.constant 0 : i32
      %dma_start3A_30 = tpu.memref_slice %arg4[%add3A_27, %dma_start3A_28, %dma_start3A_29] : memref<416x6x128xi32, #tpu.memory_space<hbm>> -> memref<1x6x128xi32, #tpu.memory_space<hbm>>
      %dma_start3A_31 = tpu.memref_squeeze %dma_start3A_30 : memref<1x6x128xi32, #tpu.memory_space<hbm>> -> memref<6x128xi32, #tpu.memory_space<hbm>>
      %dma_start3A_32 = arith.constant 0 : i32
      %dma_start3A_33 = arith.constant 0 : i32
      %dma_start3A_34 = tpu.memref_slice %arg4[%add3A_27, %dma_start3A_32, %dma_start3A_33] : memref<416x6x128xi32, #tpu.memory_space<hbm>> -> memref<1x6x128xi32, #tpu.memory_space<hbm>>
      %dma_start3A_35 = tpu.memref_squeeze %dma_start3A_34 : memref<1x6x128xi32, #tpu.memory_space<hbm>> -> memref<6x128xi32, #tpu.memory_space<hbm>>
      tpu.enqueue_dma source(%dma_start3A_35 : memref<6x128xi32, #tpu.memory_space<hbm>>) target(%arg9 : memref<6x128xi32, #tpu.memory_space<vmem>>) target_semaphore(%arg12 : memref<!tpu.dma_semaphore, #tpu.memory_space<semaphore_mem>>)
      %dma_wait3A = tpu.memref_slice %arg3[%multiple_of3A_23] : memref<320000xi32, #tpu.memory_space<hbm>> -> memref<768xi32, #tpu.memory_space<hbm>>
      %dma_wait3A_36 = tpu.memref_slice %arg3[%multiple_of3A_23] : memref<320000xi32, #tpu.memory_space<hbm>> -> memref<768xi32, #tpu.memory_space<hbm>>
      tpu.wait_dma2 semaphore(%arg12 : memref<!tpu.dma_semaphore, #tpu.memory_space<semaphore_mem>>) src(%dma_wait3A_36 : memref<768xi32, #tpu.memory_space<hbm>>) dst(%arg8 : memref<768xi32, #tpu.memory_space<vmem>>)
      %dma_wait3A_37 = arith.constant 0 : i32
      %dma_wait3A_38 = arith.constant 0 : i32
      %dma_wait3A_39 = tpu.memref_slice %arg4[%add3A_27, %dma_wait3A_37, %dma_wait3A_38] : memref<416x6x128xi32, #tpu.memory_space<hbm>> -> memref<1x6x128xi32, #tpu.memory_space<hbm>>
      %dma_wait3A_40 = tpu.memref_squeeze %dma_wait3A_39 : memref<1x6x128xi32, #tpu.memory_space<hbm>> -> memref<6x128xi32, #tpu.memory_space<hbm>>
      %dma_wait3A_41 = arith.constant 0 : i32
      %dma_wait3A_42 = arith.constant 0 : i32
      %dma_wait3A_43 = tpu.memref_slice %arg4[%add3A_27, %dma_wait3A_41, %dma_wait3A_42] : memref<416x6x128xi32, #tpu.memory_space<hbm>> -> memref<1x6x128xi32, #tpu.memory_space<hbm>>
      %dma_wait3A_44 = tpu.memref_squeeze %dma_wait3A_43 : memref<1x6x128xi32, #tpu.memory_space<hbm>> -> memref<6x128xi32, #tpu.memory_space<hbm>>
      tpu.wait_dma2 semaphore(%arg12 : memref<!tpu.dma_semaphore, #tpu.memory_space<semaphore_mem>>) src(%dma_wait3A_44 : memref<6x128xi32, #tpu.memory_space<hbm>>) dst(%arg9 : memref<6x128xi32, #tpu.memory_space<vmem>>)
      %dma_start3A_45 = arith.constant 0 : i32
      %dma_start3A_46 = arith.constant 0 : i32
      %dma_start3A_47 = arith.constant 0 : i32
      %dma_start3A_48 = tpu.memref_slice %arg10[%dma_start3A_45, %dma_start3A_46, %dma_start3A_47] : memref<6x128x32xf32, #tpu.memory_space<vmem>> -> memref<1x128x32xf32, #tpu.memory_space<vmem>>
      %dma_start3A_49 = tpu.memref_squeeze %dma_start3A_48 : memref<1x128x32xf32, #tpu.memory_space<vmem>> -> memref<128x32xf32, #tpu.memory_space<vmem>>
      %dma_start3A_50 = arith.constant 0 : i32
      %dma_start3A_51 = tpu.memref_slice %arg8[%dma_start3A_50] : memref<768xi32, #tpu.memory_space<vmem>> -> memref<128xi32, #tpu.memory_space<vmem>>
      %dma_start3A_52 = arith.constant 0 : i32
      %dma_start3A_53 = arith.constant 0 : i32
      %dma_start3A_54 = tpu.memref_slice %arg2[%arg0, %dma_start3A_52, %dma_start3A_53] : memref<2x10000x32xf32, #tpu.memory_space<hbm>> -> memref<1x10000x32xf32, #tpu.memory_space<hbm>>
      %dma_start3A_55 = tpu.memref_squeeze %dma_start3A_54 : memref<1x10000x32xf32, #tpu.memory_space<hbm>> -> memref<10000x32xf32, #tpu.memory_space<hbm>>
      %dma_start3A_56 = arith.constant 0 : i32
      %dma_start3A_57 = arith.constant 0 : i32
      %dma_start3A_58 = tpu.memref_slice %dma_start3A_55[%dma_start3A_56, %dma_start3A_57] : memref<10000x32xf32, #tpu.memory_space<hbm>> -> memref<10000x32xf32, #tpu.memory_space<hbm>>
      %dma_start3A_59 = tpu.memref_slice %arg13[%scan3A_1] : memref<6x!tpu.dma_semaphore, #tpu.memory_space<semaphore_mem>> -> memref<1x!tpu.dma_semaphore, #tpu.memory_space<semaphore_mem>>
      %dma_start3A_60 = tpu.memref_squeeze %dma_start3A_59 : memref<1x!tpu.dma_semaphore, #tpu.memory_space<semaphore_mem>> -> memref<!tpu.dma_semaphore, #tpu.memory_space<semaphore_mem>>
      tpu.enqueue_indirect_dma source(%dma_start3A_58 : memref<10000x32xf32, #tpu.memory_space<hbm>>) target(%dma_start3A_49 : memref<128x32xf32, #tpu.memory_space<vmem>>) offsets(%dma_start3A_51 : memref<128xi32, #tpu.memory_space<vmem>>) semaphore(%dma_start3A_60 : memref<!tpu.dma_semaphore, #tpu.memory_space<semaphore_mem>>)
      %dma_start3A_61 = arith.constant 1 : i32
      %dma_start3A_62 = arith.constant 0 : i32
      %dma_start3A_63 = arith.constant 0 : i32
      %dma_start3A_64 = tpu.memref_slice %arg10[%dma_start3A_61, %dma_start3A_62, %dma_start3A_63] : memref<6x128x32xf32, #tpu.memory_space<vmem>> -> memref<1x128x32xf32, #tpu.memory_space<vmem>>
      %dma_start3A_65 = tpu.memref_squeeze %dma_start3A_64 : memref<1x128x32xf32, #tpu.memory_space<vmem>> -> memref<128x32xf32, #tpu.memory_space<vmem>>
      %dma_start3A_66 = arith.constant 128 : i32
      %dma_start3A_67 = tpu.memref_slice %arg8[%dma_start3A_66] : memref<768xi32, #tpu.memory_space<vmem>> -> memref<128xi32, #tpu.memory_space<vmem>>
      %dma_start3A_68 = arith.constant 0 : i32
      %dma_start3A_69 = arith.constant 0 : i32
      %dma_start3A_70 = tpu.memref_slice %arg2[%arg0, %dma_start3A_68, %dma_start3A_69] : memref<2x10000x32xf32, #tpu.memory_space<hbm>> -> memref<1x10000x32xf32, #tpu.memory_space<hbm>>
      %dma_start3A_71 = tpu.memref_squeeze %dma_start3A_70 : memref<1x10000x32xf32, #tpu.memory_space<hbm>> -> memref<10000x32xf32, #tpu.memory_space<hbm>>
      %dma_start3A_72 = arith.constant 0 : i32
      %dma_start3A_73 = arith.constant 0 : i32
      %dma_start3A_74 = tpu.memref_slice %dma_start3A_71[%dma_start3A_72, %dma_start3A_73] : memref<10000x32xf32, #tpu.memory_space<hbm>> -> memref<10000x32xf32, #tpu.memory_space<hbm>>
      %dma_start3A_75 = tpu.memref_slice %arg13[%scan3A_2] : memref<6x!tpu.dma_semaphore, #tpu.memory_space<semaphore_mem>> -> memref<1x!tpu.dma_semaphore, #tpu.memory_space<semaphore_mem>>
      %dma_start3A_76 = tpu.memref_squeeze %dma_start3A_75 : memref<1x!tpu.dma_semaphore, #tpu.memory_space<semaphore_mem>> -> memref<!tpu.dma_semaphore, #tpu.memory_space<semaphore_mem>>
      tpu.enqueue_indirect_dma source(%dma_start3A_74 : memref<10000x32xf32, #tpu.memory_space<hbm>>) target(%dma_start3A_65 : memref<128x32xf32, #tpu.memory_space<vmem>>) offsets(%dma_start3A_67 : memref<128xi32, #tpu.memory_space<vmem>>) semaphore(%dma_start3A_76 : memref<!tpu.dma_semaphore, #tpu.memory_space<semaphore_mem>>)
      %dma_start3A_77 = arith.constant 2 : i32
      %dma_start3A_78 = arith.constant 0 : i32
      %dma_start3A_79 = arith.constant 0 : i32
      %dma_start3A_80 = tpu.memref_slice %arg10[%dma_start3A_77, %dma_start3A_78, %dma_start3A_79] : memref<6x128x32xf32, #tpu.memory_space<vmem>> -> memref<1x128x32xf32, #tpu.memory_space<vmem>>
      %dma_start3A_81 = tpu.memref_squeeze %dma_start3A_80 : memref<1x128x32xf32, #tpu.memory_space<vmem>> -> memref<128x32xf32, #tpu.memory_space<vmem>>
      %dma_start3A_82 = arith.constant 256 : i32
      %dma_start3A_83 = tpu.memref_slice %arg8[%dma_start3A_82] : memref<768xi32, #tpu.memory_space<vmem>> -> memref<128xi32, #tpu.memory_space<vmem>>
      %dma_start3A_84 = arith.constant 0 : i32
      %dma_start3A_85 = arith.constant 0 : i32
      %dma_start3A_86 = tpu.memref_slice %arg2[%arg0, %dma_start3A_84, %dma_start3A_85] : memref<2x10000x32xf32, #tpu.memory_space<hbm>> -> memref<1x10000x32xf32, #tpu.memory_space<hbm>>
      %dma_start3A_87 = tpu.memref_squeeze %dma_start3A_86 : memref<1x10000x32xf32, #tpu.memory_space<hbm>> -> memref<10000x32xf32, #tpu.memory_space<hbm>>
      %dma_start3A_88 = arith.constant 0 : i32
      %dma_start3A_89 = arith.constant 0 : i32
      %dma_start3A_90 = tpu.memref_slice %dma_start3A_87[%dma_start3A_88, %dma_start3A_89] : memref<10000x32xf32, #tpu.memory_space<hbm>> -> memref<10000x32xf32, #tpu.memory_space<hbm>>
      %dma_start3A_91 = tpu.memref_slice %arg13[%scan3A_3] : memref<6x!tpu.dma_semaphore, #tpu.memory_space<semaphore_mem>> -> memref<1x!tpu.dma_semaphore, #tpu.memory_space<semaphore_mem>>
      %dma_start3A_92 = tpu.memref_squeeze %dma_start3A_91 : memref<1x!tpu.dma_semaphore, #tpu.memory_space<semaphore_mem>> -> memref<!tpu.dma_semaphore, #tpu.memory_space<semaphore_mem>>
      tpu.enqueue_indirect_dma source(%dma_start3A_90 : memref<10000x32xf32, #tpu.memory_space<hbm>>) target(%dma_start3A_81 : memref<128x32xf32, #tpu.memory_space<vmem>>) offsets(%dma_start3A_83 : memref<128xi32, #tpu.memory_space<vmem>>) semaphore(%dma_start3A_92 : memref<!tpu.dma_semaphore, #tpu.memory_space<semaphore_mem>>)
      %dma_start3A_93 = arith.constant 3 : i32
      %dma_start3A_94 = arith.constant 0 : i32
      %dma_start3A_95 = arith.constant 0 : i32
      %dma_start3A_96 = tpu.memref_slice %arg10[%dma_start3A_93, %dma_start3A_94, %dma_start3A_95] : memref<6x128x32xf32, #tpu.memory_space<vmem>> -> memref<1x128x32xf32, #tpu.memory_space<vmem>>
      %dma_start3A_97 = tpu.memref_squeeze %dma_start3A_96 : memref<1x128x32xf32, #tpu.memory_space<vmem>> -> memref<128x32xf32, #tpu.memory_space<vmem>>
      %dma_start3A_98 = arith.constant 384 : i32
      %dma_start3A_99 = tpu.memref_slice %arg8[%dma_start3A_98] : memref<768xi32, #tpu.memory_space<vmem>> -> memref<128xi32, #tpu.memory_space<vmem>>
      %dma_start3A_100 = arith.constant 0 : i32
      %dma_start3A_101 = arith.constant 0 : i32
      %dma_start3A_102 = tpu.memref_slice %arg2[%arg0, %dma_start3A_100, %dma_start3A_101] : memref<2x10000x32xf32, #tpu.memory_space<hbm>> -> memref<1x10000x32xf32, #tpu.memory_space<hbm>>
      %dma_start3A_103 = tpu.memref_squeeze %dma_start3A_102 : memref<1x10000x32xf32, #tpu.memory_space<hbm>> -> memref<10000x32xf32, #tpu.memory_space<hbm>>
      %dma_start3A_104 = arith.constant 0 : i32
      %dma_start3A_105 = arith.constant 0 : i32
      %dma_start3A_106 = tpu.memref_slice %dma_start3A_103[%dma_start3A_104, %dma_start3A_105] : memref<10000x32xf32, #tpu.memory_space<hbm>> -> memref<10000x32xf32, #tpu.memory_space<hbm>>
      %dma_start3A_107 = tpu.memref_slice %arg13[%scan3A_4] : memref<6x!tpu.dma_semaphore, #tpu.memory_space<semaphore_mem>> -> memref<1x!tpu.dma_semaphore, #tpu.memory_space<semaphore_mem>>
      %dma_start3A_108 = tpu.memref_squeeze %dma_start3A_107 : memref<1x!tpu.dma_semaphore, #tpu.memory_space<semaphore_mem>> -> memref<!tpu.dma_semaphore, #tpu.memory_space<semaphore_mem>>
      tpu.enqueue_indirect_dma source(%dma_start3A_106 : memref<10000x32xf32, #tpu.memory_space<hbm>>) target(%dma_start3A_97 : memref<128x32xf32, #tpu.memory_space<vmem>>) offsets(%dma_start3A_99 : memref<128xi32, #tpu.memory_space<vmem>>) semaphore(%dma_start3A_108 : memref<!tpu.dma_semaphore, #tpu.memory_space<semaphore_mem>>)
      %dma_start3A_109 = arith.constant 4 : i32
      %dma_start3A_110 = arith.constant 0 : i32
      %dma_start3A_111 = arith.constant 0 : i32
      %dma_start3A_112 = tpu.memref_slice %arg10[%dma_start3A_109, %dma_start3A_110, %dma_start3A_111] : memref<6x128x32xf32, #tpu.memory_space<vmem>> -> memref<1x128x32xf32, #tpu.memory_space<vmem>>
      %dma_start3A_113 = tpu.memref_squeeze %dma_start3A_112 : memref<1x128x32xf32, #tpu.memory_space<vmem>> -> memref<128x32xf32, #tpu.memory_space<vmem>>
      %dma_start3A_114 = arith.constant 512 : i32
      %dma_start3A_115 = tpu.memref_slice %arg8[%dma_start3A_114] : memref<768xi32, #tpu.memory_space<vmem>> -> memref<128xi32, #tpu.memory_space<vmem>>
      %dma_start3A_116 = arith.constant 0 : i32
      %dma_start3A_117 = arith.constant 0 : i32
      %dma_start3A_118 = tpu.memref_slice %arg2[%arg0, %dma_start3A_116, %dma_start3A_117] : memref<2x10000x32xf32, #tpu.memory_space<hbm>> -> memref<1x10000x32xf32, #tpu.memory_space<hbm>>
      %dma_start3A_119 = tpu.memref_squeeze %dma_start3A_118 : memref<1x10000x32xf32, #tpu.memory_space<hbm>> -> memref<10000x32xf32, #tpu.memory_space<hbm>>
      %dma_start3A_120 = arith.constant 0 : i32
      %dma_start3A_121 = arith.constant 0 : i32
      %dma_start3A_122 = tpu.memref_slice %dma_start3A_119[%dma_start3A_120, %dma_start3A_121] : memref<10000x32xf32, #tpu.memory_space<hbm>> -> memref<10000x32xf32, #tpu.memory_space<hbm>>
      %dma_start3A_123 = tpu.memref_slice %arg13[%scan3A_5] : memref<6x!tpu.dma_semaphore, #tpu.memory_space<semaphore_mem>> -> memref<1x!tpu.dma_semaphore, #tpu.memory_space<semaphore_mem>>
      %dma_start3A_124 = tpu.memref_squeeze %dma_start3A_123 : memref<1x!tpu.dma_semaphore, #tpu.memory_space<semaphore_mem>> -> memref<!tpu.dma_semaphore, #tpu.memory_space<semaphore_mem>>
      tpu.enqueue_indirect_dma source(%dma_start3A_122 : memref<10000x32xf32, #tpu.memory_space<hbm>>) target(%dma_start3A_113 : memref<128x32xf32, #tpu.memory_space<vmem>>) offsets(%dma_start3A_115 : memref<128xi32, #tpu.memory_space<vmem>>) semaphore(%dma_start3A_124 : memref<!tpu.dma_semaphore, #tpu.memory_space<semaphore_mem>>)
      %dma_start3A_125 = arith.constant 5 : i32
      %dma_start3A_126 = arith.constant 0 : i32
      %dma_start3A_127 = arith.constant 0 : i32
      %dma_start3A_128 = tpu.memref_slice %arg10[%dma_start3A_125, %dma_start3A_126, %dma_start3A_127] : memref<6x128x32xf32, #tpu.memory_space<vmem>> -> memref<1x128x32xf32, #tpu.memory_space<vmem>>
      %dma_start3A_129 = tpu.memref_squeeze %dma_start3A_128 : memref<1x128x32xf32, #tpu.memory_space<vmem>> -> memref<128x32xf32, #tpu.memory_space<vmem>>
      %dma_start3A_130 = arith.constant 640 : i32
      %dma_start3A_131 = tpu.memref_slice %arg8[%dma_start3A_130] : memref<768xi32, #tpu.memory_space<vmem>> -> memref<128xi32, #tpu.memory_space<vmem>>
      %dma_start3A_132 = arith.constant 0 : i32
      %dma_start3A_133 = arith.constant 0 : i32
      %dma_start3A_134 = tpu.memref_slice %arg2[%arg0, %dma_start3A_132, %dma_start3A_133] : memref<2x10000x32xf32, #tpu.memory_space<hbm>> -> memref<1x10000x32xf32, #tpu.memory_space<hbm>>
      %dma_start3A_135 = tpu.memref_squeeze %dma_start3A_134 : memref<1x10000x32xf32, #tpu.memory_space<hbm>> -> memref<10000x32xf32, #tpu.memory_space<hbm>>
      %dma_start3A_136 = arith.constant 0 : i32
      %dma_start3A_137 = arith.constant 0 : i32
      %dma_start3A_138 = tpu.memref_slice %dma_start3A_135[%dma_start3A_136, %dma_start3A_137] : memref<10000x32xf32, #tpu.memory_space<hbm>> -> memref<10000x32xf32, #tpu.memory_space<hbm>>
      %dma_start3A_139 = tpu.memref_slice %arg13[%scan3A_6] : memref<6x!tpu.dma_semaphore, #tpu.memory_space<semaphore_mem>> -> memref<1x!tpu.dma_semaphore, #tpu.memory_space<semaphore_mem>>
      %dma_start3A_140 = tpu.memref_squeeze %dma_start3A_139 : memref<1x!tpu.dma_semaphore, #tpu.memory_space<semaphore_mem>> -> memref<!tpu.dma_semaphore, #tpu.memory_space<semaphore_mem>>
      tpu.enqueue_indirect_dma source(%dma_start3A_138 : memref<10000x32xf32, #tpu.memory_space<hbm>>) target(%dma_start3A_129 : memref<128x32xf32, #tpu.memory_space<vmem>>) offsets(%dma_start3A_131 : memref<128xi32, #tpu.memory_space<vmem>>) semaphore(%dma_start3A_140 : memref<!tpu.dma_semaphore, #tpu.memory_space<semaphore_mem>>)
      %dma_wait3A_141 = arith.constant 0 : i32
      %dma_wait3A_142 = arith.constant 0 : i32
      %dma_wait3A_143 = arith.constant 0 : i32
      %dma_wait3A_144 = tpu.memref_slice %arg10[%dma_wait3A_141, %dma_wait3A_142, %dma_wait3A_143] : memref<6x128x32xf32, #tpu.memory_space<vmem>> -> memref<1x128x32xf32, #tpu.memory_space<vmem>>
      %dma_wait3A_145 = tpu.memref_squeeze %dma_wait3A_144 : memref<1x128x32xf32, #tpu.memory_space<vmem>> -> memref<128x32xf32, #tpu.memory_space<vmem>>
      %dma_wait3A_146 = arith.constant 0 : i32
      %dma_wait3A_147 = tpu.memref_slice %arg8[%dma_wait3A_146] : memref<768xi32, #tpu.memory_space<vmem>> -> memref<128xi32, #tpu.memory_space<vmem>>
      %dma_wait3A_148 = arith.constant 0 : i32
      %dma_wait3A_149 = arith.constant 0 : i32
      %dma_wait3A_150 = tpu.memref_slice %arg2[%arg0, %dma_wait3A_148, %dma_wait3A_149] : memref<2x10000x32xf32, #tpu.memory_space<hbm>> -> memref<1x10000x32xf32, #tpu.memory_space<hbm>>
      %dma_wait3A_151 = tpu.memref_squeeze %dma_wait3A_150 : memref<1x10000x32xf32, #tpu.memory_space<hbm>> -> memref<10000x32xf32, #tpu.memory_space<hbm>>
      %dma_wait3A_152 = arith.constant 0 : i32
      %dma_wait3A_153 = arith.constant 0 : i32
      %dma_wait3A_154 = tpu.memref_slice %dma_wait3A_151[%dma_wait3A_152, %dma_wait3A_153] : memref<10000x32xf32, #tpu.memory_space<hbm>> -> memref<10000x32xf32, #tpu.memory_space<hbm>>
      %dma_wait3A_155 = tpu.memref_slice %arg13[%scan3A_1] : memref<6x!tpu.dma_semaphore, #tpu.memory_space<semaphore_mem>> -> memref<1x!tpu.dma_semaphore, #tpu.memory_space<semaphore_mem>>
      %dma_wait3A_156 = tpu.memref_squeeze %dma_wait3A_155 : memref<1x!tpu.dma_semaphore, #tpu.memory_space<semaphore_mem>> -> memref<!tpu.dma_semaphore, #tpu.memory_space<semaphore_mem>>
      tpu.wait_indirect_dma semaphore(%dma_wait3A_156 : memref<!tpu.dma_semaphore, #tpu.memory_space<semaphore_mem>>) src(%dma_wait3A_154 : memref<10000x32xf32, #tpu.memory_space<hbm>>) dst(%dma_wait3A_145 : memref<128x32xf32, #tpu.memory_space<vmem>>)
      %run_scoped3A = arith.constant 0 : i32
      %run_scoped3A_157 = arith.constant 0 : i32
      "tpu.region"() ({
        %run_scoped3A_248 = tpu.sem_alloc : memref<!tpu.dma_semaphore, #tpu.memory_space<semaphore_mem>>
        %dma_start3A_249 = arith.constant 0 : i32
        %dma_start3A_250 = arith.constant 0 : i32
        %dma_start3A_251 = tpu.memref_slice %arg10[%run_scoped3A, %dma_start3A_249, %dma_start3A_250] : memref<6x128x32xf32, #tpu.memory_space<vmem>> -> memref<1x128x32xf32, #tpu.memory_space<vmem>>
        %dma_start3A_252 = tpu.memref_squeeze %dma_start3A_251 : memref<1x128x32xf32, #tpu.memory_space<vmem>> -> memref<128x32xf32, #tpu.memory_space<vmem>>
        %dma_start3A_253 = arith.constant 0 : i32
        %dma_start3A_254 = tpu.memref_slice %arg9[%run_scoped3A_157, %dma_start3A_253] : memref<6x128xi32, #tpu.memory_space<vmem>> -> memref<1x128xi32, #tpu.memory_space<vmem>>
        %dma_start3A_255 = tpu.memref_squeeze %dma_start3A_254 : memref<1x128xi32, #tpu.memory_space<vmem>> -> memref<128xi32, #tpu.memory_space<vmem>>
        %dma_start3A_256 = arith.constant 0 : i32
        %dma_start3A_257 = arith.constant 0 : i32
        %dma_start3A_258 = tpu.memref_slice %arg11[%dma_start3A_256, %dma_start3A_257] : memref<20224x32xf32, #tpu.memory_space<vmem_shared>> -> memref<20224x32xf32, #tpu.memory_space<vmem_shared>>
        tpu.enqueue_indirect_dma source(%dma_start3A_252 : memref<128x32xf32, #tpu.memory_space<vmem>>) target(%dma_start3A_258 : memref<20224x32xf32, #tpu.memory_space<vmem_shared>>) offsets(%dma_start3A_255 : memref<128xi32, #tpu.memory_space<vmem>>) semaphore(%run_scoped3A_248 : memref<!tpu.dma_semaphore, #tpu.memory_space<semaphore_mem>>) {add = true}
        %dma_wait3A_259 = arith.constant 0 : i32
        %dma_wait3A_260 = arith.constant 0 : i32
        %dma_wait3A_261 = tpu.memref_slice %arg10[%run_scoped3A, %dma_wait3A_259, %dma_wait3A_260] : memref<6x128x32xf32, #tpu.memory_space<vmem>> -> memref<1x128x32xf32, #tpu.memory_space<vmem>>
        %dma_wait3A_262 = tpu.memref_squeeze %dma_wait3A_261 : memref<1x128x32xf32, #tpu.memory_space<vmem>> -> memref<128x32xf32, #tpu.memory_space<vmem>>
        %dma_wait3A_263 = arith.constant 0 : i32
        %dma_wait3A_264 = tpu.memref_slice %arg9[%run_scoped3A_157, %dma_wait3A_263] : memref<6x128xi32, #tpu.memory_space<vmem>> -> memref<1x128xi32, #tpu.memory_space<vmem>>
        %dma_wait3A_265 = tpu.memref_squeeze %dma_wait3A_264 : memref<1x128xi32, #tpu.memory_space<vmem>> -> memref<128xi32, #tpu.memory_space<vmem>>
        %dma_wait3A_266 = arith.constant 0 : i32
        %dma_wait3A_267 = arith.constant 0 : i32
        %dma_wait3A_268 = tpu.memref_slice %arg11[%dma_wait3A_266, %dma_wait3A_267] : memref<20224x32xf32, #tpu.memory_space<vmem_shared>> -> memref<20224x32xf32, #tpu.memory_space<vmem_shared>>
        tpu.wait_indirect_dma semaphore(%run_scoped3A_248 : memref<!tpu.dma_semaphore, #tpu.memory_space<semaphore_mem>>) src(%dma_wait3A_262 : memref<128x32xf32, #tpu.memory_space<vmem>>) dst(%dma_wait3A_268 : memref<20224x32xf32, #tpu.memory_space<vmem_shared>>)
        tpu.yield
      }) : () -> ()
      %dma_wait3A_158 = arith.constant 1 : i32
      %dma_wait3A_159 = arith.constant 0 : i32
      %dma_wait3A_160 = arith.constant 0 : i32
      %dma_wait3A_161 = tpu.memref_slice %arg10[%dma_wait3A_158, %dma_wait3A_159, %dma_wait3A_160] : memref<6x128x32xf32, #tpu.memory_space<vmem>> -> memref<1x128x32xf32, #tpu.memory_space<vmem>>
      %dma_wait3A_162 = tpu.memref_squeeze %dma_wait3A_161 : memref<1x128x32xf32, #tpu.memory_space<vmem>> -> memref<128x32xf32, #tpu.memory_space<vmem>>
      %dma_wait3A_163 = arith.constant 128 : i32
      %dma_wait3A_164 = tpu.memref_slice %arg8[%dma_wait3A_163] : memref<768xi32, #tpu.memory_space<vmem>> -> memref<128xi32, #tpu.memory_space<vmem>>
      %dma_wait3A_165 = arith.constant 0 : i32
      %dma_wait3A_166 = arith.constant 0 : i32
      %dma_wait3A_167 = tpu.memref_slice %arg2[%arg0, %dma_wait3A_165, %dma_wait3A_166] : memref<2x10000x32xf32, #tpu.memory_space<hbm>> -> memref<1x10000x32xf32, #tpu.memory_space<hbm>>
      %dma_wait3A_168 = tpu.memref_squeeze %dma_wait3A_167 : memref<1x10000x32xf32, #tpu.memory_space<hbm>> -> memref<10000x32xf32, #tpu.memory_space<hbm>>
      %dma_wait3A_169 = arith.constant 0 : i32
      %dma_wait3A_170 = arith.constant 0 : i32
      %dma_wait3A_171 = tpu.memref_slice %dma_wait3A_168[%dma_wait3A_169, %dma_wait3A_170] : memref<10000x32xf32, #tpu.memory_space<hbm>> -> memref<10000x32xf32, #tpu.memory_space<hbm>>
      %dma_wait3A_172 = tpu.memref_slice %arg13[%scan3A_2] : memref<6x!tpu.dma_semaphore, #tpu.memory_space<semaphore_mem>> -> memref<1x!tpu.dma_semaphore, #tpu.memory_space<semaphore_mem>>
      %dma_wait3A_173 = tpu.memref_squeeze %dma_wait3A_172 : memref<1x!tpu.dma_semaphore, #tpu.memory_space<semaphore_mem>> -> memref<!tpu.dma_semaphore, #tpu.memory_space<semaphore_mem>>
      tpu.wait_indirect_dma semaphore(%dma_wait3A_173 : memref<!tpu.dma_semaphore, #tpu.memory_space<semaphore_mem>>) src(%dma_wait3A_171 : memref<10000x32xf32, #tpu.memory_space<hbm>>) dst(%dma_wait3A_162 : memref<128x32xf32, #tpu.memory_space<vmem>>)
      %run_scoped3A_174 = arith.constant 1 : i32
      %run_scoped3A_175 = arith.constant 1 : i32
      "tpu.region"() ({
        %run_scoped3A_248 = tpu.sem_alloc : memref<!tpu.dma_semaphore, #tpu.memory_space<semaphore_mem>>
        %dma_start3A_249 = arith.constant 0 : i32
        %dma_start3A_250 = arith.constant 0 : i32
        %dma_start3A_251 = tpu.memref_slice %arg10[%run_scoped3A_174, %dma_start3A_249, %dma_start3A_250] : memref<6x128x32xf32, #tpu.memory_space<vmem>> -> memref<1x128x32xf32, #tpu.memory_space<vmem>>
        %dma_start3A_252 = tpu.memref_squeeze %dma_start3A_251 : memref<1x128x32xf32, #tpu.memory_space<vmem>> -> memref<128x32xf32, #tpu.memory_space<vmem>>
        %dma_start3A_253 = arith.constant 0 : i32
        %dma_start3A_254 = tpu.memref_slice %arg9[%run_scoped3A_175, %dma_start3A_253] : memref<6x128xi32, #tpu.memory_space<vmem>> -> memref<1x128xi32, #tpu.memory_space<vmem>>
        %dma_start3A_255 = tpu.memref_squeeze %dma_start3A_254 : memref<1x128xi32, #tpu.memory_space<vmem>> -> memref<128xi32, #tpu.memory_space<vmem>>
        %dma_start3A_256 = arith.constant 0 : i32
        %dma_start3A_257 = arith.constant 0 : i32
        %dma_start3A_258 = tpu.memref_slice %arg11[%dma_start3A_256, %dma_start3A_257] : memref<20224x32xf32, #tpu.memory_space<vmem_shared>> -> memref<20224x32xf32, #tpu.memory_space<vmem_shared>>
        tpu.enqueue_indirect_dma source(%dma_start3A_252 : memref<128x32xf32, #tpu.memory_space<vmem>>) target(%dma_start3A_258 : memref<20224x32xf32, #tpu.memory_space<vmem_shared>>) offsets(%dma_start3A_255 : memref<128xi32, #tpu.memory_space<vmem>>) semaphore(%run_scoped3A_248 : memref<!tpu.dma_semaphore, #tpu.memory_space<semaphore_mem>>) {add = true}
        %dma_wait3A_259 = arith.constant 0 : i32
        %dma_wait3A_260 = arith.constant 0 : i32
        %dma_wait3A_261 = tpu.memref_slice %arg10[%run_scoped3A_174, %dma_wait3A_259, %dma_wait3A_260] : memref<6x128x32xf32, #tpu.memory_space<vmem>> -> memref<1x128x32xf32, #tpu.memory_space<vmem>>
        %dma_wait3A_262 = tpu.memref_squeeze %dma_wait3A_261 : memref<1x128x32xf32, #tpu.memory_space<vmem>> -> memref<128x32xf32, #tpu.memory_space<vmem>>
        %dma_wait3A_263 = arith.constant 0 : i32
        %dma_wait3A_264 = tpu.memref_slice %arg9[%run_scoped3A_175, %dma_wait3A_263] : memref<6x128xi32, #tpu.memory_space<vmem>> -> memref<1x128xi32, #tpu.memory_space<vmem>>
        %dma_wait3A_265 = tpu.memref_squeeze %dma_wait3A_264 : memref<1x128xi32, #tpu.memory_space<vmem>> -> memref<128xi32, #tpu.memory_space<vmem>>
        %dma_wait3A_266 = arith.constant 0 : i32
        %dma_wait3A_267 = arith.constant 0 : i32
        %dma_wait3A_268 = tpu.memref_slice %arg11[%dma_wait3A_266, %dma_wait3A_267] : memref<20224x32xf32, #tpu.memory_space<vmem_shared>> -> memref<20224x32xf32, #tpu.memory_space<vmem_shared>>
        tpu.wait_indirect_dma semaphore(%run_scoped3A_248 : memref<!tpu.dma_semaphore, #tpu.memory_space<semaphore_mem>>) src(%dma_wait3A_262 : memref<128x32xf32, #tpu.memory_space<vmem>>) dst(%dma_wait3A_268 : memref<20224x32xf32, #tpu.memory_space<vmem_shared>>)
        tpu.yield
      }) : () -> ()
      %dma_wait3A_176 = arith.constant 2 : i32
      %dma_wait3A_177 = arith.constant 0 : i32
      %dma_wait3A_178 = arith.constant 0 : i32
      %dma_wait3A_179 = tpu.memref_slice %arg10[%dma_wait3A_176, %dma_wait3A_177, %dma_wait3A_178] : memref<6x128x32xf32, #tpu.memory_space<vmem>> -> memref<1x128x32xf32, #tpu.memory_space<vmem>>
      %dma_wait3A_180 = tpu.memref_squeeze %dma_wait3A_179 : memref<1x128x32xf32, #tpu.memory_space<vmem>> -> memref<128x32xf32, #tpu.memory_space<vmem>>
      %dma_wait3A_181 = arith.constant 256 : i32
      %dma_wait3A_182 = tpu.memref_slice %arg8[%dma_wait3A_181] : memref<768xi32, #tpu.memory_space<vmem>> -> memref<128xi32, #tpu.memory_space<vmem>>
      %dma_wait3A_183 = arith.constant 0 : i32
      %dma_wait3A_184 = arith.constant 0 : i32
      %dma_wait3A_185 = tpu.memref_slice %arg2[%arg0, %dma_wait3A_183, %dma_wait3A_184] : memref<2x10000x32xf32, #tpu.memory_space<hbm>> -> memref<1x10000x32xf32, #tpu.memory_space<hbm>>
      %dma_wait3A_186 = tpu.memref_squeeze %dma_wait3A_185 : memref<1x10000x32xf32, #tpu.memory_space<hbm>> -> memref<10000x32xf32, #tpu.memory_space<hbm>>
      %dma_wait3A_187 = arith.constant 0 : i32
      %dma_wait3A_188 = arith.constant 0 : i32
      %dma_wait3A_189 = tpu.memref_slice %dma_wait3A_186[%dma_wait3A_187, %dma_wait3A_188] : memref<10000x32xf32, #tpu.memory_space<hbm>> -> memref<10000x32xf32, #tpu.memory_space<hbm>>
      %dma_wait3A_190 = tpu.memref_slice %arg13[%scan3A_3] : memref<6x!tpu.dma_semaphore, #tpu.memory_space<semaphore_mem>> -> memref<1x!tpu.dma_semaphore, #tpu.memory_space<semaphore_mem>>
      %dma_wait3A_191 = tpu.memref_squeeze %dma_wait3A_190 : memref<1x!tpu.dma_semaphore, #tpu.memory_space<semaphore_mem>> -> memref<!tpu.dma_semaphore, #tpu.memory_space<semaphore_mem>>
      tpu.wait_indirect_dma semaphore(%dma_wait3A_191 : memref<!tpu.dma_semaphore, #tpu.memory_space<semaphore_mem>>) src(%dma_wait3A_189 : memref<10000x32xf32, #tpu.memory_space<hbm>>) dst(%dma_wait3A_180 : memref<128x32xf32, #tpu.memory_space<vmem>>)
      %run_scoped3A_192 = arith.constant 2 : i32
      %run_scoped3A_193 = arith.constant 2 : i32
      "tpu.region"() ({
        %run_scoped3A_248 = tpu.sem_alloc : memref<!tpu.dma_semaphore, #tpu.memory_space<semaphore_mem>>
        %dma_start3A_249 = arith.constant 0 : i32
        %dma_start3A_250 = arith.constant 0 : i32
        %dma_start3A_251 = tpu.memref_slice %arg10[%run_scoped3A_192, %dma_start3A_249, %dma_start3A_250] : memref<6x128x32xf32, #tpu.memory_space<vmem>> -> memref<1x128x32xf32, #tpu.memory_space<vmem>>
        %dma_start3A_252 = tpu.memref_squeeze %dma_start3A_251 : memref<1x128x32xf32, #tpu.memory_space<vmem>> -> memref<128x32xf32, #tpu.memory_space<vmem>>
        %dma_start3A_253 = arith.constant 0 : i32
        %dma_start3A_254 = tpu.memref_slice %arg9[%run_scoped3A_193, %dma_start3A_253] : memref<6x128xi32, #tpu.memory_space<vmem>> -> memref<1x128xi32, #tpu.memory_space<vmem>>
        %dma_start3A_255 = tpu.memref_squeeze %dma_start3A_254 : memref<1x128xi32, #tpu.memory_space<vmem>> -> memref<128xi32, #tpu.memory_space<vmem>>
        %dma_start3A_256 = arith.constant 0 : i32
        %dma_start3A_257 = arith.constant 0 : i32
        %dma_start3A_258 = tpu.memref_slice %arg11[%dma_start3A_256, %dma_start3A_257] : memref<20224x32xf32, #tpu.memory_space<vmem_shared>> -> memref<20224x32xf32, #tpu.memory_space<vmem_shared>>
        tpu.enqueue_indirect_dma source(%dma_start3A_252 : memref<128x32xf32, #tpu.memory_space<vmem>>) target(%dma_start3A_258 : memref<20224x32xf32, #tpu.memory_space<vmem_shared>>) offsets(%dma_start3A_255 : memref<128xi32, #tpu.memory_space<vmem>>) semaphore(%run_scoped3A_248 : memref<!tpu.dma_semaphore, #tpu.memory_space<semaphore_mem>>) {add = true}
        %dma_wait3A_259 = arith.constant 0 : i32
        %dma_wait3A_260 = arith.constant 0 : i32
        %dma_wait3A_261 = tpu.memref_slice %arg10[%run_scoped3A_192, %dma_wait3A_259, %dma_wait3A_260] : memref<6x128x32xf32, #tpu.memory_space<vmem>> -> memref<1x128x32xf32, #tpu.memory_space<vmem>>
        %dma_wait3A_262 = tpu.memref_squeeze %dma_wait3A_261 : memref<1x128x32xf32, #tpu.memory_space<vmem>> -> memref<128x32xf32, #tpu.memory_space<vmem>>
        %dma_wait3A_263 = arith.constant 0 : i32
        %dma_wait3A_264 = tpu.memref_slice %arg9[%run_scoped3A_193, %dma_wait3A_263] : memref<6x128xi32, #tpu.memory_space<vmem>> -> memref<1x128xi32, #tpu.memory_space<vmem>>
        %dma_wait3A_265 = tpu.memref_squeeze %dma_wait3A_264 : memref<1x128xi32, #tpu.memory_space<vmem>> -> memref<128xi32, #tpu.memory_space<vmem>>
        %dma_wait3A_266 = arith.constant 0 : i32
        %dma_wait3A_267 = arith.constant 0 : i32
        %dma_wait3A_268 = tpu.memref_slice %arg11[%dma_wait3A_266, %dma_wait3A_267] : memref<20224x32xf32, #tpu.memory_space<vmem_shared>> -> memref<20224x32xf32, #tpu.memory_space<vmem_shared>>
        tpu.wait_indirect_dma semaphore(%run_scoped3A_248 : memref<!tpu.dma_semaphore, #tpu.memory_space<semaphore_mem>>) src(%dma_wait3A_262 : memref<128x32xf32, #tpu.memory_space<vmem>>) dst(%dma_wait3A_268 : memref<20224x32xf32, #tpu.memory_space<vmem_shared>>)
        tpu.yield
      }) : () -> ()
      %dma_wait3A_194 = arith.constant 3 : i32
      %dma_wait3A_195 = arith.constant 0 : i32
      %dma_wait3A_196 = arith.constant 0 : i32
      %dma_wait3A_197 = tpu.memref_slice %arg10[%dma_wait3A_194, %dma_wait3A_195, %dma_wait3A_196] : memref<6x128x32xf32, #tpu.memory_space<vmem>> -> memref<1x128x32xf32, #tpu.memory_space<vmem>>
      %dma_wait3A_198 = tpu.memref_squeeze %dma_wait3A_197 : memref<1x128x32xf32, #tpu.memory_space<vmem>> -> memref<128x32xf32, #tpu.memory_space<vmem>>
      %dma_wait3A_199 = arith.constant 384 : i32
      %dma_wait3A_200 = tpu.memref_slice %arg8[%dma_wait3A_199] : memref<768xi32, #tpu.memory_space<vmem>> -> memref<128xi32, #tpu.memory_space<vmem>>
      %dma_wait3A_201 = arith.constant 0 : i32
      %dma_wait3A_202 = arith.constant 0 : i32
      %dma_wait3A_203 = tpu.memref_slice %arg2[%arg0, %dma_wait3A_201, %dma_wait3A_202] : memref<2x10000x32xf32, #tpu.memory_space<hbm>> -> memref<1x10000x32xf32, #tpu.memory_space<hbm>>
      %dma_wait3A_204 = tpu.memref_squeeze %dma_wait3A_203 : memref<1x10000x32xf32, #tpu.memory_space<hbm>> -> memref<10000x32xf32, #tpu.memory_space<hbm>>
      %dma_wait3A_205 = arith.constant 0 : i32
      %dma_wait3A_206 = arith.constant 0 : i32
      %dma_wait3A_207 = tpu.memref_slice %dma_wait3A_204[%dma_wait3A_205, %dma_wait3A_206] : memref<10000x32xf32, #tpu.memory_space<hbm>> -> memref<10000x32xf32, #tpu.memory_space<hbm>>
      %dma_wait3A_208 = tpu.memref_slice %arg13[%scan3A_4] : memref<6x!tpu.dma_semaphore, #tpu.memory_space<semaphore_mem>> -> memref<1x!tpu.dma_semaphore, #tpu.memory_space<semaphore_mem>>
      %dma_wait3A_209 = tpu.memref_squeeze %dma_wait3A_208 : memref<1x!tpu.dma_semaphore, #tpu.memory_space<semaphore_mem>> -> memref<!tpu.dma_semaphore, #tpu.memory_space<semaphore_mem>>
      tpu.wait_indirect_dma semaphore(%dma_wait3A_209 : memref<!tpu.dma_semaphore, #tpu.memory_space<semaphore_mem>>) src(%dma_wait3A_207 : memref<10000x32xf32, #tpu.memory_space<hbm>>) dst(%dma_wait3A_198 : memref<128x32xf32, #tpu.memory_space<vmem>>)
      %run_scoped3A_210 = arith.constant 3 : i32
      %run_scoped3A_211 = arith.constant 3 : i32
      "tpu.region"() ({
        %run_scoped3A_248 = tpu.sem_alloc : memref<!tpu.dma_semaphore, #tpu.memory_space<semaphore_mem>>
        %dma_start3A_249 = arith.constant 0 : i32
        %dma_start3A_250 = arith.constant 0 : i32
        %dma_start3A_251 = tpu.memref_slice %arg10[%run_scoped3A_210, %dma_start3A_249, %dma_start3A_250] : memref<6x128x32xf32, #tpu.memory_space<vmem>> -> memref<1x128x32xf32, #tpu.memory_space<vmem>>
        %dma_start3A_252 = tpu.memref_squeeze %dma_start3A_251 : memref<1x128x32xf32, #tpu.memory_space<vmem>> -> memref<128x32xf32, #tpu.memory_space<vmem>>
        %dma_start3A_253 = arith.constant 0 : i32
        %dma_start3A_254 = tpu.memref_slice %arg9[%run_scoped3A_211, %dma_start3A_253] : memref<6x128xi32, #tpu.memory_space<vmem>> -> memref<1x128xi32, #tpu.memory_space<vmem>>
        %dma_start3A_255 = tpu.memref_squeeze %dma_start3A_254 : memref<1x128xi32, #tpu.memory_space<vmem>> -> memref<128xi32, #tpu.memory_space<vmem>>
        %dma_start3A_256 = arith.constant 0 : i32
        %dma_start3A_257 = arith.constant 0 : i32
        %dma_start3A_258 = tpu.memref_slice %arg11[%dma_start3A_256, %dma_start3A_257] : memref<20224x32xf32, #tpu.memory_space<vmem_shared>> -> memref<20224x32xf32, #tpu.memory_space<vmem_shared>>
        tpu.enqueue_indirect_dma source(%dma_start3A_252 : memref<128x32xf32, #tpu.memory_space<vmem>>) target(%dma_start3A_258 : memref<20224x32xf32, #tpu.memory_space<vmem_shared>>) offsets(%dma_start3A_255 : memref<128xi32, #tpu.memory_space<vmem>>) semaphore(%run_scoped3A_248 : memref<!tpu.dma_semaphore, #tpu.memory_space<semaphore_mem>>) {add = true}
        %dma_wait3A_259 = arith.constant 0 : i32
        %dma_wait3A_260 = arith.constant 0 : i32
        %dma_wait3A_261 = tpu.memref_slice %arg10[%run_scoped3A_210, %dma_wait3A_259, %dma_wait3A_260] : memref<6x128x32xf32, #tpu.memory_space<vmem>> -> memref<1x128x32xf32, #tpu.memory_space<vmem>>
        %dma_wait3A_262 = tpu.memref_squeeze %dma_wait3A_261 : memref<1x128x32xf32, #tpu.memory_space<vmem>> -> memref<128x32xf32, #tpu.memory_space<vmem>>
        %dma_wait3A_263 = arith.constant 0 : i32
        %dma_wait3A_264 = tpu.memref_slice %arg9[%run_scoped3A_211, %dma_wait3A_263] : memref<6x128xi32, #tpu.memory_space<vmem>> -> memref<1x128xi32, #tpu.memory_space<vmem>>
        %dma_wait3A_265 = tpu.memref_squeeze %dma_wait3A_264 : memref<1x128xi32, #tpu.memory_space<vmem>> -> memref<128xi32, #tpu.memory_space<vmem>>
        %dma_wait3A_266 = arith.constant 0 : i32
        %dma_wait3A_267 = arith.constant 0 : i32
        %dma_wait3A_268 = tpu.memref_slice %arg11[%dma_wait3A_266, %dma_wait3A_267] : memref<20224x32xf32, #tpu.memory_space<vmem_shared>> -> memref<20224x32xf32, #tpu.memory_space<vmem_shared>>
        tpu.wait_indirect_dma semaphore(%run_scoped3A_248 : memref<!tpu.dma_semaphore, #tpu.memory_space<semaphore_mem>>) src(%dma_wait3A_262 : memref<128x32xf32, #tpu.memory_space<vmem>>) dst(%dma_wait3A_268 : memref<20224x32xf32, #tpu.memory_space<vmem_shared>>)
        tpu.yield
      }) : () -> ()
      %dma_wait3A_212 = arith.constant 4 : i32
      %dma_wait3A_213 = arith.constant 0 : i32
      %dma_wait3A_214 = arith.constant 0 : i32
      %dma_wait3A_215 = tpu.memref_slice %arg10[%dma_wait3A_212, %dma_wait3A_213, %dma_wait3A_214] : memref<6x128x32xf32, #tpu.memory_space<vmem>> -> memref<1x128x32xf32, #tpu.memory_space<vmem>>
      %dma_wait3A_216 = tpu.memref_squeeze %dma_wait3A_215 : memref<1x128x32xf32, #tpu.memory_space<vmem>> -> memref<128x32xf32, #tpu.memory_space<vmem>>
      %dma_wait3A_217 = arith.constant 512 : i32
      %dma_wait3A_218 = tpu.memref_slice %arg8[%dma_wait3A_217] : memref<768xi32, #tpu.memory_space<vmem>> -> memref<128xi32, #tpu.memory_space<vmem>>
      %dma_wait3A_219 = arith.constant 0 : i32
      %dma_wait3A_220 = arith.constant 0 : i32
      %dma_wait3A_221 = tpu.memref_slice %arg2[%arg0, %dma_wait3A_219, %dma_wait3A_220] : memref<2x10000x32xf32, #tpu.memory_space<hbm>> -> memref<1x10000x32xf32, #tpu.memory_space<hbm>>
      %dma_wait3A_222 = tpu.memref_squeeze %dma_wait3A_221 : memref<1x10000x32xf32, #tpu.memory_space<hbm>> -> memref<10000x32xf32, #tpu.memory_space<hbm>>
      %dma_wait3A_223 = arith.constant 0 : i32
      %dma_wait3A_224 = arith.constant 0 : i32
      %dma_wait3A_225 = tpu.memref_slice %dma_wait3A_222[%dma_wait3A_223, %dma_wait3A_224] : memref<10000x32xf32, #tpu.memory_space<hbm>> -> memref<10000x32xf32, #tpu.memory_space<hbm>>
      %dma_wait3A_226 = tpu.memref_slice %arg13[%scan3A_5] : memref<6x!tpu.dma_semaphore, #tpu.memory_space<semaphore_mem>> -> memref<1x!tpu.dma_semaphore, #tpu.memory_space<semaphore_mem>>
      %dma_wait3A_227 = tpu.memref_squeeze %dma_wait3A_226 : memref<1x!tpu.dma_semaphore, #tpu.memory_space<semaphore_mem>> -> memref<!tpu.dma_semaphore, #tpu.memory_space<semaphore_mem>>
      tpu.wait_indirect_dma semaphore(%dma_wait3A_227 : memref<!tpu.dma_semaphore, #tpu.memory_space<semaphore_mem>>) src(%dma_wait3A_225 : memref<10000x32xf32, #tpu.memory_space<hbm>>) dst(%dma_wait3A_216 : memref<128x32xf32, #tpu.memory_space<vmem>>)
      %run_scoped3A_228 = arith.constant 4 : i32
      %run_scoped3A_229 = arith.constant 4 : i32
      "tpu.region"() ({
        %run_scoped3A_248 = tpu.sem_alloc : memref<!tpu.dma_semaphore, #tpu.memory_space<semaphore_mem>>
        %dma_start3A_249 = arith.constant 0 : i32
        %dma_start3A_250 = arith.constant 0 : i32
        %dma_start3A_251 = tpu.memref_slice %arg10[%run_scoped3A_228, %dma_start3A_249, %dma_start3A_250] : memref<6x128x32xf32, #tpu.memory_space<vmem>> -> memref<1x128x32xf32, #tpu.memory_space<vmem>>
        %dma_start3A_252 = tpu.memref_squeeze %dma_start3A_251 : memref<1x128x32xf32, #tpu.memory_space<vmem>> -> memref<128x32xf32, #tpu.memory_space<vmem>>
        %dma_start3A_253 = arith.constant 0 : i32
        %dma_start3A_254 = tpu.memref_slice %arg9[%run_scoped3A_229, %dma_start3A_253] : memref<6x128xi32, #tpu.memory_space<vmem>> -> memref<1x128xi32, #tpu.memory_space<vmem>>
        %dma_start3A_255 = tpu.memref_squeeze %dma_start3A_254 : memref<1x128xi32, #tpu.memory_space<vmem>> -> memref<128xi32, #tpu.memory_space<vmem>>
        %dma_start3A_256 = arith.constant 0 : i32
        %dma_start3A_257 = arith.constant 0 : i32
        %dma_start3A_258 = tpu.memref_slice %arg11[%dma_start3A_256, %dma_start3A_257] : memref<20224x32xf32, #tpu.memory_space<vmem_shared>> -> memref<20224x32xf32, #tpu.memory_space<vmem_shared>>
        tpu.enqueue_indirect_dma source(%dma_start3A_252 : memref<128x32xf32, #tpu.memory_space<vmem>>) target(%dma_start3A_258 : memref<20224x32xf32, #tpu.memory_space<vmem_shared>>) offsets(%dma_start3A_255 : memref<128xi32, #tpu.memory_space<vmem>>) semaphore(%run_scoped3A_248 : memref<!tpu.dma_semaphore, #tpu.memory_space<semaphore_mem>>) {add = true}
        %dma_wait3A_259 = arith.constant 0 : i32
        %dma_wait3A_260 = arith.constant 0 : i32
        %dma_wait3A_261 = tpu.memref_slice %arg10[%run_scoped3A_228, %dma_wait3A_259, %dma_wait3A_260] : memref<6x128x32xf32, #tpu.memory_space<vmem>> -> memref<1x128x32xf32, #tpu.memory_space<vmem>>
        %dma_wait3A_262 = tpu.memref_squeeze %dma_wait3A_261 : memref<1x128x32xf32, #tpu.memory_space<vmem>> -> memref<128x32xf32, #tpu.memory_space<vmem>>
        %dma_wait3A_263 = arith.constant 0 : i32
        %dma_wait3A_264 = tpu.memref_slice %arg9[%run_scoped3A_229, %dma_wait3A_263] : memref<6x128xi32, #tpu.memory_space<vmem>> -> memref<1x128xi32, #tpu.memory_space<vmem>>
        %dma_wait3A_265 = tpu.memref_squeeze %dma_wait3A_264 : memref<1x128xi32, #tpu.memory_space<vmem>> -> memref<128xi32, #tpu.memory_space<vmem>>
        %dma_wait3A_266 = arith.constant 0 : i32
        %dma_wait3A_267 = arith.constant 0 : i32
        %dma_wait3A_268 = tpu.memref_slice %arg11[%dma_wait3A_266, %dma_wait3A_267] : memref<20224x32xf32, #tpu.memory_space<vmem_shared>> -> memref<20224x32xf32, #tpu.memory_space<vmem_shared>>
        tpu.wait_indirect_dma semaphore(%run_scoped3A_248 : memref<!tpu.dma_semaphore, #tpu.memory_space<semaphore_mem>>) src(%dma_wait3A_262 : memref<128x32xf32, #tpu.memory_space<vmem>>) dst(%dma_wait3A_268 : memref<20224x32xf32, #tpu.memory_space<vmem_shared>>)
        tpu.yield
      }) : () -> ()
      %dma_wait3A_230 = arith.constant 5 : i32
      %dma_wait3A_231 = arith.constant 0 : i32
      %dma_wait3A_232 = arith.constant 0 : i32
      %dma_wait3A_233 = tpu.memref_slice %arg10[%dma_wait3A_230, %dma_wait3A_231, %dma_wait3A_232] : memref<6x128x32xf32, #tpu.memory_space<vmem>> -> memref<1x128x32xf32, #tpu.memory_space<vmem>>
      %dma_wait3A_234 = tpu.memref_squeeze %dma_wait3A_233 : memref<1x128x32xf32, #tpu.memory_space<vmem>> -> memref<128x32xf32, #tpu.memory_space<vmem>>
      %dma_wait3A_235 = arith.constant 640 : i32
      %dma_wait3A_236 = tpu.memref_slice %arg8[%dma_wait3A_235] : memref<768xi32, #tpu.memory_space<vmem>> -> memref<128xi32, #tpu.memory_space<vmem>>
      %dma_wait3A_237 = arith.constant 0 : i32
      %dma_wait3A_238 = arith.constant 0 : i32
      %dma_wait3A_239 = tpu.memref_slice %arg2[%arg0, %dma_wait3A_237, %dma_wait3A_238] : memref<2x10000x32xf32, #tpu.memory_space<hbm>> -> memref<1x10000x32xf32, #tpu.memory_space<hbm>>
      %dma_wait3A_240 = tpu.memref_squeeze %dma_wait3A_239 : memref<1x10000x32xf32, #tpu.memory_space<hbm>> -> memref<10000x32xf32, #tpu.memory_space<hbm>>
      %dma_wait3A_241 = arith.constant 0 : i32
      %dma_wait3A_242 = arith.constant 0 : i32
      %dma_wait3A_243 = tpu.memref_slice %dma_wait3A_240[%dma_wait3A_241, %dma_wait3A_242] : memref<10000x32xf32, #tpu.memory_space<hbm>> -> memref<10000x32xf32, #tpu.memory_space<hbm>>
      %dma_wait3A_244 = tpu.memref_slice %arg13[%scan3A_6] : memref<6x!tpu.dma_semaphore, #tpu.memory_space<semaphore_mem>> -> memref<1x!tpu.dma_semaphore, #tpu.memory_space<semaphore_mem>>
      %dma_wait3A_245 = tpu.memref_squeeze %dma_wait3A_244 : memref<1x!tpu.dma_semaphore, #tpu.memory_space<semaphore_mem>> -> memref<!tpu.dma_semaphore, #tpu.memory_space<semaphore_mem>>
      tpu.wait_indirect_dma semaphore(%dma_wait3A_245 : memref<!tpu.dma_semaphore, #tpu.memory_space<semaphore_mem>>) src(%dma_wait3A_243 : memref<10000x32xf32, #tpu.memory_space<hbm>>) dst(%dma_wait3A_234 : memref<128x32xf32, #tpu.memory_space<vmem>>)
      %run_scoped3A_246 = arith.constant 5 : i32
      %run_scoped3A_247 = arith.constant 5 : i32
      "tpu.region"() ({
        %run_scoped3A_248 = tpu.sem_alloc : memref<!tpu.dma_semaphore, #tpu.memory_space<semaphore_mem>>
        %dma_start3A_249 = arith.constant 0 : i32
        %dma_start3A_250 = arith.constant 0 : i32
        %dma_start3A_251 = tpu.memref_slice %arg10[%run_scoped3A_246, %dma_start3A_249, %dma_start3A_250] : memref<6x128x32xf32, #tpu.memory_space<vmem>> -> memref<1x128x32xf32, #tpu.memory_space<vmem>>
        %dma_start3A_252 = tpu.memref_squeeze %dma_start3A_251 : memref<1x128x32xf32, #tpu.memory_space<vmem>> -> memref<128x32xf32, #tpu.memory_space<vmem>>
        %dma_start3A_253 = arith.constant 0 : i32
        %dma_start3A_254 = tpu.memref_slice %arg9[%run_scoped3A_247, %dma_start3A_253] : memref<6x128xi32, #tpu.memory_space<vmem>> -> memref<1x128xi32, #tpu.memory_space<vmem>>
        %dma_start3A_255 = tpu.memref_squeeze %dma_start3A_254 : memref<1x128xi32, #tpu.memory_space<vmem>> -> memref<128xi32, #tpu.memory_space<vmem>>
        %dma_start3A_256 = arith.constant 0 : i32
        %dma_start3A_257 = arith.constant 0 : i32
        %dma_start3A_258 = tpu.memref_slice %arg11[%dma_start3A_256, %dma_start3A_257] : memref<20224x32xf32, #tpu.memory_space<vmem_shared>> -> memref<20224x32xf32, #tpu.memory_space<vmem_shared>>
        tpu.enqueue_indirect_dma source(%dma_start3A_252 : memref<128x32xf32, #tpu.memory_space<vmem>>) target(%dma_start3A_258 : memref<20224x32xf32, #tpu.memory_space<vmem_shared>>) offsets(%dma_start3A_255 : memref<128xi32, #tpu.memory_space<vmem>>) semaphore(%run_scoped3A_248 : memref<!tpu.dma_semaphore, #tpu.memory_space<semaphore_mem>>) {add = true}
        %dma_wait3A_259 = arith.constant 0 : i32
        %dma_wait3A_260 = arith.constant 0 : i32
        %dma_wait3A_261 = tpu.memref_slice %arg10[%run_scoped3A_246, %dma_wait3A_259, %dma_wait3A_260] : memref<6x128x32xf32, #tpu.memory_space<vmem>> -> memref<1x128x32xf32, #tpu.memory_space<vmem>>
        %dma_wait3A_262 = tpu.memref_squeeze %dma_wait3A_261 : memref<1x128x32xf32, #tpu.memory_space<vmem>> -> memref<128x32xf32, #tpu.memory_space<vmem>>
        %dma_wait3A_263 = arith.constant 0 : i32
        %dma_wait3A_264 = tpu.memref_slice %arg9[%run_scoped3A_247, %dma_wait3A_263] : memref<6x128xi32, #tpu.memory_space<vmem>> -> memref<1x128xi32, #tpu.memory_space<vmem>>
        %dma_wait3A_265 = tpu.memref_squeeze %dma_wait3A_264 : memref<1x128xi32, #tpu.memory_space<vmem>> -> memref<128xi32, #tpu.memory_space<vmem>>
        %dma_wait3A_266 = arith.constant 0 : i32
        %dma_wait3A_267 = arith.constant 0 : i32
        %dma_wait3A_268 = tpu.memref_slice %arg11[%dma_wait3A_266, %dma_wait3A_267] : memref<20224x32xf32, #tpu.memory_space<vmem_shared>> -> memref<20224x32xf32, #tpu.memory_space<vmem_shared>>
        tpu.wait_indirect_dma semaphore(%run_scoped3A_248 : memref<!tpu.dma_semaphore, #tpu.memory_space<semaphore_mem>>) src(%dma_wait3A_262 : memref<128x32xf32, #tpu.memory_space<vmem>>) dst(%dma_wait3A_268 : memref<20224x32xf32, #tpu.memory_space<vmem_shared>>)
        tpu.yield
      }) : () -> ()
    }
    %scan3A_11 = arith.constant 26 : i32
    %lt3A = arith.constant 4 : i32
    %lt3A_12 = arith.cmpi slt, %arg1, %lt3A : i32
    %convert_element_type3A = arith.extui %lt3A_12 : i1 to i32
    %cond3A = arith.constant 0 : i32
    %cond3A_13 = arith.constant 0 : i32
    %cond3A_14 = arith.cmpi ne, %convert_element_type3A, %cond3A_13 : i32
    scf.if %cond3A_14 {
      %add3A = arith.constant 2496 : i32
      %add3A_16 = arith.addi %add3A, %arg1 : i32
      %mul3A_17 = arith.constant 128 : i32
      %mul3A_18 = arith.muli %add3A_16, %mul3A_17 : i32
      %multiple_of3A_19 = tpu.assume_multiple %mul3A_18, 8 : i32
      "tpu.region"() ({
        %run_scoped3A_52 = tpu.sem_alloc : memref<!tpu.dma_semaphore, #tpu.memory_space<semaphore_mem>>
        %dma_start3A_53 = arith.constant 0 : i32
        %dma_start3A_54 = tpu.memref_slice %arg8[%dma_start3A_53] : memref<768xi32, #tpu.memory_space<vmem>> -> memref<128xi32, #tpu.memory_space<vmem>>
        %dma_start3A_55 = tpu.memref_slice %arg3[%multiple_of3A_19] : memref<320000xi32, #tpu.memory_space<hbm>> -> memref<128xi32, #tpu.memory_space<hbm>>
        %dma_start3A_56 = arith.constant 0 : i32
        %dma_start3A_57 = tpu.memref_slice %arg8[%dma_start3A_56] : memref<768xi32, #tpu.memory_space<vmem>> -> memref<128xi32, #tpu.memory_space<vmem>>
        %dma_start3A_58 = tpu.memref_slice %arg3[%multiple_of3A_19] : memref<320000xi32, #tpu.memory_space<hbm>> -> memref<128xi32, #tpu.memory_space<hbm>>
        tpu.enqueue_dma source(%dma_start3A_58 : memref<128xi32, #tpu.memory_space<hbm>>) target(%dma_start3A_57 : memref<128xi32, #tpu.memory_space<vmem>>) target_semaphore(%run_scoped3A_52 : memref<!tpu.dma_semaphore, #tpu.memory_space<semaphore_mem>>)
        %dma_wait3A_59 = arith.constant 0 : i32
        %dma_wait3A_60 = tpu.memref_slice %arg8[%dma_wait3A_59] : memref<768xi32, #tpu.memory_space<vmem>> -> memref<128xi32, #tpu.memory_space<vmem>>
        %dma_wait3A_61 = tpu.memref_slice %arg3[%multiple_of3A_19] : memref<320000xi32, #tpu.memory_space<hbm>> -> memref<128xi32, #tpu.memory_space<hbm>>
        %dma_wait3A_62 = arith.constant 0 : i32
        %dma_wait3A_63 = tpu.memref_slice %arg8[%dma_wait3A_62] : memref<768xi32, #tpu.memory_space<vmem>> -> memref<128xi32, #tpu.memory_space<vmem>>
        %dma_wait3A_64 = tpu.memref_slice %arg3[%multiple_of3A_19] : memref<320000xi32, #tpu.memory_space<hbm>> -> memref<128xi32, #tpu.memory_space<hbm>>
        tpu.wait_dma2 semaphore(%run_scoped3A_52 : memref<!tpu.dma_semaphore, #tpu.memory_space<semaphore_mem>>) src(%dma_wait3A_64 : memref<128xi32, #tpu.memory_space<hbm>>) dst(%dma_wait3A_63 : memref<128xi32, #tpu.memory_space<vmem>>)
        tpu.yield
      }) : () -> ()
      %run_scoped3A = arith.constant 0 : i32
      "tpu.region"() ({
        %run_scoped3A_52 = tpu.sem_alloc : memref<!tpu.dma_semaphore, #tpu.memory_space<semaphore_mem>>
        %dma_start3A_53 = arith.constant 0 : i32
        %dma_start3A_54 = tpu.memref_slice %arg9[%run_scoped3A, %dma_start3A_53] : memref<6x128xi32, #tpu.memory_space<vmem>> -> memref<1x128xi32, #tpu.memory_space<vmem>>
        %dma_start3A_55 = tpu.memref_squeeze %dma_start3A_54 : memref<1x128xi32, #tpu.memory_space<vmem>> -> memref<128xi32, #tpu.memory_space<vmem>>
        %dma_start3A_56 = arith.constant 0 : i32
        %dma_start3A_57 = tpu.memref_slice %arg5[%add3A_16, %dma_start3A_56] : memref<2560x128xi32, #tpu.memory_space<hbm>> -> memref<1x128xi32, #tpu.memory_space<hbm>>
        %dma_start3A_58 = tpu.memref_squeeze %dma_start3A_57 : memref<1x128xi32, #tpu.memory_space<hbm>> -> memref<128xi32, #tpu.memory_space<hbm>>
        %dma_start3A_59 = arith.constant 0 : i32
        %dma_start3A_60 = tpu.memref_slice %arg9[%run_scoped3A, %dma_start3A_59] : memref<6x128xi32, #tpu.memory_space<vmem>> -> memref<1x128xi32, #tpu.memory_space<vmem>>
        %dma_start3A_61 = tpu.memref_squeeze %dma_start3A_60 : memref<1x128xi32, #tpu.memory_space<vmem>> -> memref<128xi32, #tpu.memory_space<vmem>>
        %dma_start3A_62 = arith.constant 0 : i32
        %dma_start3A_63 = tpu.memref_slice %arg5[%add3A_16, %dma_start3A_62] : memref<2560x128xi32, #tpu.memory_space<hbm>> -> memref<1x128xi32, #tpu.memory_space<hbm>>
        %dma_start3A_64 = tpu.memref_squeeze %dma_start3A_63 : memref<1x128xi32, #tpu.memory_space<hbm>> -> memref<128xi32, #tpu.memory_space<hbm>>
        tpu.enqueue_dma source(%dma_start3A_64 : memref<128xi32, #tpu.memory_space<hbm>>) target(%dma_start3A_61 : memref<128xi32, #tpu.memory_space<vmem>>) target_semaphore(%run_scoped3A_52 : memref<!tpu.dma_semaphore, #tpu.memory_space<semaphore_mem>>)
        %dma_wait3A_65 = arith.constant 0 : i32
        %dma_wait3A_66 = tpu.memref_slice %arg9[%run_scoped3A, %dma_wait3A_65] : memref<6x128xi32, #tpu.memory_space<vmem>> -> memref<1x128xi32, #tpu.memory_space<vmem>>
        %dma_wait3A_67 = tpu.memref_squeeze %dma_wait3A_66 : memref<1x128xi32, #tpu.memory_space<vmem>> -> memref<128xi32, #tpu.memory_space<vmem>>
        %dma_wait3A_68 = arith.constant 0 : i32
        %dma_wait3A_69 = tpu.memref_slice %arg5[%add3A_16, %dma_wait3A_68] : memref<2560x128xi32, #tpu.memory_space<hbm>> -> memref<1x128xi32, #tpu.memory_space<hbm>>
        %dma_wait3A_70 = tpu.memref_squeeze %dma_wait3A_69 : memref<1x128xi32, #tpu.memory_space<hbm>> -> memref<128xi32, #tpu.memory_space<hbm>>
        %dma_wait3A_71 = arith.constant 0 : i32
        %dma_wait3A_72 = tpu.memref_slice %arg9[%run_scoped3A, %dma_wait3A_71] : memref<6x128xi32, #tpu.memory_space<vmem>> -> memref<1x128xi32, #tpu.memory_space<vmem>>
        %dma_wait3A_73 = tpu.memref_squeeze %dma_wait3A_72 : memref<1x128xi32, #tpu.memory_space<vmem>> -> memref<128xi32, #tpu.memory_space<vmem>>
        %dma_wait3A_74 = arith.constant 0 : i32
        %dma_wait3A_75 = tpu.memref_slice %arg5[%add3A_16, %dma_wait3A_74] : memref<2560x128xi32, #tpu.memory_space<hbm>> -> memref<1x128xi32, #tpu.memory_space<hbm>>
        %dma_wait3A_76 = tpu.memref_squeeze %dma_wait3A_75 : memref<1x128xi32, #tpu.memory_space<hbm>> -> memref<128xi32, #tpu.memory_space<hbm>>
        tpu.wait_dma2 semaphore(%run_scoped3A_52 : memref<!tpu.dma_semaphore, #tpu.memory_space<semaphore_mem>>) src(%dma_wait3A_76 : memref<128xi32, #tpu.memory_space<hbm>>) dst(%dma_wait3A_73 : memref<128xi32, #tpu.memory_space<vmem>>)
        tpu.yield
      }) : () -> ()
      %dma_start3A = arith.constant 0 : i32
      %dma_start3A_20 = arith.constant 0 : i32
      %dma_start3A_21 = arith.constant 0 : i32
      %dma_start3A_22 = tpu.memref_slice %arg10[%dma_start3A, %dma_start3A_20, %dma_start3A_21] : memref<6x128x32xf32, #tpu.memory_space<vmem>> -> memref<1x128x32xf32, #tpu.memory_space<vmem>>
      %dma_start3A_23 = tpu.memref_squeeze %dma_start3A_22 : memref<1x128x32xf32, #tpu.memory_space<vmem>> -> memref<128x32xf32, #tpu.memory_space<vmem>>
      %dma_start3A_24 = arith.constant 0 : i32
      %dma_start3A_25 = tpu.memref_slice %arg8[%dma_start3A_24] : memref<768xi32, #tpu.memory_space<vmem>> -> memref<128xi32, #tpu.memory_space<vmem>>
      %dma_start3A_26 = arith.constant 0 : i32
      %dma_start3A_27 = arith.constant 0 : i32
      %dma_start3A_28 = tpu.memref_slice %arg2[%arg0, %dma_start3A_26, %dma_start3A_27] : memref<2x10000x32xf32, #tpu.memory_space<hbm>> -> memref<1x10000x32xf32, #tpu.memory_space<hbm>>
      %dma_start3A_29 = tpu.memref_squeeze %dma_start3A_28 : memref<1x10000x32xf32, #tpu.memory_space<hbm>> -> memref<10000x32xf32, #tpu.memory_space<hbm>>
      %dma_start3A_30 = arith.constant 0 : i32
      %dma_start3A_31 = arith.constant 0 : i32
      %dma_start3A_32 = tpu.memref_slice %dma_start3A_29[%dma_start3A_30, %dma_start3A_31] : memref<10000x32xf32, #tpu.memory_space<hbm>> -> memref<10000x32xf32, #tpu.memory_space<hbm>>
      %dma_start3A_33 = tpu.memref_slice %arg13[%cond3A] : memref<6x!tpu.dma_semaphore, #tpu.memory_space<semaphore_mem>> -> memref<1x!tpu.dma_semaphore, #tpu.memory_space<semaphore_mem>>
      %dma_start3A_34 = tpu.memref_squeeze %dma_start3A_33 : memref<1x!tpu.dma_semaphore, #tpu.memory_space<semaphore_mem>> -> memref<!tpu.dma_semaphore, #tpu.memory_space<semaphore_mem>>
      tpu.enqueue_indirect_dma source(%dma_start3A_32 : memref<10000x32xf32, #tpu.memory_space<hbm>>) target(%dma_start3A_23 : memref<128x32xf32, #tpu.memory_space<vmem>>) offsets(%dma_start3A_25 : memref<128xi32, #tpu.memory_space<vmem>>) semaphore(%dma_start3A_34 : memref<!tpu.dma_semaphore, #tpu.memory_space<semaphore_mem>>)
      %dma_wait3A = arith.constant 0 : i32
      %dma_wait3A_35 = arith.constant 0 : i32
      %dma_wait3A_36 = arith.constant 0 : i32
      %dma_wait3A_37 = tpu.memref_slice %arg10[%dma_wait3A, %dma_wait3A_35, %dma_wait3A_36] : memref<6x128x32xf32, #tpu.memory_space<vmem>> -> memref<1x128x32xf32, #tpu.memory_space<vmem>>
      %dma_wait3A_38 = tpu.memref_squeeze %dma_wait3A_37 : memref<1x128x32xf32, #tpu.memory_space<vmem>> -> memref<128x32xf32, #tpu.memory_space<vmem>>
      %dma_wait3A_39 = arith.constant 0 : i32
      %dma_wait3A_40 = tpu.memref_slice %arg8[%dma_wait3A_39] : memref<768xi32, #tpu.memory_space<vmem>> -> memref<128xi32, #tpu.memory_space<vmem>>
      %dma_wait3A_41 = arith.constant 0 : i32
      %dma_wait3A_42 = arith.constant 0 : i32
      %dma_wait3A_43 = tpu.memref_slice %arg2[%arg0, %dma_wait3A_41, %dma_wait3A_42] : memref<2x10000x32xf32, #tpu.memory_space<hbm>> -> memref<1x10000x32xf32, #tpu.memory_space<hbm>>
      %dma_wait3A_44 = tpu.memref_squeeze %dma_wait3A_43 : memref<1x10000x32xf32, #tpu.memory_space<hbm>> -> memref<10000x32xf32, #tpu.memory_space<hbm>>
      %dma_wait3A_45 = arith.constant 0 : i32
      %dma_wait3A_46 = arith.constant 0 : i32
      %dma_wait3A_47 = tpu.memref_slice %dma_wait3A_44[%dma_wait3A_45, %dma_wait3A_46] : memref<10000x32xf32, #tpu.memory_space<hbm>> -> memref<10000x32xf32, #tpu.memory_space<hbm>>
      %dma_wait3A_48 = tpu.memref_slice %arg13[%cond3A] : memref<6x!tpu.dma_semaphore, #tpu.memory_space<semaphore_mem>> -> memref<1x!tpu.dma_semaphore, #tpu.memory_space<semaphore_mem>>
      %dma_wait3A_49 = tpu.memref_squeeze %dma_wait3A_48 : memref<1x!tpu.dma_semaphore, #tpu.memory_space<semaphore_mem>> -> memref<!tpu.dma_semaphore, #tpu.memory_space<semaphore_mem>>
      tpu.wait_indirect_dma semaphore(%dma_wait3A_49 : memref<!tpu.dma_semaphore, #tpu.memory_space<semaphore_mem>>) src(%dma_wait3A_47 : memref<10000x32xf32, #tpu.memory_space<hbm>>) dst(%dma_wait3A_38 : memref<128x32xf32, #tpu.memory_space<vmem>>)
      %run_scoped3A_50 = arith.constant 0 : i32
      %run_scoped3A_51 = arith.constant 0 : i32
      "tpu.region"() ({
        %run_scoped3A_52 = tpu.sem_alloc : memref<!tpu.dma_semaphore, #tpu.memory_space<semaphore_mem>>
        %dma_start3A_53 = arith.constant 0 : i32
        %dma_start3A_54 = arith.constant 0 : i32
        %dma_start3A_55 = tpu.memref_slice %arg10[%run_scoped3A_50, %dma_start3A_53, %dma_start3A_54] : memref<6x128x32xf32, #tpu.memory_space<vmem>> -> memref<1x128x32xf32, #tpu.memory_space<vmem>>
        %dma_start3A_56 = tpu.memref_squeeze %dma_start3A_55 : memref<1x128x32xf32, #tpu.memory_space<vmem>> -> memref<128x32xf32, #tpu.memory_space<vmem>>
        %dma_start3A_57 = arith.constant 0 : i32
        %dma_start3A_58 = tpu.memref_slice %arg9[%run_scoped3A_51, %dma_start3A_57] : memref<6x128xi32, #tpu.memory_space<vmem>> -> memref<1x128xi32, #tpu.memory_space<vmem>>
        %dma_start3A_59 = tpu.memref_squeeze %dma_start3A_58 : memref<1x128xi32, #tpu.memory_space<vmem>> -> memref<128xi32, #tpu.memory_space<vmem>>
        %dma_start3A_60 = arith.constant 0 : i32
        %dma_start3A_61 = arith.constant 0 : i32
        %dma_start3A_62 = tpu.memref_slice %arg11[%dma_start3A_60, %dma_start3A_61] : memref<20224x32xf32, #tpu.memory_space<vmem_shared>> -> memref<20224x32xf32, #tpu.memory_space<vmem_shared>>
        tpu.enqueue_indirect_dma source(%dma_start3A_56 : memref<128x32xf32, #tpu.memory_space<vmem>>) target(%dma_start3A_62 : memref<20224x32xf32, #tpu.memory_space<vmem_shared>>) offsets(%dma_start3A_59 : memref<128xi32, #tpu.memory_space<vmem>>) semaphore(%run_scoped3A_52 : memref<!tpu.dma_semaphore, #tpu.memory_space<semaphore_mem>>) {add = true}
        %dma_wait3A_63 = arith.constant 0 : i32
        %dma_wait3A_64 = arith.constant 0 : i32
        %dma_wait3A_65 = tpu.memref_slice %arg10[%run_scoped3A_50, %dma_wait3A_63, %dma_wait3A_64] : memref<6x128x32xf32, #tpu.memory_space<vmem>> -> memref<1x128x32xf32, #tpu.memory_space<vmem>>
        %dma_wait3A_66 = tpu.memref_squeeze %dma_wait3A_65 : memref<1x128x32xf32, #tpu.memory_space<vmem>> -> memref<128x32xf32, #tpu.memory_space<vmem>>
        %dma_wait3A_67 = arith.constant 0 : i32
        %dma_wait3A_68 = tpu.memref_slice %arg9[%run_scoped3A_51, %dma_wait3A_67] : memref<6x128xi32, #tpu.memory_space<vmem>> -> memref<1x128xi32, #tpu.memory_space<vmem>>
        %dma_wait3A_69 = tpu.memref_squeeze %dma_wait3A_68 : memref<1x128xi32, #tpu.memory_space<vmem>> -> memref<128xi32, #tpu.memory_space<vmem>>
        %dma_wait3A_70 = arith.constant 0 : i32
        %dma_wait3A_71 = arith.constant 0 : i32
        %dma_wait3A_72 = tpu.memref_slice %arg11[%dma_wait3A_70, %dma_wait3A_71] : memref<20224x32xf32, #tpu.memory_space<vmem_shared>> -> memref<20224x32xf32, #tpu.memory_space<vmem_shared>>
        tpu.wait_indirect_dma semaphore(%run_scoped3A_52 : memref<!tpu.dma_semaphore, #tpu.memory_space<semaphore_mem>>) src(%dma_wait3A_66 : memref<128x32xf32, #tpu.memory_space<vmem>>) dst(%dma_wait3A_72 : memref<20224x32xf32, #tpu.memory_space<vmem_shared>>)
        tpu.yield
      }) : () -> ()
    } else {
    }
    %barrier3A_15 = arith.constant 0 : index
    tpu.barrier barrier_id(%barrier3A_15)
    "tpu.region"() ({
      %run_scoped3A = tpu.sem_alloc : memref<!tpu.dma_semaphore, #tpu.memory_space<semaphore_mem>>
      %dma_start3A = arith.constant 0 : i32
      %dma_start3A_16 = tpu.memref_slice %arg7[%arg0, %multiple_of3A, %dma_start3A] : memref<2x20224x32xf32, #tpu.memory_space<hbm>> -> memref<1x1264x32xf32, #tpu.memory_space<hbm>>
      %dma_start3A_17 = tpu.memref_squeeze %dma_start3A_16 : memref<1x1264x32xf32, #tpu.memory_space<hbm>> -> memref<1264x32xf32, #tpu.memory_space<hbm>>
      %dma_start3A_18 = arith.constant 0 : i32
      %dma_start3A_19 = tpu.memref_slice %arg11[%multiple_of3A, %dma_start3A_18] : memref<20224x32xf32, #tpu.memory_space<vmem_shared>> -> memref<1264x32xf32, #tpu.memory_space<vmem_shared>>
      tpu.enqueue_dma source(%dma_start3A_19 : memref<1264x32xf32, #tpu.memory_space<vmem_shared>>) target(%dma_start3A_17 : memref<1264x32xf32, #tpu.memory_space<hbm>>) target_semaphore(%run_scoped3A : memref<!tpu.dma_semaphore, #tpu.memory_space<semaphore_mem>>)
      %dma_wait3A = arith.constant 0 : i32
      %dma_wait3A_20 = tpu.memref_slice %arg7[%arg0, %multiple_of3A, %dma_wait3A] : memref<2x20224x32xf32, #tpu.memory_space<hbm>> -> memref<1x1264x32xf32, #tpu.memory_space<hbm>>
      %dma_wait3A_21 = tpu.memref_squeeze %dma_wait3A_20 : memref<1x1264x32xf32, #tpu.memory_space<hbm>> -> memref<1264x32xf32, #tpu.memory_space<hbm>>
      %dma_wait3A_22 = arith.constant 0 : i32
      %dma_wait3A_23 = tpu.memref_slice %arg11[%multiple_of3A, %dma_wait3A_22] : memref<20224x32xf32, #tpu.memory_space<vmem_shared>> -> memref<1264x32xf32, #tpu.memory_space<vmem_shared>>
      tpu.wait_dma2 semaphore(%run_scoped3A : memref<!tpu.dma_semaphore, #tpu.memory_space<semaphore_mem>>) src(%dma_wait3A_23 : memref<1264x32xf32, #tpu.memory_space<vmem_shared>>) dst(%dma_wait3A_21 : memref<1264x32xf32, #tpu.memory_space<hbm>>)
      tpu.yield
    }) : () -> ()
    return
  }
}

module attributes {stable_mosaic.version = 14 : i64} {
  func.func @_didx_body(%arg0: i32, %arg1: memref<64x128xi32, #tpu.memory_space<vmem>>, %arg2: memref<64x128xi32, #tpu.memory_space<vmem>>) attributes {dimension_semantics = [#tpu.dimension_semantics<arbitrary>], iteration_bounds = array<i64: 40>, scalar_prefetch = 0 : i64, scratch_operands = 0 : i64, tpu.core_type = #tpu.core_type<tc>, window_params = [{transform_indices = @transform_0, window_bounds = array<i64: 64, 128>}, {transform_indices = @transform_1, window_bounds = array<i64: 64, 128>}]} {
    %get3A = arith.constant 0 : index
    %get3A_0 = arith.constant 0 : index
    %get3A_1 = vector.load %arg1[%get3A, %get3A_0] : memref<64x128xi32, #tpu.memory_space<vmem>>, vector<64x128xi32>
    %broadcast_in_dim3A = vector.shape_cast %get3A_1 : vector<64x128xi32> to vector<64x128x1xi32>
    %broadcast_in_dim3A_2 = vector.shape_cast %get3A_1 : vector<64x128xi32> to vector<64x1x128xi32>
    %iota3A = tpu.iota {dimensions = array<i32: 1>} : vector<64x128x128xi32>
    %iota3A_3 = tpu.iota {dimensions = array<i32: 2>} : vector<64x128x128xi32>
    %eq3A = vector.broadcast %broadcast_in_dim3A : vector<64x128x1xi32> to vector<64x128x128xi32>
    %eq3A_4 = vector.broadcast %broadcast_in_dim3A_2 : vector<64x1x128xi32> to vector<64x128x128xi32>
    %eq3A_5 = arith.cmpi eq, %eq3A, %eq3A_4 : vector<64x128x128xi32>
    %lt3A = arith.cmpi slt, %iota3A_3, %iota3A : vector<64x128x128xi32>
    %and3A = arith.andi %eq3A_5, %lt3A : vector<64x128x128xi1>
    %convert_element_type3A = arith.extui %and3A : vector<64x128x128xi1> to vector<64x128x128xi32>
    %reduce_max3A = arith.constant dense<-2147483648> : vector<64x128xi32>
    %reduce_max3A_6 = vector.multi_reduction <maxsi>, %convert_element_type3A, %reduce_max3A [2] : vector<64x128x128xi32> to vector<64x128xi32>
    %mul3A = arith.constant 10112 : i32
    %mul3A_7 = vector.broadcast %mul3A : i32 to vector<64x128xi32>
    %mul3A_8 = arith.muli %reduce_max3A_6, %mul3A_7 : vector<64x128xi32>
    %add3A = arith.addi %get3A_1, %mul3A_8 : vector<64x128xi32>
    %swap3A = arith.constant 0 : index
    %swap3A_9 = arith.constant 0 : index
    %swap3A_10 = vector.load %arg2[%swap3A, %swap3A_9] : memref<64x128xi32, #tpu.memory_space<vmem>>, vector<64x128xi32>
    tpu.vector_store %arg2[%swap3A, %swap3A_9], %add3A {strides = array<i32>} : memref<64x128xi32, #tpu.memory_space<vmem>>, vector<64x128xi32>,
    return
  }
  func.func @transform_0(%arg0: i32) -> (i32, i32) {
    %c0_i32 = arith.constant 0 : i32
    %c0_i32_0 = arith.constant 0 : i32
    return %arg0, %c0_i32 : i32, i32
  }
  func.func @transform_1(%arg0: i32) -> (i32, i32) {
    %c0_i32 = arith.constant 0 : i32
    %c0_i32_0 = arith.constant 0 : i32
    return %arg0, %c0_i32 : i32, i32
  }
}

module attributes {stable_mosaic.version = 14 : i64} {
  func.func @_mlp1_body(%arg0: i32, %arg1: memref<2000x128xf32, #tpu.memory_space<vmem>>, %arg2: memref<2x2x2000x64xf32, #tpu.memory_space<vmem>>, %arg3: memref<8x64xf32, #tpu.memory_space<vmem>>, %arg4: memref<128x64xf32, #tpu.memory_space<vmem>>, %arg5: memref<64x64xf32, #tpu.memory_space<vmem>>, %arg6: memref<2000x64xf32, #tpu.memory_space<vmem>>) attributes {dimension_semantics = [#tpu.dimension_semantics<arbitrary>], iteration_bounds = array<i64: 5>, scalar_prefetch = 0 : i64, scratch_operands = 0 : i64, tpu.core_type = #tpu.core_type<tc>, window_params = [{transform_indices = @transform_0, window_bounds = array<i64: 2000, 128>}, {transform_indices = @transform_1, window_bounds = array<i64: 2, 2, 2000, 64>}, {pipeline_mode = #tpu.pipeline_mode<synchronous>, transform_indices = @transform_2, window_bounds = array<i64: 8, 64>}, {pipeline_mode = #tpu.pipeline_mode<synchronous>, transform_indices = @transform_3, window_bounds = array<i64: 128, 64>}, {pipeline_mode = #tpu.pipeline_mode<synchronous>, transform_indices = @transform_4, window_bounds = array<i64: 64, 64>}, {transform_indices = @transform_5, window_bounds = array<i64: 2000, 64>}]} {
    %get3A = arith.constant 0 : index
    %get3A_0 = arith.constant 0 : index
    %get3A_1 = vector.load %arg3[%get3A, %get3A_0] : memref<8x64xf32, #tpu.memory_space<vmem>>, vector<8x64xf32>
    %get3A_2 = arith.constant 0 : index
    %get3A_3 = arith.constant 0 : index
    %get3A_4 = arith.constant 0 : index
    %get3A_5 = arith.constant 0 : index
    %get3A_6 = vector.load %arg2[%get3A_2, %get3A_3, %get3A_4, %get3A_5] : memref<2x2x2000x64xf32, #tpu.memory_space<vmem>>, vector<2x2x2000x64xf32>
    %slice3A = vector.extract_strided_slice %get3A_6 {offsets = [0, 0, 0, 0], sizes = [1, 1, 2000, 64], strides = [1, 1, 1, 1]} : vector<2x2x2000x64xf32> to vector<1x1x2000x64xf32>
    %squeeze3A = vector.shape_cast %slice3A : vector<1x1x2000x64xf32> to vector<2000x64xf32>
    %slice3A_7 = vector.extract_strided_slice %get3A_6 {offsets = [0, 1, 0, 0], sizes = [1, 1, 2000, 64], strides = [1, 1, 1, 1]} : vector<2x2x2000x64xf32> to vector<1x1x2000x64xf32>
    %squeeze3A_8 = vector.shape_cast %slice3A_7 : vector<1x1x2000x64xf32> to vector<2000x64xf32>
    %add3A = arith.addf %squeeze3A, %squeeze3A_8 : vector<2000x64xf32>
    %slice3A_9 = vector.extract_strided_slice %get3A_6 {offsets = [1, 0, 0, 0], sizes = [1, 1, 2000, 64], strides = [1, 1, 1, 1]} : vector<2x2x2000x64xf32> to vector<1x1x2000x64xf32>
    %squeeze3A_10 = vector.shape_cast %slice3A_9 : vector<1x1x2000x64xf32> to vector<2000x64xf32>
    %slice3A_11 = vector.extract_strided_slice %get3A_6 {offsets = [1, 1, 0, 0], sizes = [1, 1, 2000, 64], strides = [1, 1, 1, 1]} : vector<2x2x2000x64xf32> to vector<1x1x2000x64xf32>
    %squeeze3A_12 = vector.shape_cast %slice3A_11 : vector<1x1x2000x64xf32> to vector<2000x64xf32>
    %add3A_13 = arith.addf %squeeze3A_10, %squeeze3A_12 : vector<2000x64xf32>
    %concatenate3A = tpu.concatenate %add3A, %add3A_13 in 1 : vector<2000x64xf32>, vector<2000x64xf32> -> vector<2000x128xf32>
    %get3A_14 = arith.constant 0 : index
    %get3A_15 = arith.constant 0 : index
    %get3A_16 = vector.load %arg1[%get3A_14, %get3A_15] : memref<2000x128xf32, #tpu.memory_space<vmem>>, vector<2000x128xf32>
    %add3A_17 = arith.addf %get3A_16, %concatenate3A : vector<2000x128xf32>
    %get3A_18 = arith.constant 0 : index
    %get3A_19 = arith.constant 0 : index
    %get3A_20 = vector.load %arg4[%get3A_18, %get3A_19] : memref<128x64xf32, #tpu.memory_space<vmem>>, vector<128x64xf32>
    %dot_general3A = arith.constant dense<0.000000e+00> : vector<2000x64xf32>
    %dot_general3A_21 = tpu.matmul %add3A_17, %get3A_20, %dot_general3A {dimension_numbers = #tpu.dot_dimension_numbers<[1], [0], [0], [1], [0, 0, 1, 1], [], []>, transpose_lhs_hint = false} : vector<2000x128xf32>, vector<128x64xf32>, vector<2000x64xf32> -> vector<2000x64xf32>
    %slice3A_22 = vector.extract_strided_slice %get3A_1 {offsets = [0, 0], sizes = [1, 64], strides = [1, 1]} : vector<8x64xf32> to vector<1x64xf32>
    %squeeze3A_23 = vector.shape_cast %slice3A_22 : vector<1x64xf32> to vector<64xf32>
    %broadcast_in_dim3A = vector.shape_cast %squeeze3A_23 : vector<64xf32> to vector<1x64xf32>
    %add3A_24 = vector.broadcast %broadcast_in_dim3A : vector<1x64xf32> to vector<2000x64xf32>
    %add3A_25 = arith.addf %dot_general3A_21, %add3A_24 : vector<2000x64xf32>
    %sqrt3A = arith.constant 1.000010e+00 : f32
    %sqrt3A_26 = math.sqrt %sqrt3A : f32
    %div3A = vector.broadcast %sqrt3A_26 : f32 to vector<2000x64xf32>
    %div3A_27 = arith.divf %add3A_25, %div3A : vector<2000x64xf32>
    %slice3A_28 = vector.extract_strided_slice %get3A_1 {offsets = [1, 0], sizes = [1, 64], strides = [1, 1]} : vector<8x64xf32> to vector<1x64xf32>
    %squeeze3A_29 = vector.shape_cast %slice3A_28 : vector<1x64xf32> to vector<64xf32>
    %broadcast_in_dim3A_30 = vector.shape_cast %squeeze3A_29 : vector<64xf32> to vector<1x64xf32>
    %mul3A = vector.broadcast %broadcast_in_dim3A_30 : vector<1x64xf32> to vector<2000x64xf32>
    %mul3A_31 = arith.mulf %div3A_27, %mul3A : vector<2000x64xf32>
    %slice3A_32 = vector.extract_strided_slice %get3A_1 {offsets = [2, 0], sizes = [1, 64], strides = [1, 1]} : vector<8x64xf32> to vector<1x64xf32>
    %squeeze3A_33 = vector.shape_cast %slice3A_32 : vector<1x64xf32> to vector<64xf32>
    %broadcast_in_dim3A_34 = vector.shape_cast %squeeze3A_33 : vector<64xf32> to vector<1x64xf32>
    %add3A_35 = vector.broadcast %broadcast_in_dim3A_34 : vector<1x64xf32> to vector<2000x64xf32>
    %add3A_36 = arith.addf %mul3A_31, %add3A_35 : vector<2000x64xf32>
    %max3A = arith.constant 0.000000e+00 : f32
    %max3A_37 = vector.broadcast %max3A : f32 to vector<2000x64xf32>
    %max3A_38 = arith.maximumf %add3A_36, %max3A_37 : vector<2000x64xf32>
    %get3A_39 = arith.constant 0 : index
    %get3A_40 = arith.constant 0 : index
    %get3A_41 = vector.load %arg5[%get3A_39, %get3A_40] : memref<64x64xf32, #tpu.memory_space<vmem>>, vector<64x64xf32>
    %dot_general3A_42 = arith.constant dense<0.000000e+00> : vector<2000x64xf32>
    %dot_general3A_43 = tpu.matmul %max3A_38, %get3A_41, %dot_general3A_42 {dimension_numbers = #tpu.dot_dimension_numbers<[1], [0], [0], [1], [0, 0, 1, 1], [], []>, transpose_lhs_hint = false} : vector<2000x64xf32>, vector<64x64xf32>, vector<2000x64xf32> -> vector<2000x64xf32>
    %slice3A_44 = vector.extract_strided_slice %get3A_1 {offsets = [3, 0], sizes = [1, 64], strides = [1, 1]} : vector<8x64xf32> to vector<1x64xf32>
    %squeeze3A_45 = vector.shape_cast %slice3A_44 : vector<1x64xf32> to vector<64xf32>
    %broadcast_in_dim3A_46 = vector.shape_cast %squeeze3A_45 : vector<64xf32> to vector<1x64xf32>
    %add3A_47 = vector.broadcast %broadcast_in_dim3A_46 : vector<1x64xf32> to vector<2000x64xf32>
    %add3A_48 = arith.addf %dot_general3A_43, %add3A_47 : vector<2000x64xf32>
    %max3A_49 = arith.constant 0.000000e+00 : f32
    %max3A_50 = vector.broadcast %max3A_49 : f32 to vector<2000x64xf32>
    %max3A_51 = arith.maximumf %add3A_48, %max3A_50 : vector<2000x64xf32>
    %sqrt3A_52 = arith.constant 1.000010e+00 : f32
    %sqrt3A_53 = math.sqrt %sqrt3A_52 : f32
    %div3A_54 = vector.broadcast %sqrt3A_53 : f32 to vector<2000x64xf32>
    %div3A_55 = arith.divf %max3A_51, %div3A_54 : vector<2000x64xf32>
    %slice3A_56 = vector.extract_strided_slice %get3A_1 {offsets = [4, 0], sizes = [1, 64], strides = [1, 1]} : vector<8x64xf32> to vector<1x64xf32>
    %squeeze3A_57 = vector.shape_cast %slice3A_56 : vector<1x64xf32> to vector<64xf32>
    %broadcast_in_dim3A_58 = vector.shape_cast %squeeze3A_57 : vector<64xf32> to vector<1x64xf32>
    %mul3A_59 = vector.broadcast %broadcast_in_dim3A_58 : vector<1x64xf32> to vector<2000x64xf32>
    %mul3A_60 = arith.mulf %div3A_55, %mul3A_59 : vector<2000x64xf32>
    %slice3A_61 = vector.extract_strided_slice %get3A_1 {offsets = [5, 0], sizes = [1, 64], strides = [1, 1]} : vector<8x64xf32> to vector<1x64xf32>
    %squeeze3A_62 = vector.shape_cast %slice3A_61 : vector<1x64xf32> to vector<64xf32>
    %broadcast_in_dim3A_63 = vector.shape_cast %squeeze3A_62 : vector<64xf32> to vector<1x64xf32>
    %add3A_64 = vector.broadcast %broadcast_in_dim3A_63 : vector<1x64xf32> to vector<2000x64xf32>
    %add3A_65 = arith.addf %mul3A_60, %add3A_64 : vector<2000x64xf32>
    %swap3A = arith.constant 0 : index
    %swap3A_66 = arith.constant 0 : index
    %swap3A_67 = vector.load %arg6[%swap3A, %swap3A_66] : memref<2000x64xf32, #tpu.memory_space<vmem>>, vector<2000x64xf32>
    tpu.vector_store %arg6[%swap3A, %swap3A_66], %add3A_65 {strides = array<i32>} : memref<2000x64xf32, #tpu.memory_space<vmem>>, vector<2000x64xf32>,
    return
  }
  func.func @transform_0(%arg0: i32) -> (i32, i32) {
    %c0_i32 = arith.constant 0 : i32
    %c0_i32_0 = arith.constant 0 : i32
    return %arg0, %c0_i32 : i32, i32
  }
  func.func @transform_1(%arg0: i32) -> (i32, i32, i32, i32) {
    %c0_i32 = arith.constant 0 : i32
    %c0_i32_0 = arith.constant 0 : i32
    %c0_i32_1 = arith.constant 0 : i32
    %c0_i32_2 = arith.constant 0 : i32
    return %c0_i32, %c0_i32_0, %arg0, %c0_i32_1 : i32, i32, i32, i32
  }
  func.func @transform_2(%arg0: i32) -> (i32, i32) {
    %c0_i32 = arith.constant 0 : i32
    %c0_i32_0 = arith.constant 0 : i32
    %c0_i32_1 = arith.constant 0 : i32
    return %c0_i32, %c0_i32_0 : i32, i32
  }
  func.func @transform_3(%arg0: i32) -> (i32, i32) {
    %c0_i32 = arith.constant 0 : i32
    %c0_i32_0 = arith.constant 0 : i32
    %c0_i32_1 = arith.constant 0 : i32
    return %c0_i32, %c0_i32_0 : i32, i32
  }
  func.func @transform_4(%arg0: i32) -> (i32, i32) {
    %c0_i32 = arith.constant 0 : i32
    %c0_i32_0 = arith.constant 0 : i32
    %c0_i32_1 = arith.constant 0 : i32
    return %c0_i32, %c0_i32_0 : i32, i32
  }
  func.func @transform_5(%arg0: i32) -> (i32, i32) {
    %c0_i32 = arith.constant 0 : i32
    %c0_i32_0 = arith.constant 0 : i32
    return %arg0, %c0_i32 : i32, i32
  }
}

module attributes {stable_mosaic.version = 14 : i64} {
  func.func @_final_body(%arg0: i32, %arg1: memref<2000x64xf32, #tpu.memory_space<vmem>>, %arg2: memref<2x2x2000x32xf32, #tpu.memory_space<vmem>>, %arg3: memref<16x64xf32, #tpu.memory_space<vmem>>, %arg4: memref<64x64xf32, #tpu.memory_space<vmem>>, %arg5: memref<64x64xf32, #tpu.memory_space<vmem>>, %arg6: memref<2000x1xi32, #tpu.memory_space<vmem>>, %arg7: memref<64x64xf32, #tpu.memory_space<vmem>>, %arg8: memref<64x128xf32, #tpu.memory_space<vmem>>, %arg9: memref<64x1xf32, #tpu.memory_space<vmem>>, %arg10: memref<64x64xf32, #tpu.memory_space<vmem>>) attributes {dimension_semantics = [#tpu.dimension_semantics<arbitrary>], iteration_bounds = array<i64: 5>, scalar_prefetch = 0 : i64, scratch_operands = 1 : i64, tpu.core_type = #tpu.core_type<tc>, window_params = [{transform_indices = @transform_0, window_bounds = array<i64: 2000, 64>}, {transform_indices = @transform_1, window_bounds = array<i64: 2, 2, 2000, 32>}, {pipeline_mode = #tpu.pipeline_mode<synchronous>, transform_indices = @transform_2, window_bounds = array<i64: 16, 64>}, {pipeline_mode = #tpu.pipeline_mode<synchronous>, transform_indices = @transform_3, window_bounds = array<i64: 64, 64>}, {pipeline_mode = #tpu.pipeline_mode<synchronous>, transform_indices = @transform_4, window_bounds = array<i64: 64, 64>}, {transform_indices = @transform_5, window_bounds = array<i64: 2000, 1>}, {pipeline_mode = #tpu.pipeline_mode<synchronous>, transform_indices = @transform_6, window_bounds = array<i64: 64, 64>}, {pipeline_mode = #tpu.pipeline_mode<synchronous>, transform_indices = @transform_7, window_bounds = array<i64: 64, 128>}, {pipeline_mode = #tpu.pipeline_mode<synchronous>, transform_indices = @transform_8, window_bounds = array<i64: 64, 1>}]} {
    %get3A = arith.constant 0 : index
    %get3A_0 = arith.constant 0 : index
    %get3A_1 = vector.load %arg3[%get3A, %get3A_0] : memref<16x64xf32, #tpu.memory_space<vmem>>, vector<16x64xf32>
    %get3A_2 = arith.constant 0 : index
    %get3A_3 = arith.constant 0 : index
    %get3A_4 = arith.constant 0 : index
    %get3A_5 = arith.constant 0 : index
    %get3A_6 = vector.load %arg2[%get3A_2, %get3A_3, %get3A_4, %get3A_5] : memref<2x2x2000x32xf32, #tpu.memory_space<vmem>>, vector<2x2x2000x32xf32>
    %slice3A = vector.extract_strided_slice %get3A_6 {offsets = [0, 0, 0, 0], sizes = [1, 1, 2000, 32], strides = [1, 1, 1, 1]} : vector<2x2x2000x32xf32> to vector<1x1x2000x32xf32>
    %squeeze3A = vector.shape_cast %slice3A : vector<1x1x2000x32xf32> to vector<2000x32xf32>
    %slice3A_7 = vector.extract_strided_slice %get3A_6 {offsets = [0, 1, 0, 0], sizes = [1, 1, 2000, 32], strides = [1, 1, 1, 1]} : vector<2x2x2000x32xf32> to vector<1x1x2000x32xf32>
    %squeeze3A_8 = vector.shape_cast %slice3A_7 : vector<1x1x2000x32xf32> to vector<2000x32xf32>
    %add3A = arith.addf %squeeze3A, %squeeze3A_8 : vector<2000x32xf32>
    %slice3A_9 = vector.extract_strided_slice %get3A_6 {offsets = [1, 0, 0, 0], sizes = [1, 1, 2000, 32], strides = [1, 1, 1, 1]} : vector<2x2x2000x32xf32> to vector<1x1x2000x32xf32>
    %squeeze3A_10 = vector.shape_cast %slice3A_9 : vector<1x1x2000x32xf32> to vector<2000x32xf32>
    %slice3A_11 = vector.extract_strided_slice %get3A_6 {offsets = [1, 1, 0, 0], sizes = [1, 1, 2000, 32], strides = [1, 1, 1, 1]} : vector<2x2x2000x32xf32> to vector<1x1x2000x32xf32>
    %squeeze3A_12 = vector.shape_cast %slice3A_11 : vector<1x1x2000x32xf32> to vector<2000x32xf32>
    %add3A_13 = arith.addf %squeeze3A_10, %squeeze3A_12 : vector<2000x32xf32>
    %concatenate3A = tpu.concatenate %add3A, %add3A_13 in 1 : vector<2000x32xf32>, vector<2000x32xf32> -> vector<2000x64xf32>
    %get3A_14 = arith.constant 0 : index
    %get3A_15 = arith.constant 0 : index
    %get3A_16 = vector.load %arg1[%get3A_14, %get3A_15] : memref<2000x64xf32, #tpu.memory_space<vmem>>, vector<2000x64xf32>
    %add3A_17 = arith.addf %get3A_16, %concatenate3A : vector<2000x64xf32>
    %get3A_18 = arith.constant 0 : index
    %get3A_19 = arith.constant 0 : index
    %get3A_20 = vector.load %arg4[%get3A_18, %get3A_19] : memref<64x64xf32, #tpu.memory_space<vmem>>, vector<64x64xf32>
    %dot_general3A = arith.constant dense<0.000000e+00> : vector<2000x64xf32>
    %dot_general3A_21 = tpu.matmul %add3A_17, %get3A_20, %dot_general3A {dimension_numbers = #tpu.dot_dimension_numbers<[1], [0], [0], [1], [0, 0, 1, 1], [], []>, transpose_lhs_hint = false} : vector<2000x64xf32>, vector<64x64xf32>, vector<2000x64xf32> -> vector<2000x64xf32>
    %slice3A_22 = vector.extract_strided_slice %get3A_1 {offsets = [0, 0], sizes = [1, 64], strides = [1, 1]} : vector<16x64xf32> to vector<1x64xf32>
    %squeeze3A_23 = vector.shape_cast %slice3A_22 : vector<1x64xf32> to vector<64xf32>
    %broadcast_in_dim3A = vector.shape_cast %squeeze3A_23 : vector<64xf32> to vector<1x64xf32>
    %add3A_24 = vector.broadcast %broadcast_in_dim3A : vector<1x64xf32> to vector<2000x64xf32>
    %add3A_25 = arith.addf %dot_general3A_21, %add3A_24 : vector<2000x64xf32>
    %sqrt3A = arith.constant 1.000010e+00 : f32
    %sqrt3A_26 = math.sqrt %sqrt3A : f32
    %div3A = vector.broadcast %sqrt3A_26 : f32 to vector<2000x64xf32>
    %div3A_27 = arith.divf %add3A_25, %div3A : vector<2000x64xf32>
    %slice3A_28 = vector.extract_strided_slice %get3A_1 {offsets = [1, 0], sizes = [1, 64], strides = [1, 1]} : vector<16x64xf32> to vector<1x64xf32>
    %squeeze3A_29 = vector.shape_cast %slice3A_28 : vector<1x64xf32> to vector<64xf32>
    %broadcast_in_dim3A_30 = vector.shape_cast %squeeze3A_29 : vector<64xf32> to vector<1x64xf32>
    %mul3A = vector.broadcast %broadcast_in_dim3A_30 : vector<1x64xf32> to vector<2000x64xf32>
    %mul3A_31 = arith.mulf %div3A_27, %mul3A : vector<2000x64xf32>
    %slice3A_32 = vector.extract_strided_slice %get3A_1 {offsets = [2, 0], sizes = [1, 64], strides = [1, 1]} : vector<16x64xf32> to vector<1x64xf32>
    %squeeze3A_33 = vector.shape_cast %slice3A_32 : vector<1x64xf32> to vector<64xf32>
    %broadcast_in_dim3A_34 = vector.shape_cast %squeeze3A_33 : vector<64xf32> to vector<1x64xf32>
    %add3A_35 = vector.broadcast %broadcast_in_dim3A_34 : vector<1x64xf32> to vector<2000x64xf32>
    %add3A_36 = arith.addf %mul3A_31, %add3A_35 : vector<2000x64xf32>
    %max3A = arith.constant 0.000000e+00 : f32
    %max3A_37 = vector.broadcast %max3A : f32 to vector<2000x64xf32>
    %max3A_38 = arith.maximumf %add3A_36, %max3A_37 : vector<2000x64xf32>
    %get3A_39 = arith.constant 0 : index
    %get3A_40 = arith.constant 0 : index
    %get3A_41 = vector.load %arg5[%get3A_39, %get3A_40] : memref<64x64xf32, #tpu.memory_space<vmem>>, vector<64x64xf32>
    %dot_general3A_42 = arith.constant dense<0.000000e+00> : vector<2000x64xf32>
    %dot_general3A_43 = tpu.matmul %max3A_38, %get3A_41, %dot_general3A_42 {dimension_numbers = #tpu.dot_dimension_numbers<[1], [0], [0], [1], [0, 0, 1, 1], [], []>, transpose_lhs_hint = false} : vector<2000x64xf32>, vector<64x64xf32>, vector<2000x64xf32> -> vector<2000x64xf32>
    %slice3A_44 = vector.extract_strided_slice %get3A_1 {offsets = [3, 0], sizes = [1, 64], strides = [1, 1]} : vector<16x64xf32> to vector<1x64xf32>
    %squeeze3A_45 = vector.shape_cast %slice3A_44 : vector<1x64xf32> to vector<64xf32>
    %broadcast_in_dim3A_46 = vector.shape_cast %squeeze3A_45 : vector<64xf32> to vector<1x64xf32>
    %add3A_47 = vector.broadcast %broadcast_in_dim3A_46 : vector<1x64xf32> to vector<2000x64xf32>
    %add3A_48 = arith.addf %dot_general3A_43, %add3A_47 : vector<2000x64xf32>
    %max3A_49 = arith.constant 0.000000e+00 : f32
    %max3A_50 = vector.broadcast %max3A_49 : f32 to vector<2000x64xf32>
    %max3A_51 = arith.maximumf %add3A_48, %max3A_50 : vector<2000x64xf32>
    %sqrt3A_52 = arith.constant 1.000010e+00 : f32
    %sqrt3A_53 = math.sqrt %sqrt3A_52 : f32
    %div3A_54 = vector.broadcast %sqrt3A_53 : f32 to vector<2000x64xf32>
    %div3A_55 = arith.divf %max3A_51, %div3A_54 : vector<2000x64xf32>
    %slice3A_56 = vector.extract_strided_slice %get3A_1 {offsets = [4, 0], sizes = [1, 64], strides = [1, 1]} : vector<16x64xf32> to vector<1x64xf32>
    %squeeze3A_57 = vector.shape_cast %slice3A_56 : vector<1x64xf32> to vector<64xf32>
    %broadcast_in_dim3A_58 = vector.shape_cast %squeeze3A_57 : vector<64xf32> to vector<1x64xf32>
    %mul3A_59 = vector.broadcast %broadcast_in_dim3A_58 : vector<1x64xf32> to vector<2000x64xf32>
    %mul3A_60 = arith.mulf %div3A_55, %mul3A_59 : vector<2000x64xf32>
    %slice3A_61 = vector.extract_strided_slice %get3A_1 {offsets = [5, 0], sizes = [1, 64], strides = [1, 1]} : vector<16x64xf32> to vector<1x64xf32>
    %squeeze3A_62 = vector.shape_cast %slice3A_61 : vector<1x64xf32> to vector<64xf32>
    %broadcast_in_dim3A_63 = vector.shape_cast %squeeze3A_62 : vector<64xf32> to vector<1x64xf32>
    %add3A_64 = vector.broadcast %broadcast_in_dim3A_63 : vector<1x64xf32> to vector<2000x64xf32>
    %add3A_65 = arith.addf %mul3A_60, %add3A_64 : vector<2000x64xf32>
    %iota3A = tpu.iota {dimensions = array<i32: 1>} : vector<2000x64xi32>
    %get3A_66 = arith.constant 0 : index
    %get3A_67 = arith.constant 0 : index
    %get3A_68 = vector.load %arg6[%get3A_66, %get3A_67] : memref<2000x1xi32, #tpu.memory_space<vmem>>, vector<2000x1xi32>
    %eq3A = vector.broadcast %get3A_68 : vector<2000x1xi32> to vector<2000x64xi32>
    %eq3A_69 = arith.cmpi eq, %eq3A, %iota3A : vector<2000x64xi32>
    %jit3A = arith.constant 1.000000e+00 : f32
    %jit3A_70 = arith.constant 0.000000e+00 : f32
    %broadcast_in_dim3A_71 = vector.broadcast %jit3A : f32 to vector<2000x64xf32>
    %broadcast_in_dim3A_72 = vector.broadcast %jit3A_70 : f32 to vector<2000x64xf32>
    %select_n3A = arith.select %eq3A_69, %broadcast_in_dim3A_71, %broadcast_in_dim3A_72 : vector<2000x64xi1>, vector<2000x64xf32>
    %dot_general3A_73 = arith.constant dense<0.000000e+00> : vector<64x64xf32>
    %dot_general3A_74 = tpu.matmul %select_n3A, %add3A_65, %dot_general3A_73 {dimension_numbers = #tpu.dot_dimension_numbers<[0], [0], [1], [1], [0, 1, 1, 1], [], []>, precision = #tpu.contract_precision<fp32>, transpose_lhs_hint = false} : vector<2000x64xf32>, vector<2000x64xf32>, vector<64x64xf32> -> vector<64x64xf32>
    %eq3A_75 = arith.constant 0 : i32
    %eq3A_76 = arith.cmpi eq, %arg0, %eq3A_75 : i32
    %convert_element_type3A = arith.extui %eq3A_76 : i1 to i32
    %cond3A = arith.constant 0 : i32
    %cond3A_77 = arith.cmpi ne, %convert_element_type3A, %cond3A : i32
    scf.if %cond3A_77 {
      %broadcast_in_dim3A_89 = arith.constant 0.000000e+00 : f32
      %broadcast_in_dim3A_90 = vector.broadcast %broadcast_in_dim3A_89 : f32 to vector<64x64xf32>
      %swap3A_91 = arith.constant 0 : index
      %swap3A_92 = arith.constant 0 : index
      %swap3A_93 = vector.load %arg10[%swap3A_91, %swap3A_92] : memref<64x64xf32, #tpu.memory_space<vmem>>, vector<64x64xf32>
      tpu.vector_store %arg10[%swap3A_91, %swap3A_92], %broadcast_in_dim3A_90 {strides = array<i32>} : memref<64x64xf32, #tpu.memory_space<vmem>>, vector<64x64xf32>,
    } else {
    }
    %get3A_78 = arith.constant 0 : index
    %get3A_79 = arith.constant 0 : index
    %get3A_80 = vector.load %arg10[%get3A_78, %get3A_79] : memref<64x64xf32, #tpu.memory_space<vmem>>, vector<64x64xf32>
    %add3A_81 = arith.addf %get3A_80, %dot_general3A_74 : vector<64x64xf32>
    %swap3A = arith.constant 0 : index
    %swap3A_82 = arith.constant 0 : index
    %swap3A_83 = vector.load %arg10[%swap3A, %swap3A_82] : memref<64x64xf32, #tpu.memory_space<vmem>>, vector<64x64xf32>
    tpu.vector_store %arg10[%swap3A, %swap3A_82], %add3A_81 {strides = array<i32>} : memref<64x64xf32, #tpu.memory_space<vmem>>, vector<64x64xf32>,
    %eq3A_84 = arith.constant 4 : i32
    %eq3A_85 = arith.cmpi eq, %arg0, %eq3A_84 : i32
    %convert_element_type3A_86 = arith.extui %eq3A_85 : i1 to i32
    %cond3A_87 = arith.constant 0 : i32
    %cond3A_88 = arith.cmpi ne, %convert_element_type3A_86, %cond3A_87 : i32
    scf.if %cond3A_88 {
      %get3A_89 = arith.constant 0 : index
      %get3A_90 = arith.constant 0 : index
      %get3A_91 = vector.load %arg10[%get3A_89, %get3A_90] : memref<64x64xf32, #tpu.memory_space<vmem>>, vector<64x64xf32>
      %get3A_92 = arith.constant 0 : index
      %get3A_93 = arith.constant 0 : index
      %get3A_94 = vector.load %arg7[%get3A_92, %get3A_93] : memref<64x64xf32, #tpu.memory_space<vmem>>, vector<64x64xf32>
      %dot_general3A_95 = arith.constant dense<0.000000e+00> : vector<64x64xf32>
      %dot_general3A_96 = tpu.matmul %get3A_91, %get3A_94, %dot_general3A_95 {dimension_numbers = #tpu.dot_dimension_numbers<[1], [0], [0], [1], [0, 0, 1, 1], [], []>, transpose_lhs_hint = false} : vector<64x64xf32>, vector<64x64xf32>, vector<64x64xf32> -> vector<64x64xf32>
      %slice3A_97 = vector.extract_strided_slice %get3A_1 {offsets = [6, 0], sizes = [1, 64], strides = [1, 1]} : vector<16x64xf32> to vector<1x64xf32>
      %squeeze3A_98 = vector.shape_cast %slice3A_97 : vector<1x64xf32> to vector<64xf32>
      %broadcast_in_dim3A_99 = vector.shape_cast %squeeze3A_98 : vector<64xf32> to vector<1x64xf32>
      %add3A_100 = vector.broadcast %broadcast_in_dim3A_99 : vector<1x64xf32> to vector<64x64xf32>
      %add3A_101 = arith.addf %dot_general3A_96, %add3A_100 : vector<64x64xf32>
      %max3A_102 = arith.constant 0.000000e+00 : f32
      %max3A_103 = vector.broadcast %max3A_102 : f32 to vector<64x64xf32>
      %max3A_104 = arith.maximumf %add3A_101, %max3A_103 : vector<64x64xf32>
      %get3A_105 = arith.constant 0 : index
      %get3A_106 = arith.constant 0 : index
      %get3A_107 = vector.load %arg8[%get3A_105, %get3A_106] : memref<64x128xf32, #tpu.memory_space<vmem>>, vector<64x128xf32>
      %dot_general3A_108 = arith.constant dense<0.000000e+00> : vector<64x128xf32>
      %dot_general3A_109 = tpu.matmul %max3A_104, %get3A_107, %dot_general3A_108 {dimension_numbers = #tpu.dot_dimension_numbers<[1], [0], [0], [1], [0, 0, 1, 1], [], []>, transpose_lhs_hint = false} : vector<64x64xf32>, vector<64x128xf32>, vector<64x128xf32> -> vector<64x128xf32>
      %slice3A_110 = vector.extract_strided_slice %dot_general3A_109 {offsets = [0, 0], sizes = [64, 1], strides = [1, 1]} : vector<64x128xf32> to vector<64x1xf32>
      %slice3A_111 = vector.extract_strided_slice %get3A_1 {offsets = [8, 0], sizes = [1, 64], strides = [1, 1]} : vector<16x64xf32> to vector<1x64xf32>
      %squeeze3A_112 = vector.shape_cast %slice3A_111 : vector<1x64xf32> to vector<64xf32>
      %slice3A_113 = vector.extract_strided_slice %squeeze3A_112 {offsets = [0], sizes = [1], strides = [1]} : vector<64xf32> to vector<1xf32>
      %squeeze3A_114 = vector.extract %slice3A_113[0] : f32 from vector<1xf32>
      %add3A_115 = vector.broadcast %squeeze3A_114 : f32 to vector<64x1xf32>
      %add3A_116 = arith.addf %slice3A_110, %add3A_115 : vector<64x1xf32>
      %swap3A_117 = arith.constant 0 : index
      %swap3A_118 = arith.constant 0 : index
      %swap3A_119 = vector.load %arg9[%swap3A_117, %swap3A_118] : memref<64x1xf32, #tpu.memory_space<vmem>>, vector<64x1xf32>
      tpu.vector_store %arg9[%swap3A_117, %swap3A_118], %add3A_116 {strides = array<i32>} : memref<64x1xf32, #tpu.memory_space<vmem>>, vector<64x1xf32>,
    } else {
    }
    return
  }
  func.func @transform_0(%arg0: i32) -> (i32, i32) {
    %c0_i32 = arith.constant 0 : i32
    %c0_i32_0 = arith.constant 0 : i32
    return %arg0, %c0_i32 : i32, i32
  }
  func.func @transform_1(%arg0: i32) -> (i32, i32, i32, i32) {
    %c0_i32 = arith.constant 0 : i32
    %c0_i32_0 = arith.constant 0 : i32
    %c0_i32_1 = arith.constant 0 : i32
    %c0_i32_2 = arith.constant 0 : i32
    return %c0_i32, %c0_i32_0, %arg0, %c0_i32_1 : i32, i32, i32, i32
  }
  func.func @transform_2(%arg0: i32) -> (i32, i32) {
    %c0_i32 = arith.constant 0 : i32
    %c0_i32_0 = arith.constant 0 : i32
    %c0_i32_1 = arith.constant 0 : i32
    return %c0_i32, %c0_i32_0 : i32, i32
  }
  func.func @transform_3(%arg0: i32) -> (i32, i32) {
    %c0_i32 = arith.constant 0 : i32
    %c0_i32_0 = arith.constant 0 : i32
    %c0_i32_1 = arith.constant 0 : i32
    return %c0_i32, %c0_i32_0 : i32, i32
  }
  func.func @transform_4(%arg0: i32) -> (i32, i32) {
    %c0_i32 = arith.constant 0 : i32
    %c0_i32_0 = arith.constant 0 : i32
    %c0_i32_1 = arith.constant 0 : i32
    return %c0_i32, %c0_i32_0 : i32, i32
  }
  func.func @transform_5(%arg0: i32) -> (i32, i32) {
    %c0_i32 = arith.constant 0 : i32
    %c0_i32_0 = arith.constant 0 : i32
    return %arg0, %c0_i32 : i32, i32
  }
  func.func @transform_6(%arg0: i32) -> (i32, i32) {
    %c0_i32 = arith.constant 0 : i32
    %c0_i32_0 = arith.constant 0 : i32
    %c0_i32_1 = arith.constant 0 : i32
    return %c0_i32, %c0_i32_0 : i32, i32
  }
  func.func @transform_7(%arg0: i32) -> (i32, i32) {
    %c0_i32 = arith.constant 0 : i32
    %c0_i32_0 = arith.constant 0 : i32
    %c0_i32_1 = arith.constant 0 : i32
    return %c0_i32, %c0_i32_0 : i32, i32
  }
  func.func @transform_8(%arg0: i32) -> (i32, i32) {
    %c0_i32 = arith.constant 0 : i32
    %c0_i32_0 = arith.constant 0 : i32
    %c0_i32_1 = arith.constant 0 : i32
    return %c0_i32, %c0_i32_0 : i32, i32
  }
}

</mosaic_0001>

<sc_bundles>
// kernel: kernel.10.cloned.1.call-start
scs
__scs_entry_jumppad:
0x0: {  	(pc) =	sbr.rel $0x88, $3  }
0x1: {  	(tag) =	ssettag $0x0;
	lr =	simm.s32 $0x1  }
0x2: {  	[smem:$0x3F8A] =	sst lr;
	_ =	strace $0xD0000000  }
0x3: {  	_ = 	snop  }
0x4: {  	_ = 	snop  }
0x5: {  	_ = 	snop  }
0x6: {  	_ = 	snop  }
0x7: {  	_ = 	snop  }
__scs_overlays_trampoline_lowered:
0x8: {  	[smem:$0x3F99] =	sst s0  }
0x9: {  	[smem:$0x3F9A] =	sst s1  }
0xa: {  	[smem:$0x3F9B] =	sst s2  }
0xb: {  	[smem:$0x3F9C] =	sst s3  }
0xc: {  	[smem:$0x3F9D] =	sst s4  }
0xd: {  	[smem:$0x3F9E] =	sst s5  }
0xe: {  	[smem:$0x3F9F] =	sst s6  }
0xf: {  	[smem:$0x3FA0] =	sst s7  }
0x10: {  	[smem:$0x3FA1] =	sst s8  }
0x11: {  	[smem:$0x3FA2] =	sst s9;
	s0 =	simm.s32 @!p0 $0x0  }
0x12: {  	s1 =	sld [smem:$0x3F88];
	s0 =	simm.s32 @p0 $0x1  }
0x13: {  	[smem:$0x3FA3] =	sst s0;
	s0 =	simm.s32 @!p1 $0x0  }
0x14: {  	s2 =	sld [smem:$0x3F87];
	s0 =	simm.s32 @p1 $0x1  }
0x15: {  	[smem:$0x3FA4] =	sst s0;
	s0 =	simm.s32 @!p2 $0x0  }
0x16: {  	s3 =	sld [smem:$0x3FDB];
	s0 =	simm.s32 @p2 $0x1  }
0x17: {  	s4 =	simm.s32 $0x1BF5;
	[smem:$0x3FA6] =	sst s0  }
0x18: {  	s0 =	sld [smem:$0x3F89];
	_ =	swait.ge [sflag:s4], $0x0  }
0x19: {  	s7 =	sld [smem:$0x3F8A]  }
0x1a: {  	s8 =	sadd.s32 $0xFFFFE003, lr  }
0x1b: {  	s9 =	sadd.s32 $0xFFFFFEF7, lr;
	s5 =	simm.s32 $0xFFFFFFFF;
	p2 =	slt.u32 s8, $0xFFFFF086  }
0x1c: {  	p1 =	slt.u32 s9, $0xF7A;
	s5 =	simm.s32 @!p2 $0x0  }
0x1d: {  	s5 =	simm.s32 @p1 $0x1;
	p0 =	seq.s32 s7, s2  }
0x1e: {  	s7 =	smul.u32 @!p0 $0xF7A, s2;
	p2 =	seq.s32 @!p0 s5, $0x0  }
0x1f: {  	s9 =	smul.u32 $0xF7A, s1;
	s8 =	simm.s32 @!p0 $0x1BF5;
	p2 =	por !p2, p0  }
0x20: {  	[sflag:s8] =	ssyncset.s32 @!p0 $0xFFFFF086;
	s6 =	sadd.s32 @!p0 s3, s7;
	s7 =	simm.s32 @!p0 $0x108  }
0x21: {  	s3 =	sadd.s32 s3, s9;
	s6 =	sadd.s32 @!p0 $0x88, s6;
	s7 =	simm.s32 @p2 $0x1082  }
0x22: {  	[simem:s7], [sflag:s8] =	dma.local @!p0 [hbm:s6], $0xF7A  }
0x23: {  	s9 =	sor.u32 $0xD0000000, s2;
	s6 =	simm.s32 $0x108;
	_ =	swait.ge @!p0 [sflag:s8], $0x0  }
0x24: {  	s3 =	sadd.s32 $0x88, s3;
	s6 =	simm.s32 @!p1 $0x1082;
	[sflag:s4] =	ssyncset.s32 $0xFFFFF086  }
0x25: {  	[simem:s6], [sflag:s4] =	dma.local [hbm:s3], $0xF7A  }
0x26: {  	[smem:$0x3F8A] =	sst s1;
	(tag) =	ssettag s2;
	_ =	strace s9  }
0x27: {  	s1 =	sld [smem:$0x3F9A]  }
0x28: {  	s2 =	sld [smem:$0x3F9B]  }
0x29: {  	s4 =	sld [smem:$0x3F9D]  }
0x2a: {  	p0 =	seq.s32 s5, $0x0;
	s5 =	sld [smem:$0x3F9E]  }
0x2b: {  	s6 =	sld [smem:$0x3F9F]  }
0x2c: {  	s7 =	sld [smem:$0x3FA0]  }
0x2d: {  	s3 =	simm.s32 $0x108;
	s8 =	sld [smem:$0x3FA1]  }
0x2e: {  	s3 =	simm.s32 @!p0 $0x1082;
	s9 =	sld [smem:$0x3FA2]  }
0x2f: {  	lr =	sadd.s32 s0, s3;
	s0 =	sld [smem:$0x3F99]  }
0x30: {  	s3 =	sld [smem:$0x3F9C]  }
0x31: {  	[smem:$0x3FA5] =	sst s10  }
0x32: {  	s10 =	sld [smem:$0x3FA3];
	_ =	sdelay $0x3  }
0x33: {  	p0 =	seq.s32 s10, $0x1;
	s10 =	sld [smem:$0x3FA5];
	_ =	sdelay $0x3  }
0x34: {  	[smem:$0x3FA5] =	sst s10  }
0x35: {  	s10 =	sld [smem:$0x3FA4];
	_ =	sdelay $0x3  }
0x36: {  	p1 =	seq.s32 s10, $0x1;
	s10 =	sld [smem:$0x3FA5];
	_ =	sdelay $0x3  }
0x37: {  	[smem:$0x3FA5] =	sst s10  }
0x38: {  	s10 =	sld [smem:$0x3FA6]  }
0x39: {  	_ = 	snop;
	(pc) =	sbr.ind lr, $3  }
0x3a: {  	_ = 	snop  }
0x3b: {  	_ = 	snop  }
0x3c: {  	p2 =	seq.s32 s10, $0x1;
	s10 =	sld [smem:$0x3FA5]  }
0x3d: {  	_ =	shalt  }
0x3e: {  	_ =	shalt  }
0x3f: {  	_ =	shalt  }
0x40: {  	_ =	shalt  }
0x41: {  	_ =	shalt  }
0x42: {  	_ =	shalt  }
0x43: {  	_ =	shalt  }
0x44: {  	_ =	shalt  }
0x45: {  	_ =	shalt  }
0x46: {  	_ =	shalt  }
0x47: {  	_ =	shalt  }
0x48: {  	_ =	shalt  }
0x49: {  	_ =	shalt  }
0x4a: {  	_ =	shalt  }
0x4b: {  	_ =	shalt  }
0x4c: {  	_ =	shalt  }
0x4d: {  	_ =	shalt  }
0x4e: {  	_ =	shalt  }
0x4f: {  	_ =	shalt  }
0x50: {  	_ =	shalt  }
0x51: {  	_ =	shalt  }
0x52: {  	_ =	shalt  }
0x53: {  	_ =	shalt  }
0x54: {  	_ =	shalt  }
0x55: {  	_ =	shalt  }
0x56: {  	_ =	shalt  }
0x57: {  	_ =	shalt  }
0x58: {  	_ =	shalt  }
0x59: {  	_ =	shalt  }
0x5a: {  	_ =	shalt  }
0x5b: {  	_ =	shalt  }
0x5c: {  	_ =	shalt  }
0x5d: {  	_ =	shalt  }
0x5e: {  	_ =	shalt  }
0x5f: {  	_ =	shalt  }
0x60: {  	_ =	shalt  }
0x61: {  	_ =	shalt  }
0x62: {  	_ =	shalt  }
0x63: {  	_ =	shalt  }
0x64: {  	_ =	shalt  }
0x65: {  	_ =	shalt  }
0x66: {  	_ =	shalt  }
0x67: {  	_ =	shalt  }
0x68: {  	_ =	shalt  }
0x69: {  	_ =	shalt  }
0x6a: {  	_ =	shalt  }
0x6b: {  	_ =	shalt  }
0x6c: {  	_ =	shalt  }
0x6d: {  	_ =	shalt  }
0x6e: {  	_ =	shalt  }
0x6f: {  	_ =	shalt  }
0x70: {  	_ =	shalt  }
0x71: {  	_ =	shalt  }
0x72: {  	_ =	shalt  }
0x73: {  	_ =	shalt  }
0x74: {  	_ =	shalt  }
0x75: {  	_ =	shalt  }
0x76: {  	_ =	shalt  }
0x77: {  	_ =	shalt  }
0x78: {  	_ =	shalt  }
0x79: {  	_ =	shalt  }
0x7a: {  	_ =	shalt  }
0x7b: {  	_ =	shalt  }
0x7c: {  	_ =	shalt  }
0x7d: {  	_ =	shalt  }
0x7e: {  	_ =	shalt  }
0x7f: {  	_ =	shalt  }
0x80: {  	_ =	shalt  }
0x81: {  	_ =	shalt  }
0x82: {  	_ =	shalt  }
0x83: {  	_ =	shalt  }
0x84: {  	_ =	shalt  }
0x85: {  	_ =	shalt  }
0x86: {  	_ =	shalt  }
0x87: {  	_ =	shalt  }
.Lfunc_end0:
.L_simem_size_0:
called_computation.1_lowered:
.L_overlay_start_0:
0x88: {  	s2 =	sld [smem:$0x3FD9]  }
0x89: {  	s3 =	sld [smem:$0x3FFE];
	_ =	sdelay $0x1  }
0x8a: {  	s1 =	srdreg.scid  }
0x8b: {  	s0 =	sand.u32 $0x1, s1  }
0x8c: {  	s16 =	sshll.u32 s0, $0xA;
	s2 =	sadd.s32 s3, s2  }
0x8d: {  	s2 =	sadd.s32 s2, s16  }
0x8e: {  	[smem:$0x3FB1] =	sst s2  }
0x8f: {  	_ = 	snop  }
0x90: {  	(tm) =	ssettm $0x1  }
0x91: {  	s17 =	sld [smem:$0x3FFB];
	_ =	sdelay $0x3  }
0x92: {  	_ =	strace s17  }
0x93: {  	s2 =	sld [smem:$0x3FFC];
	_ =	sdelay $0x3  }
0x94: {  	_ =	strace s2  }
0x95: {  	s2 =	sld [smem:$0x3FFD];
	_ =	sdelay $0x3  }
0x96: {  	_ =	strace s2  }
0x97: {  	_ =	strace $0x8FFFFFFF  }
0x98: {  	s18 =	sld [smem:$0x3FDB];
	_ =	sdelay $0x1  }
0x99: {  	s19 =	simm.s32 $_scs_section_size  }
0x9a: {  	s4 =	simm.s32 $_size__tile_overlayer_lowered;
	s5 =	simm.s32 $_tile_overlayer_lowered  }
0x9b: {  	s22 =	simm.s32 $0x1BFF;
	s21 =	sshll.u32 s5, $0x1;
	s2 =	sadd.s32 s19, s18  }
0x9c: {  	s6 =	simm.s32 $0x0;
	s20 =	sshll.u32 s4, $0x1;
	s4 =	sadd.s32 s21, s2  }
0x9d: {  	[timem:s6], [sflag:s22] =	dma.local [hbm:s4], s20  }
0x9e: {  	_ =	swait.ge [sflag:s22], s20  }
0x9f: {  	s3 =	ssub.s32 $0x0, s20;
	[sflag:s22] =	ssyncset.done $0x0  }
0xa0: {  	[sflag:s22] =	ssyncadd.s32 s3;
	_ =	sdelay $0x1  }
0xa1: {  	s23 =	simm.s32 $0x1B8B  }
0xa2: {  	_ =	swait.ge [sflag:s23], $0x1  }
0xa3: {  	[sflag:s23] =	ssyncset.done $0x0  }
0xa4: {  	s25 =	simm.s32 $0x1B8E;
	s24 =	sld [smem:$0x3FFE];
	[sflag:s23] =	ssyncadd.s32 $0xFFFFFFFF  }
0xa5: {  	s26 =	simm.s32 $execute0_lowered;
	[smem:$0x3FD2] =	sst s25  }
0xa6: {  	s4 =	sshll.u32 s26, $0x1;
	_ =	strace $0x80000049;
	[dreg:$0x1] =	wrdreg $0xFFFFFFFF  }
0xa7: {  	s28 =	simm.s32 $_size_execute0_lowered;
	s2 =	sadd.s32 s2, s4;
	[dreg:$0x0] =	wrdreg $0x0  }
0xa8: {  	s4 =	sshll.u32 s28, $0x1;
	[dreg:$0x2] =	wrdreg s2  }
0xa9: {  	[dreg:$0x3] =	wrdreg s4  }
0xaa: {  	[dreg:$0x4] =	wrdreg $0xC0  }
0xab: {  	_ =	task [dreg:s6], $0x5FFFF  }
0xac: {  	[dreg:$0x1] =	wrdreg $0xFFFFFFFF  }
0xad: {  	[dreg:$0x0] =	wrdreg $0x60  }
0xae: {  	[dreg:$0x2] =	wrdreg s24  }
0xaf: {  	[dreg:$0x3] =	wrdreg $0x66000  }
0xb0: {  	[dreg:$0x4] =	wrdreg $0x9  }
0xb1: {  	_ =	task.clear_ibuf [dreg:s6], $0x5FFFF;
	_ =	strace $0x90000049  }
0xb2: {  	s29 =	simm.s32 $0x9;
	_ =	strace $0x8000004B  }
0xb3: {  	_ =	swait.ge [sflag:s29], $0x1  }
0xb4: {  	[sflag:s29] =	ssyncadd.s32 $0xFFFFFFFF  }
0xb5: {  	_ =	strace $0x9000004B  }
0xb6: {  	_ =	sfence  }
0xb7: {  	s30 =	sld [smem:$0x0];
	_ =	sdelay $0x2  }
0xb8: {  	s31 =	sshll.u32 s1, $0xD;
	s1 =	sshrl.u32 s1, $0x2  }
0xb9: {  	s3 =	sand.u32 $0x4000, s31;
	s1 =	sadd.s32 s1, s30  }
0xba: {  	s0 =	sor.u32 s3, s0;
	s1 =	sshll.u32 s1, $0x11  }
0xbb: {  	s0 =	sor.u32 s1, s0  }
0xbc: {  	s0 =	sadd.s32 $0x8F2B, s0  }
0xbd: {  	[sflag:s0] =	ssyncadd.remote.s32 $0x1  }
0xbe: {  	_ =	sfence.sel $0xFFFF  }
0xbf: {  	[dreg:$0x0] =	wrdreg $0xFFFFFFFF;
	(pc) =	sbr.abs _section_cstart, $3  }
0xc0: {  	[dreg:$0x1] =	wrdreg $0xFFFFFFFF  }
0xc1: {  	_ =	task.clear_ibuf [dreg:s6], $0x2FFFF;
	_ =	strace $0x9FFFFFFF  }
0xc2: {  	(tm) =	ssettm $0x7FFFFFFF  }
0xc3: {  	_ =	shalt  }
tec
execute0_lowered:
.L_overlay_start_1:
0x0: {  	(tag) =	ssettag $0x1  }
0x1: {  	s0 =	rddreg [dreg:$0x0]  }
0x2: {  	s1 =	rddreg [dreg:$0x1];
	s2 =	srdreg.scid  }
0x3: {  	s3 =	simm.s32 $0x0;
	s19 =	stileid.u32;
	s14 =	simm.s32 $0x1  }
0x4: {  	s15 =	simm.s32 $0x80;
	s16 =	simm.s32 $0x600;
	s26 =	simm.s32 $0x100  }
0x5: {  	s28 =	simm.s32 $0x380;
	s29 =	simm.s32 $0x4;
	s30 =	simm.s32 $0x400  }
0x6: {  	s31 =	simm.s32 $0x5;
	s2 =	sand.u32 $0x1, s2;
	s5 =	smul.u32 $0x9C0, s19  }
0x7: {  	[smem:$0x7FF] =	sst s3;
	s6 =	smul.u32 $0x9E00, s19;
	s7 =	sshll.u32 s19, $0x4  }
0x8: {  	s9 =	sadd.s32 $0x3600, s0;
	s20 =	sshll.u32 s19, $0x6;
	s4 =	smul.u32 $0x9C40, s2  }
0x9: {  	p0 =	sgt.u32 s19, $0x3;
	_ =	strace $0x8000004A;
	s8 =	smul.u32 $0x9E000, s2  }
0xa: {  	s7 =	sor.u32 $0x9C00, s7;
	s2 =	ssub.s32 $0x2, s2;
	s21 =	sor.u32 $0x1C08, s20  }
0xb: {  	[dreg:$0x5] =	wrdreg s26;
	s20 =	simm.s32 $0x3600;
	s26 =	simm.s32 $0x3  }
0xc: {  	s10 =	sadd.s32 s5, s0;
	s11 =	sadd.s32 s7, s0;
	s12 =	sshrl.u32 s6, $0x3  }
0xd: {  	s13 =	sshrl.u32 s2, $0x1;
	s17 =	sadd.s32 s6, s1;
	s22 =	sadd.s32 s9, s7  }
0xe: {  	s25 =	sadd.s32 s5, s9;
	s9 =	smov.u32 s21;
	s21 =	simm.s32 $0x200  }
0xf: {  	s7 =	simm.s32 $0x7;
	s4 =	sadd.s32 s4, s0;
	s8 =	sadd.s32 s6, s8  }
0x10: {  	s12 =	sadd.s32 s12, s0;
	s2 =	ssub.s32 s2, s13;
	[dreg:$0x8] =	wrdreg s22  }
0x11: {  	s23 =	sadd.s32 $0xD400, s11;
	s24 =	sadd.s32 $0x17400, s10;
	[dreg:$0x4] =	wrdreg s25  }
0x12: {  	s10 =	sshrl.u32 s17, $0x3;
	s13 =	simm.s32 $0x300;
	s17 =	simm.s32 $0x1600  }
0x13: {  	s22 =	simm.s32 $0x4600;
	s25 =	simm.s32 $0x2;
	[dreg:$0x7] =	wrdreg s9  }
0x14: {  	s11 =	simm.s32 $0x0;
	s8 =	sshrl.u32 s8, $0x3;
	[dreg:$0x9] =	wrdreg s23  }
0x15: {  	s18 =	sadd.s32 $0x34A00, s12;
	s6 =	sadd.s32 $0x21000, s4;
	[dreg:$0x3] =	wrdreg s24  }
0x16: {  	s2 =	smax.u32 s2, $0x1;
	s12 =	simm.s32 $0x8;
	[dreg:$0xc] =	wrdreg s10  }
0x17: {  	s23 =	simm.s32 $0x280;
	s24 =	simm.s32 $0x5600;
	[dreg:$0x6] =	wrdreg s18  }
0x18: {  	s4 =	simm.s32 $0x500;
	s0 =	sadd.s32 s8, s0;
	[dreg:$0xb] =	wrdreg s2  }
0x19: {  	s18 =	simm.s32 $0x2600;
	s2 =	simm.s32 $0x6;
	s0 =	sadd.s32 $0x48600, s0  }
0x1a: {  	s8 =	simm.s32 $0x580;
	[dreg:$0xa] =	wrdreg s0;
	s0 =	simm.s32 $0x480  }
.LBB2_1:
0x1b: {  	[dreg:$0xd] =	wrdreg s11  }
0x1c: {  	s5 =	rddreg [dreg:$0x6]  }
0x1d: {  	[spmem:s10], [sflag:s9] =	dma.local [hbm:s5], $0x13C0  }
0x1e: {  	_ =	swait.ge [sflag:s12], $0x13C0  }
0x1f: {  	[sflag:s12] =	ssyncset.done $0x0  }
0x20: {  	[sflag:s12] =	ssyncadd.s32 $0xFFFFEC40  }
0x21: {  	[bflag:$0x0] =	sbarrier.arrive $0xFFFF  }
0x22: {  	s19 =	rddreg [dreg:$0x4]  }
0x23: {  	s9 =	rddreg [dreg:$0x3];
	s5 =	sadd.s32 $0x0, s19  }
0x24: {  	[tilespmem:s3], [sflag:$0x1] =	stream.linear.gather [hbm4b:s5+s3], $0x300, $0x38;
	[tilespmem:$0x10400] =	vst v63  }
0x25: {  	s10 =	sadd.s32 $0x0, s9  }
0x26: {  	[tilespmem:s13], [sflag:$0x1] =	stream.linear.gather [hbm4b:s10+s3], $0x300, $0x38;
	[tilespmem:$0x10400] =	vst v63  }
0x27: {  	_ =	swait.ge [sflag:s14], $0x300  }
0x28: {  	[sflag:s14] =	ssyncset.done $0x0  }
0x29: {  	[sflag:s14] =	ssyncadd.s32 $0xFFFFFD00  }
0x2a: {  	_ =	swait.ge [sflag:s14], $0x300  }
0x2b: {  	[sflag:s14] =	ssyncset.done $0x0  }
0x2c: {  	[sflag:s14] =	ssyncadd.s32 $0xFFFFFD00  }
0x2d: {  	[tilespmem:s16], [sflag:$0x2] =	stream.indirect.gather [hbm4b:s6+s15], $0x20, s3, s15, $0xb8;
	[tilespmem:$0x10400] =	vst v63  }
0x2e: {  	_ = 	snop  }
0x2f: {  	[tilespmem:s17], [sflag:$0x3] =	stream.indirect.gather [hbm4b:s6+s15], $0x20, s15, s15, $0xb8;
	[tilespmem:$0x10400] =	vst v63  }
0x30: {  	s11 =	rddreg [dreg:$0x5]  }
0x31: {  	[tilespmem:s18], [sflag:$0x4] =	stream.indirect.gather [hbm4b:s6+s15], $0x20, s11, s15, $0xb8;
	[tilespmem:$0x10400] =	vst v63  }
0x32: {  	s19 =	simm.s32 $0x180  }
0x33: {  	[tilespmem:s20], [sflag:$0x5] =	stream.indirect.gather [hbm4b:s6+s15], $0x20, s19, s15, $0xb8;
	[tilespmem:$0x10400] =	vst v63  }
0x34: {  	_ = 	snop  }
0x35: {  	[tilespmem:s22], [sflag:$0x6] =	stream.indirect.gather [hbm4b:s6+s15], $0x20, s21, s15, $0xb8;
	[tilespmem:$0x10400] =	vst v63  }
0x36: {  	_ = 	snop  }
0x37: {  	[tilespmem:s24], [sflag:$0x7] =	stream.indirect.gather [hbm4b:s6+s15], $0x20, s23, s15, $0xb8;
	[tilespmem:$0x10400] =	vst v63  }
0x38: {  	_ =	swait.ge [sflag:s25], $0x1000  }
0x39: {  	[sflag:s25] =	ssyncset.done $0x0  }
0x3a: {  	[sflag:s25] =	ssyncadd.s32 $0xFFFFF000  }
0x3b: {  	[spmem:s1] =	stream.indirect.scatter.add.f32 [tilespmem:s16], [sflag:$0x8], $0x20, s13, s15, $0xb8;
	[tilespmem:$0x10400] =	vst v63  }
0x3c: {  	_ =	swait.ge [sflag:s12], $0x1000  }
0x3d: {  	[sflag:s12] =	ssyncset.done $0x0  }
0x3e: {  	[sflag:s12] =	ssyncadd.s32 $0xFFFFF000  }
0x3f: {  	_ =	swait.ge [sflag:s26], $0x1000  }
0x40: {  	[sflag:s26] =	ssyncset.done $0x0  }
0x41: {  	[sflag:s26] =	ssyncadd.s32 $0xFFFFF000  }
0x42: {  	[spmem:s1] =	stream.indirect.scatter.add.f32 [tilespmem:s17], [sflag:$0x8], $0x20, s28, s15, $0xb8;
	[tilespmem:$0x10400] =	vst v63  }
0x43: {  	_ =	swait.ge [sflag:s12], $0x1000  }
0x44: {  	[sflag:s12] =	ssyncset.done $0x0  }
0x45: {  	[sflag:s12] =	ssyncadd.s32 $0xFFFFF000  }
0x46: {  	_ =	swait.ge [sflag:s29], $0x1000  }
0x47: {  	[sflag:s29] =	ssyncset.done $0x0  }
0x48: {  	[sflag:s29] =	ssyncadd.s32 $0xFFFFF000  }
0x49: {  	[spmem:s1] =	stream.indirect.scatter.add.f32 [tilespmem:s18], [sflag:$0x8], $0x20, s30, s15, $0xb8;
	[tilespmem:$0x10400] =	vst v63  }
0x4a: {  	_ =	swait.ge [sflag:s12], $0x1000  }
0x4b: {  	[sflag:s12] =	ssyncset.done $0x0  }
0x4c: {  	[sflag:s12] =	ssyncadd.s32 $0xFFFFF000  }
0x4d: {  	_ =	swait.ge [sflag:s31], $0x1000  }
0x4e: {  	[sflag:s31] =	ssyncset.done $0x0  }
0x4f: {  	[sflag:s31] =	ssyncadd.s32 $0xFFFFF000  }
0x50: {  	[spmem:s1] =	stream.indirect.scatter.add.f32 [tilespmem:s20], [sflag:$0x8], $0x20, s0, s15, $0xb8;
	[tilespmem:$0x10400] =	vst v63  }
0x51: {  	_ =	swait.ge [sflag:s12], $0x1000  }
0x52: {  	[sflag:s12] =	ssyncset.done $0x0  }
0x53: {  	[sflag:s12] =	ssyncadd.s32 $0xFFFFF000  }
0x54: {  	_ =	swait.ge [sflag:s2], $0x1000  }
0x55: {  	[sflag:s2] =	ssyncset.done $0x0  }
0x56: {  	[sflag:s2] =	ssyncadd.s32 $0xFFFFF000  }
0x57: {  	[spmem:s1] =	stream.indirect.scatter.add.f32 [tilespmem:s22], [sflag:$0x8], $0x20, s4, s15, $0xb8;
	[tilespmem:$0x10400] =	vst v63  }
0x58: {  	_ =	swait.ge [sflag:s12], $0x1000  }
0x59: {  	[sflag:s12] =	ssyncset.done $0x0  }
0x5a: {  	[sflag:s12] =	ssyncadd.s32 $0xFFFFF000  }
0x5b: {  	_ =	swait.ge [sflag:s7], $0x1000  }
0x5c: {  	[sflag:s7] =	ssyncset.done $0x0  }
0x5d: {  	[sflag:s7] =	ssyncadd.s32 $0xFFFFF000  }
0x5e: {  	[spmem:s1] =	stream.indirect.scatter.add.f32 [tilespmem:s24], [sflag:$0x8], $0x20, s8, s15, $0xb8;
	[tilespmem:$0x10400] =	vst v63  }
0x5f: {  	s5 =	simm.s32 $0xC0;
	_ =	swait.ge [sflag:s12], $0x1000  }
0x60: {  	s10 =	simm.s32 $0x60;
	s11 =	rddreg [dreg:$0x4];
	[sflag:s12] =	ssyncset.done $0x0  }
.LBB2_2:
0x61: {  	[sflag:s12] =	ssyncadd.s32 $0xFFFFF000;
	s19 =	rddreg [dreg:$0x3];
	s11 =	sadd.s32 s10, s11  }
0x62: {  	[tilespmem:s3], [sflag:$0x1] =	stream.linear.gather [hbm4b:s11+s3], $0x300, $0x38;
	[tilespmem:$0x10400] =	vst v63  }
0x63: {  	s19 =	sadd.s32 s10, s19  }
0x64: {  	[tilespmem:s13], [sflag:$0x1] =	stream.linear.gather [hbm4b:s19+s3], $0x300, $0x38;
	[tilespmem:$0x10400] =	vst v63  }
0x65: {  	_ =	swait.ge [sflag:s14], $0x300  }
0x66: {  	[sflag:s14] =	ssyncset.done $0x0  }
0x67: {  	[sflag:s14] =	ssyncadd.s32 $0xFFFFFD00  }
0x68: {  	_ =	swait.ge [sflag:s14], $0x300  }
0x69: {  	[sflag:s14] =	ssyncset.done $0x0  }
0x6a: {  	[sflag:s14] =	ssyncadd.s32 $0xFFFFFD00  }
0x6b: {  	[tilespmem:s16], [sflag:$0x2] =	stream.indirect.gather [hbm4b:s6+s15], $0x20, s3, s15, $0xb8;
	[tilespmem:$0x10400] =	vst v63  }
0x6c: {  	_ = 	snop  }
0x6d: {  	[tilespmem:s17], [sflag:$0x3] =	stream.indirect.gather [hbm4b:s6+s15], $0x20, s15, s15, $0xb8;
	[tilespmem:$0x10400] =	vst v63  }
0x6e: {  	s11 =	rddreg [dreg:$0x5]  }
0x6f: {  	[tilespmem:s18], [sflag:$0x4] =	stream.indirect.gather [hbm4b:s6+s15], $0x20, s11, s15, $0xb8;
	[tilespmem:$0x10400] =	vst v63  }
0x70: {  	s19 =	simm.s32 $0x180  }
0x71: {  	[tilespmem:s20], [sflag:$0x5] =	stream.indirect.gather [hbm4b:s6+s15], $0x20, s19, s15, $0xb8;
	[tilespmem:$0x10400] =	vst v63  }
0x72: {  	_ = 	snop  }
0x73: {  	[tilespmem:s22], [sflag:$0x6] =	stream.indirect.gather [hbm4b:s6+s15], $0x20, s21, s15, $0xb8;
	[tilespmem:$0x10400] =	vst v63  }
0x74: {  	_ = 	snop  }
0x75: {  	[tilespmem:s24], [sflag:$0x7] =	stream.indirect.gather [hbm4b:s6+s15], $0x20, s23, s15, $0xb8;
	[tilespmem:$0x10400] =	vst v63  }
0x76: {  	_ =	swait.ge [sflag:s25], $0x1000  }
0x77: {  	[sflag:s25] =	ssyncset.done $0x0  }
0x78: {  	[sflag:s25] =	ssyncadd.s32 $0xFFFFF000  }
0x79: {  	[spmem:s1] =	stream.indirect.scatter.add.f32 [tilespmem:s16], [sflag:$0x8], $0x20, s13, s15, $0xb8;
	[tilespmem:$0x10400] =	vst v63  }
0x7a: {  	_ =	swait.ge [sflag:s12], $0x1000  }
0x7b: {  	[sflag:s12] =	ssyncset.done $0x0  }
0x7c: {  	[sflag:s12] =	ssyncadd.s32 $0xFFFFF000  }
0x7d: {  	_ =	swait.ge [sflag:s26], $0x1000  }
0x7e: {  	[sflag:s26] =	ssyncset.done $0x0  }
0x7f: {  	[sflag:s26] =	ssyncadd.s32 $0xFFFFF000  }
0x80: {  	[spmem:s1] =	stream.indirect.scatter.add.f32 [tilespmem:s17], [sflag:$0x8], $0x20, s28, s15, $0xb8;
	[tilespmem:$0x10400] =	vst v63  }
0x81: {  	_ =	swait.ge [sflag:s12], $0x1000  }
0x82: {  	[sflag:s12] =	ssyncset.done $0x0  }
0x83: {  	[sflag:s12] =	ssyncadd.s32 $0xFFFFF000  }
0x84: {  	_ =	swait.ge [sflag:s29], $0x1000  }
0x85: {  	[sflag:s29] =	ssyncset.done $0x0  }
0x86: {  	[sflag:s29] =	ssyncadd.s32 $0xFFFFF000  }
0x87: {  	[spmem:s1] =	stream.indirect.scatter.add.f32 [tilespmem:s18], [sflag:$0x8], $0x20, s30, s15, $0xb8;
	[tilespmem:$0x10400] =	vst v63  }
0x88: {  	_ =	swait.ge [sflag:s12], $0x1000  }
0x89: {  	[sflag:s12] =	ssyncset.done $0x0  }
0x8a: {  	[sflag:s12] =	ssyncadd.s32 $0xFFFFF000  }
0x8b: {  	_ =	swait.ge [sflag:s31], $0x1000  }
0x8c: {  	[sflag:s31] =	ssyncset.done $0x0  }
0x8d: {  	[sflag:s31] =	ssyncadd.s32 $0xFFFFF000  }
0x8e: {  	[spmem:s1] =	stream.indirect.scatter.add.f32 [tilespmem:s20], [sflag:$0x8], $0x20, s0, s15, $0xb8;
	[tilespmem:$0x10400] =	vst v63  }
0x8f: {  	_ =	swait.ge [sflag:s12], $0x1000  }
0x90: {  	[sflag:s12] =	ssyncset.done $0x0  }
0x91: {  	[sflag:s12] =	ssyncadd.s32 $0xFFFFF000  }
0x92: {  	_ =	swait.ge [sflag:s2], $0x1000  }
0x93: {  	[sflag:s2] =	ssyncset.done $0x0  }
0x94: {  	[sflag:s2] =	ssyncadd.s32 $0xFFFFF000  }
0x95: {  	[spmem:s1] =	stream.indirect.scatter.add.f32 [tilespmem:s22], [sflag:$0x8], $0x20, s4, s15, $0xb8;
	[tilespmem:$0x10400] =	vst v63  }
0x96: {  	_ =	swait.ge [sflag:s12], $0x1000  }
0x97: {  	[sflag:s12] =	ssyncset.done $0x0  }
0x98: {  	[sflag:s12] =	ssyncadd.s32 $0xFFFFF000  }
0x99: {  	p1 =	sne.s32 s5, $0x960;
	_ =	swait.ge [sflag:s7], $0x1000  }
.Ltmp0:
0x9a: {  	[sflag:s7] =	ssyncset.done $0x0;
	(pc) =	sbr.rel @p1 .LBB2_2-.Ltmp0, $4  }
0x9b: {  	[sflag:s7] =	ssyncadd.s32 $0xFFFFF000  }
0x9c: {  	[spmem:s1] =	stream.indirect.scatter.add.f32 [tilespmem:s24], [sflag:$0x8], $0x20, s8, s15, $0xb8;
	[tilespmem:$0x10400] =	vst v63  }
0x9d: {  	s9 =	smov.u32 s5;
	s5 =	sadd.s32 $0x60, s5;
	_ =	swait.ge [sflag:s12], $0x1000  }
0x9e: {  	s10 =	smov.u32 s9;
	s11 =	rddreg [dreg:$0x4];
	[sflag:s12] =	ssyncset.done $0x0  }
0x9f: {  	s5 =	rddreg [dreg:$0x3];
	[sflag:s12] =	ssyncadd.s32 $0xFFFFF000;
	s9 =	sadd.s32 s10, s11  }
0xa0: {  	[tilespmem:s3], [sflag:$0x1] =	stream.linear.gather [hbm4b:s9+s3], $0x300, $0x38;
	[tilespmem:$0x10400] =	vst v63  }
0xa1: {  	s5 =	sadd.s32 s10, s5  }
0xa2: {  	[tilespmem:s13], [sflag:$0x1] =	stream.linear.gather [hbm4b:s5+s3], $0x300, $0x38;
	[tilespmem:$0x10400] =	vst v63  }
0xa3: {  	_ =	swait.ge [sflag:s14], $0x300  }
0xa4: {  	[sflag:s14] =	ssyncset.done $0x0  }
0xa5: {  	[sflag:s14] =	ssyncadd.s32 $0xFFFFFD00  }
0xa6: {  	_ =	swait.ge [sflag:s14], $0x300  }
0xa7: {  	[sflag:s14] =	ssyncset.done $0x0  }
0xa8: {  	[sflag:s14] =	ssyncadd.s32 $0xFFFFFD00  }
0xa9: {  	[tilespmem:s16], [sflag:$0x2] =	stream.indirect.gather [hbm4b:s6+s15], $0x20, s3, s15, $0xb8;
	[tilespmem:$0x10400] =	vst v63  }
0xaa: {  	_ = 	snop  }
0xab: {  	[tilespmem:s17], [sflag:$0x3] =	stream.indirect.gather [hbm4b:s6+s15], $0x20, s15, s15, $0xb8;
	[tilespmem:$0x10400] =	vst v63  }
0xac: {  	s10 =	rddreg [dreg:$0x5]  }
0xad: {  	[tilespmem:s18], [sflag:$0x4] =	stream.indirect.gather [hbm4b:s6+s15], $0x20, s10, s15, $0xb8;
	[tilespmem:$0x10400] =	vst v63  }
0xae: {  	s11 =	simm.s32 $0x180  }
0xaf: {  	[tilespmem:s20], [sflag:$0x5] =	stream.indirect.gather [hbm4b:s6+s15], $0x20, s11, s15, $0xb8;
	[tilespmem:$0x10400] =	vst v63  }
0xb0: {  	_ = 	snop  }
0xb1: {  	[tilespmem:s22], [sflag:$0x6] =	stream.indirect.gather [hbm4b:s6+s15], $0x20, s21, s15, $0xb8;
	[tilespmem:$0x10400] =	vst v63  }
0xb2: {  	_ = 	snop  }
0xb3: {  	[tilespmem:s24], [sflag:$0x7] =	stream.indirect.gather [hbm4b:s6+s15], $0x20, s23, s15, $0xb8;
	[tilespmem:$0x10400] =	vst v63  }
0xb4: {  	_ =	swait.ge [sflag:s25], $0x1000  }
0xb5: {  	[sflag:s25] =	ssyncset.done $0x0  }
0xb6: {  	[sflag:s25] =	ssyncadd.s32 $0xFFFFF000  }
0xb7: {  	[spmem:s1] =	stream.indirect.scatter.add.f32 [tilespmem:s16], [sflag:$0x8], $0x20, s13, s15, $0xb8;
	[tilespmem:$0x10400] =	vst v63  }
0xb8: {  	_ =	swait.ge [sflag:s12], $0x1000  }
0xb9: {  	[sflag:s12] =	ssyncset.done $0x0  }
0xba: {  	[sflag:s12] =	ssyncadd.s32 $0xFFFFF000  }
0xbb: {  	_ =	swait.ge [sflag:s26], $0x1000  }
0xbc: {  	[sflag:s26] =	ssyncset.done $0x0  }
0xbd: {  	[sflag:s26] =	ssyncadd.s32 $0xFFFFF000  }
0xbe: {  	[spmem:s1] =	stream.indirect.scatter.add.f32 [tilespmem:s17], [sflag:$0x8], $0x20, s28, s15, $0xb8;
	[tilespmem:$0x10400] =	vst v63  }
0xbf: {  	_ =	swait.ge [sflag:s12], $0x1000  }
0xc0: {  	[sflag:s12] =	ssyncset.done $0x0  }
0xc1: {  	[sflag:s12] =	ssyncadd.s32 $0xFFFFF000  }
0xc2: {  	_ =	swait.ge [sflag:s29], $0x1000  }
0xc3: {  	[sflag:s29] =	ssyncset.done $0x0  }
0xc4: {  	[sflag:s29] =	ssyncadd.s32 $0xFFFFF000  }
0xc5: {  	[spmem:s1] =	stream.indirect.scatter.add.f32 [tilespmem:s18], [sflag:$0x8], $0x20, s30, s15, $0xb8;
	[tilespmem:$0x10400] =	vst v63  }
0xc6: {  	_ =	swait.ge [sflag:s12], $0x1000  }
0xc7: {  	[sflag:s12] =	ssyncset.done $0x0  }
0xc8: {  	[sflag:s12] =	ssyncadd.s32 $0xFFFFF000  }
0xc9: {  	_ =	swait.ge [sflag:s31], $0x1000  }
0xca: {  	[sflag:s31] =	ssyncset.done $0x0  }
0xcb: {  	[sflag:s31] =	ssyncadd.s32 $0xFFFFF000  }
0xcc: {  	[spmem:s1] =	stream.indirect.scatter.add.f32 [tilespmem:s20], [sflag:$0x8], $0x20, s0, s15, $0xb8;
	[tilespmem:$0x10400] =	vst v63  }
0xcd: {  	_ =	swait.ge [sflag:s12], $0x1000  }
0xce: {  	[sflag:s12] =	ssyncset.done $0x0  }
0xcf: {  	[sflag:s12] =	ssyncadd.s32 $0xFFFFF000  }
0xd0: {  	_ =	swait.ge [sflag:s2], $0x1000  }
0xd1: {  	[sflag:s2] =	ssyncset.done $0x0  }
0xd2: {  	[sflag:s2] =	ssyncadd.s32 $0xFFFFF000  }
0xd3: {  	[spmem:s1] =	stream.indirect.scatter.add.f32 [tilespmem:s22], [sflag:$0x8], $0x20, s4, s15, $0xb8;
	[tilespmem:$0x10400] =	vst v63  }
0xd4: {  	_ =	swait.ge [sflag:s12], $0x1000  }
0xd5: {  	[sflag:s12] =	ssyncset.done $0x0  }
0xd6: {  	[sflag:s12] =	ssyncadd.s32 $0xFFFFF000  }
0xd7: {  	_ =	swait.ge [sflag:s7], $0x1000  }
0xd8: {  	[sflag:s7] =	ssyncset.done $0x0  }
0xd9: {  	[sflag:s7] =	ssyncadd.s32 $0xFFFFF000  }
0xda: {  	[spmem:s1] =	stream.indirect.scatter.add.f32 [tilespmem:s24], [sflag:$0x8], $0x20, s8, s15, $0xb8;
	[tilespmem:$0x10400] =	vst v63  }
0xdb: {  	_ =	swait.ge [sflag:s12], $0x1000  }
0xdc: {  	[sflag:s12] =	ssyncset.done $0x0  }
0xdd: {  	s5 =	simm.s32 @!p0 $0x0;
	s9 =	rddreg [dreg:$0x8];
	[sflag:s12] =	ssyncadd.s32 $0xFFFFF000  }
0xde: {  	[tilespmem:s5], [sflag:$0x8] =	stream.linear.gather @!p0 [hbm4b:s9+s5], $0x80, $0x38;
	[tilespmem:$0x10400] =	vst v63  }
0xdf: {  	s9 =	simm.s32 @!p0 $0x8  }
0xe0: {  	_ =	swait.ge @!p0 [sflag:s9], $0x80  }
0xe1: {  	[sflag:s9] =	ssyncset.done @!p0 $0x0  }
0xe2: {  	s10 =	simm.s32 @!p0 $0x300;
	s11 =	rddreg [dreg:$0x9];
	[sflag:s9] =	ssyncadd.s32 @!p0 $0xFFFFFF80  }
0xe3: {  	[tilespmem:s10], [sflag:$0x8] =	stream.linear.gather @!p0 [hbm4b:s11+s5], $0x80, $0x38;
	[tilespmem:$0x10400] =	vst v63  }
0xe4: {  	_ =	swait.ge @!p0 [sflag:s9], $0x80  }
0xe5: {  	[sflag:s9] =	ssyncset.done @!p0 $0x0  }
0xe6: {  	s19 =	simm.s32 @!p0 $0x600;
	s11 =	simm.s32 @!p0 $0x80;
	[sflag:s9] =	ssyncadd.s32 @!p0 $0xFFFFFF80  }
0xe7: {  	[tilespmem:s19], [sflag:$0x2] =	stream.indirect.gather @!p0 [hbm4b:s6+s11], $0x20, s5, s11, $0xb8;
	[tilespmem:$0x10400] =	vst v63  }
0xe8: {  	s5 =	simm.s32 @!p0 $0x2  }
0xe9: {  	_ =	swait.ge @!p0 [sflag:s5], $0x1000  }
0xea: {  	[sflag:s5] =	ssyncset.done @!p0 $0x0  }
0xeb: {  	[sflag:s5] =	ssyncadd.s32 @!p0 $0xFFFFF000  }
0xec: {  	[spmem:s1] =	stream.indirect.scatter.add.f32 @!p0 [tilespmem:s19], [sflag:$0x8], $0x20, s10, s11, $0xb8;
	[tilespmem:$0x10400] =	vst v63  }
0xed: {  	_ =	swait.ge @!p0 [sflag:s9], $0x1000  }
0xee: {  	[sflag:s9] =	ssyncset.done @!p0 $0x0  }
0xef: {  	[sflag:s9] =	ssyncadd.s32 @!p0 $0xFFFFF000  }
0xf0: {  	[bflag:$0x0] =	sbarrier.arrive $0xFFFF  }
0xf1: {  	s9 =	rddreg [dreg:$0x7]  }
0xf2: {  	s19 =	rddreg [dreg:$0xa]  }
0xf3: {  	s10 =	rddreg [dreg:$0xc]  }
0xf4: {  	[hbm:s19], [sflag:s9] =	dma.local [spmem:s10], $0x13C0  }
0xf5: {  	_ =	swait.ge [sflag:s12], $0x13C0  }
0xf6: {  	s5 =	rddreg [dreg:$0xd]  }
0xf7: {  	s19 =	rddreg [dreg:$0xb];
	s11 =	sadd.s32 $0x1, s5  }
0xf8: {  	p1 =	sne.s32 s11, s19  }
.Ltmp1:
0xf9: {  	_ = 	snop;
	(pc) =	sbr.rel @p1 .LBB2_1-.Ltmp1, $3  }
0xfa: {  	_ =	sdelay $0x1  }
0xfb: {  	[sflag:s12] =	ssyncset.done $0x0  }
0xfc: {  	[sflag:s12] =	ssyncadd.s32 $0xFFFFEC40  }
0xfd: {  	_ =	sfence.sel $0x180000  }
0xfe: {  	[bflag:$0x0] =	sbarrier.arrive $0xFFFF  }
0xff: {  	_ =	strace $0x9000004A  }
0x100: {  	s0 =	stileid.u32;
	[bflag:$0x2] =	sbarrier.arrive $0xFFFF  }
0x101: {  	p0 =	sne.s32 s0, $0x0;
	s0 =	rddreg [dreg:$0x2]  }
0x102: {  	s0 =	sadd.s32 @!p0 $0x100000, s0  }
0x103: {  	[sflag:s0] =	ssyncadd.tile.s32 @!p0 $0x1;
	_ =	shalt  }
.Lfunc_end2:
_tile_overlayer_lowered:
.L_overlay_start_2:
0x104: {  	(tag) =	ssettag $0x2  }
0x105: {  	s0 =	rddreg [dreg:$0x0];
	s2 =	stileid.u32  }
0x106: {  	s1 =	rddreg [dreg:$0x1];
	p0 =	sne.s32 s2, $0x0  }
0x107: {  	s3 =	rddreg [dreg:$0x2];
	[bflag:$0x3] =	sbarrier.arrive $0xFFFF;
	s2 =	simm.s32 @!p0 $0x1C08  }
0x108: {  	[timem:s3], [sflag:s2] =	dma.local @!p0 [hbm:s0], s1  }
0x109: {  	s0 =	simm.s32 @!p0 $0x8  }
0x10a: {  	_ =	swait.ge @!p0 [sflag:s0], s1  }
0x10b: {  	s1 =	ssub.s32 @!p0 $0x0, s1;
	[sflag:s0] =	ssyncset.done @!p0 $0x0  }
0x10c: {  	[sflag:s0] =	ssyncadd.s32 @!p0 s1  }
0x10d: {  	[bflag:$0x3] =	sbarrier.arrive $0xFFFF  }
0x10e: {  	_ =	shalt  }

// kernel: kernel.7.cloned.1.call-start
scs
__scs_entry_jumppad:
0x0: {  	(pc) =	sbr.rel $0x88, $3  }
0x1: {  	(tag) =	ssettag $0x0;
	lr =	simm.s32 $0x1  }
0x2: {  	[smem:$0x3F8A] =	sst lr;
	_ =	strace $0xD0000000  }
0x3: {  	_ = 	snop  }
0x4: {  	_ = 	snop  }
0x5: {  	_ = 	snop  }
0x6: {  	_ = 	snop  }
0x7: {  	_ = 	snop  }
__scs_overlays_trampoline_lowered:
0x8: {  	[smem:$0x3F99] =	sst s0  }
0x9: {  	[smem:$0x3F9A] =	sst s1  }
0xa: {  	[smem:$0x3F9B] =	sst s2  }
0xb: {  	[smem:$0x3F9C] =	sst s3  }
0xc: {  	[smem:$0x3F9D] =	sst s4  }
0xd: {  	[smem:$0x3F9E] =	sst s5  }
0xe: {  	[smem:$0x3F9F] =	sst s6  }
0xf: {  	[smem:$0x3FA0] =	sst s7  }
0x10: {  	[smem:$0x3FA1] =	sst s8  }
0x11: {  	[smem:$0x3FA2] =	sst s9;
	s0 =	simm.s32 @!p0 $0x0  }
0x12: {  	s1 =	sld [smem:$0x3F88];
	s0 =	simm.s32 @p0 $0x1  }
0x13: {  	[smem:$0x3FA3] =	sst s0;
	s0 =	simm.s32 @!p1 $0x0  }
0x14: {  	s2 =	sld [smem:$0x3F87];
	s0 =	simm.s32 @p1 $0x1  }
0x15: {  	[smem:$0x3FA4] =	sst s0;
	s0 =	simm.s32 @!p2 $0x0  }
0x16: {  	s3 =	sld [smem:$0x3FDB];
	s0 =	simm.s32 @p2 $0x1  }
0x17: {  	s4 =	simm.s32 $0x1BF5;
	[smem:$0x3FA6] =	sst s0  }
0x18: {  	s0 =	sld [smem:$0x3F89];
	_ =	swait.ge [sflag:s4], $0x0  }
0x19: {  	s7 =	sld [smem:$0x3F8A]  }
0x1a: {  	s8 =	sadd.s32 $0xFFFFE003, lr  }
0x1b: {  	s9 =	sadd.s32 $0xFFFFFEF7, lr;
	s5 =	simm.s32 $0xFFFFFFFF;
	p2 =	slt.u32 s8, $0xFFFFF086  }
0x1c: {  	p1 =	slt.u32 s9, $0xF7A;
	s5 =	simm.s32 @!p2 $0x0  }
0x1d: {  	s5 =	simm.s32 @p1 $0x1;
	p0 =	seq.s32 s7, s2  }
0x1e: {  	s7 =	smul.u32 @!p0 $0xF7A, s2;
	p2 =	seq.s32 @!p0 s5, $0x0  }
0x1f: {  	s9 =	smul.u32 $0xF7A, s1;
	s8 =	simm.s32 @!p0 $0x1BF5;
	p2 =	por !p2, p0  }
0x20: {  	[sflag:s8] =	ssyncset.s32 @!p0 $0xFFFFF086;
	s6 =	sadd.s32 @!p0 s3, s7;
	s7 =	simm.s32 @!p0 $0x108  }
0x21: {  	s3 =	sadd.s32 s3, s9;
	s6 =	sadd.s32 @!p0 $0x88, s6;
	s7 =	simm.s32 @p2 $0x1082  }
0x22: {  	[simem:s7], [sflag:s8] =	dma.local @!p0 [hbm:s6], $0xF7A  }
0x23: {  	s9 =	sor.u32 $0xD0000000, s2;
	s6 =	simm.s32 $0x108;
	_ =	swait.ge @!p0 [sflag:s8], $0x0  }
0x24: {  	s3 =	sadd.s32 $0x88, s3;
	s6 =	simm.s32 @!p1 $0x1082;
	[sflag:s4] =	ssyncset.s32 $0xFFFFF086  }
0x25: {  	[simem:s6], [sflag:s4] =	dma.local [hbm:s3], $0xF7A  }
0x26: {  	[smem:$0x3F8A] =	sst s1;
	(tag) =	ssettag s2;
	_ =	strace s9  }
0x27: {  	s1 =	sld [smem:$0x3F9A]  }
0x28: {  	s2 =	sld [smem:$0x3F9B]  }
0x29: {  	s4 =	sld [smem:$0x3F9D]  }
0x2a: {  	p0 =	seq.s32 s5, $0x0;
	s5 =	sld [smem:$0x3F9E]  }
0x2b: {  	s6 =	sld [smem:$0x3F9F]  }
0x2c: {  	s7 =	sld [smem:$0x3FA0]  }
0x2d: {  	s3 =	simm.s32 $0x108;
	s8 =	sld [smem:$0x3FA1]  }
0x2e: {  	s3 =	simm.s32 @!p0 $0x1082;
	s9 =	sld [smem:$0x3FA2]  }
0x2f: {  	lr =	sadd.s32 s0, s3;
	s0 =	sld [smem:$0x3F99]  }
0x30: {  	s3 =	sld [smem:$0x3F9C]  }
0x31: {  	[smem:$0x3FA5] =	sst s10  }
0x32: {  	s10 =	sld [smem:$0x3FA3];
	_ =	sdelay $0x3  }
0x33: {  	p0 =	seq.s32 s10, $0x1;
	s10 =	sld [smem:$0x3FA5];
	_ =	sdelay $0x3  }
0x34: {  	[smem:$0x3FA5] =	sst s10  }
0x35: {  	s10 =	sld [smem:$0x3FA4];
	_ =	sdelay $0x3  }
0x36: {  	p1 =	seq.s32 s10, $0x1;
	s10 =	sld [smem:$0x3FA5];
	_ =	sdelay $0x3  }
0x37: {  	[smem:$0x3FA5] =	sst s10  }
0x38: {  	s10 =	sld [smem:$0x3FA6]  }
0x39: {  	_ = 	snop;
	(pc) =	sbr.ind lr, $3  }
0x3a: {  	_ = 	snop  }
0x3b: {  	_ = 	snop  }
0x3c: {  	p2 =	seq.s32 s10, $0x1;
	s10 =	sld [smem:$0x3FA5]  }
0x3d: {  	_ =	shalt  }
0x3e: {  	_ =	shalt  }
0x3f: {  	_ =	shalt  }
0x40: {  	_ =	shalt  }
0x41: {  	_ =	shalt  }
0x42: {  	_ =	shalt  }
0x43: {  	_ =	shalt  }
0x44: {  	_ =	shalt  }
0x45: {  	_ =	shalt  }
0x46: {  	_ =	shalt  }
0x47: {  	_ =	shalt  }
0x48: {  	_ =	shalt  }
0x49: {  	_ =	shalt  }
0x4a: {  	_ =	shalt  }
0x4b: {  	_ =	shalt  }
0x4c: {  	_ =	shalt  }
0x4d: {  	_ =	shalt  }
0x4e: {  	_ =	shalt  }
0x4f: {  	_ =	shalt  }
0x50: {  	_ =	shalt  }
0x51: {  	_ =	shalt  }
0x52: {  	_ =	shalt  }
0x53: {  	_ =	shalt  }
0x54: {  	_ =	shalt  }
0x55: {  	_ =	shalt  }
0x56: {  	_ =	shalt  }
0x57: {  	_ =	shalt  }
0x58: {  	_ =	shalt  }
0x59: {  	_ =	shalt  }
0x5a: {  	_ =	shalt  }
0x5b: {  	_ =	shalt  }
0x5c: {  	_ =	shalt  }
0x5d: {  	_ =	shalt  }
0x5e: {  	_ =	shalt  }
0x5f: {  	_ =	shalt  }
0x60: {  	_ =	shalt  }
0x61: {  	_ =	shalt  }
0x62: {  	_ =	shalt  }
0x63: {  	_ =	shalt  }
0x64: {  	_ =	shalt  }
0x65: {  	_ =	shalt  }
0x66: {  	_ =	shalt  }
0x67: {  	_ =	shalt  }
0x68: {  	_ =	shalt  }
0x69: {  	_ =	shalt  }
0x6a: {  	_ =	shalt  }
0x6b: {  	_ =	shalt  }
0x6c: {  	_ =	shalt  }
0x6d: {  	_ =	shalt  }
0x6e: {  	_ =	shalt  }
0x6f: {  	_ =	shalt  }
0x70: {  	_ =	shalt  }
0x71: {  	_ =	shalt  }
0x72: {  	_ =	shalt  }
0x73: {  	_ =	shalt  }
0x74: {  	_ =	shalt  }
0x75: {  	_ =	shalt  }
0x76: {  	_ =	shalt  }
0x77: {  	_ =	shalt  }
0x78: {  	_ =	shalt  }
0x79: {  	_ =	shalt  }
0x7a: {  	_ =	shalt  }
0x7b: {  	_ =	shalt  }
0x7c: {  	_ =	shalt  }
0x7d: {  	_ =	shalt  }
0x7e: {  	_ =	shalt  }
0x7f: {  	_ =	shalt  }
0x80: {  	_ =	shalt  }
0x81: {  	_ =	shalt  }
0x82: {  	_ =	shalt  }
0x83: {  	_ =	shalt  }
0x84: {  	_ =	shalt  }
0x85: {  	_ =	shalt  }
0x86: {  	_ =	shalt  }
0x87: {  	_ =	shalt  }
.Lfunc_end0:
.L_simem_size_0:
called_computation_lowered:
.L_overlay_start_0:
0x88: {  	s2 =	sld [smem:$0x3FD9]  }
0x89: {  	s3 =	sld [smem:$0x3FFE];
	_ =	sdelay $0x1  }
0x8a: {  	s1 =	srdreg.scid  }
0x8b: {  	s0 =	sand.u32 $0x1, s1  }
0x8c: {  	s16 =	sshll.u32 s0, $0xA;
	s2 =	sadd.s32 s3, s2  }
0x8d: {  	s2 =	sadd.s32 s2, s16  }
0x8e: {  	[smem:$0x3FB1] =	sst s2  }
0x8f: {  	_ = 	snop  }
0x90: {  	(tm) =	ssettm $0x1  }
0x91: {  	s17 =	sld [smem:$0x3FFB];
	_ =	sdelay $0x3  }
0x92: {  	_ =	strace s17  }
0x93: {  	s2 =	sld [smem:$0x3FFC];
	_ =	sdelay $0x3  }
0x94: {  	_ =	strace s2  }
0x95: {  	s2 =	sld [smem:$0x3FFD];
	_ =	sdelay $0x3  }
0x96: {  	_ =	strace s2  }
0x97: {  	_ =	strace $0x8FFFFFFF  }
0x98: {  	s18 =	sld [smem:$0x3FDB];
	_ =	sdelay $0x1  }
0x99: {  	s19 =	simm.s32 $_scs_section_size  }
0x9a: {  	s4 =	simm.s32 $_size__tile_overlayer_lowered;
	s5 =	simm.s32 $_tile_overlayer_lowered  }
0x9b: {  	s22 =	simm.s32 $0x1BFF;
	s21 =	sshll.u32 s5, $0x1;
	s2 =	sadd.s32 s19, s18  }
0x9c: {  	s6 =	simm.s32 $0x0;
	s20 =	sshll.u32 s4, $0x1;
	s4 =	sadd.s32 s21, s2  }
0x9d: {  	[timem:s6], [sflag:s22] =	dma.local [hbm:s4], s20  }
0x9e: {  	_ =	swait.ge [sflag:s22], s20  }
0x9f: {  	s3 =	ssub.s32 $0x0, s20;
	[sflag:s22] =	ssyncset.done $0x0  }
0xa0: {  	[sflag:s22] =	ssyncadd.s32 s3;
	_ =	sdelay $0x1  }
0xa1: {  	s23 =	simm.s32 $0x1B8B  }
0xa2: {  	_ =	swait.ge [sflag:s23], $0x1  }
0xa3: {  	[sflag:s23] =	ssyncset.done $0x0  }
0xa4: {  	s25 =	simm.s32 $0x1B8E;
	s24 =	sld [smem:$0x3FFE];
	[sflag:s23] =	ssyncadd.s32 $0xFFFFFFFF  }
0xa5: {  	s26 =	simm.s32 $execute0_lowered;
	[smem:$0x3FD2] =	sst s25  }
0xa6: {  	s4 =	sshll.u32 s26, $0x1;
	_ =	strace $0x80000046;
	[dreg:$0x1] =	wrdreg $0xFFFFFFFF  }
0xa7: {  	s28 =	simm.s32 $_size_execute0_lowered;
	s2 =	sadd.s32 s2, s4;
	[dreg:$0x0] =	wrdreg $0x0  }
0xa8: {  	s4 =	sshll.u32 s28, $0x1;
	[dreg:$0x2] =	wrdreg s2  }
0xa9: {  	[dreg:$0x3] =	wrdreg s4  }
0xaa: {  	[dreg:$0x4] =	wrdreg $0xC0  }
0xab: {  	_ =	task [dreg:s6], $0x5FFFF  }
0xac: {  	[dreg:$0x1] =	wrdreg $0xFFFFFFFF  }
0xad: {  	[dreg:$0x0] =	wrdreg $0x60  }
0xae: {  	[dreg:$0x2] =	wrdreg s24  }
0xaf: {  	[dreg:$0x3] =	wrdreg $0x84000  }
0xb0: {  	[dreg:$0x4] =	wrdreg $0x9  }
0xb1: {  	_ =	task.clear_ibuf [dreg:s6], $0x5FFFF;
	_ =	strace $0x90000046  }
0xb2: {  	s29 =	simm.s32 $0x9;
	_ =	strace $0x80000048  }
0xb3: {  	_ =	swait.ge [sflag:s29], $0x1  }
0xb4: {  	[sflag:s29] =	ssyncadd.s32 $0xFFFFFFFF  }
0xb5: {  	_ =	strace $0x90000048  }
0xb6: {  	_ =	sfence  }
0xb7: {  	s30 =	sld [smem:$0x0];
	_ =	sdelay $0x2  }
0xb8: {  	s31 =	sshll.u32 s1, $0xD;
	s1 =	sshrl.u32 s1, $0x2  }
0xb9: {  	s3 =	sand.u32 $0x4000, s31;
	s1 =	sadd.s32 s1, s30  }
0xba: {  	s0 =	sor.u32 s3, s0;
	s1 =	sshll.u32 s1, $0x11  }
0xbb: {  	s0 =	sor.u32 s1, s0  }
0xbc: {  	s0 =	sadd.s32 $0x8F2B, s0  }
0xbd: {  	[sflag:s0] =	ssyncadd.remote.s32 $0x1  }
0xbe: {  	_ =	sfence.sel $0xFFFF  }
0xbf: {  	[dreg:$0x0] =	wrdreg $0xFFFFFFFF;
	(pc) =	sbr.abs _section_cstart, $3  }
0xc0: {  	[dreg:$0x1] =	wrdreg $0xFFFFFFFF  }
0xc1: {  	_ =	task.clear_ibuf [dreg:s6], $0x2FFFF;
	_ =	strace $0x9FFFFFFF  }
0xc2: {  	(tm) =	ssettm $0x7FFFFFFF  }
0xc3: {  	_ =	shalt  }
tec
execute0_lowered:
.L_overlay_start_1:
0x0: {  	(tag) =	ssettag $0x1  }
0x1: {  	s0 =	rddreg [dreg:$0x0]  }
0x2: {  	s1 =	rddreg [dreg:$0x1];
	s2 =	srdreg.scid;
	s3 =	simm.s32 $0x0  }
0x3: {  	s26 =	stileid.u32;
	s14 =	simm.s32 $0x6;
	s15 =	simm.s32 $0x200  }
0x4: {  	s16 =	simm.s32 $0x1;
	s17 =	simm.s32 $0x80;
	s18 =	simm.s32 $0x400  }
0x5: {  	s19 =	simm.s32 $0x2400;
	s28 =	simm.s32 $0x4;
	s29 =	simm.s32 $0x300  }
0x6: {  	s30 =	simm.s32 $0x5;
	s31 =	simm.s32 $0x380;
	s2 =	sand.u32 $0x1, s2  }
0x7: {  	[smem:$0x7FF] =	sst s3;
	s7 =	smul.u32 $0x9C0, s26;
	s5 =	sshll.u32 s26, $0x4  }
0x8: {  	s6 =	smul.u32 $0x13C00, s26;
	s11 =	sadd.s32 $0x3600, s0;
	s21 =	sshll.u32 s26, $0x6  }
0x9: {  	p0 =	sgt.u32 s26, $0x3;
	s26 =	simm.s32 $0x280;
	s4 =	smul.u32 $0x13880, s2  }
0xa: {  	_ =	strace $0x80000047;
	s8 =	sor.u32 $0x9C00, s5;
	s20 =	smul.u32 $0x13C000, s2  }
0xb: {  	s2 =	ssub.s32 $0x2, s2;
	s12 =	sadd.s32 s7, s0;
	s9 =	sadd.s32 s8, s0  }
0xc: {  	s10 =	sshrl.u32 s6, $0x3;
	s13 =	sshrl.u32 s2, $0x1;
	s22 =	sadd.s32 s6, s1  }
0xd: {  	s24 =	sadd.s32 s11, s8;
	s11 =	sadd.s32 s7, s11;
	s4 =	sadd.s32 s4, s0  }
0xe: {  	s5 =	sadd.s32 s6, s20;
	s10 =	sadd.s32 s10, s0;
	s2 =	ssub.s32 s2, s13  }
0xf: {  	[dreg:$0x4] =	wrdreg s24;
	s25 =	sadd.s32 $0xD400, s9;
	s12 =	sadd.s32 $0x17400, s12  }
0x10: {  	s13 =	sshrl.u32 s22, $0x3;
	s20 =	simm.s32 $0x100;
	s22 =	simm.s32 $0x180  }
0x11: {  	s24 =	simm.s32 $0x2;
	s5 =	sshrl.u32 s5, $0x3;
	s23 =	sadd.s32 $0x48200, s10  }
0x12: {  	s6 =	sadd.s32 $0x21000, s4;
	[dreg:$0x5] =	wrdreg s25;
	s10 =	smax.u32 s2, $0x1  }
0x13: {  	s25 =	simm.s32 $0x3;
	s0 =	sadd.s32 s5, s0;
	[dreg:$0x3] =	wrdreg s23  }
0x14: {  	s5 =	sor.u32 $0x1C06, s21;
	s21 =	simm.s32 $0x4400;
	s0 =	sadd.s32 $0x6FA00, s0  }
0x15: {  	s23 =	simm.s32 $0x6400;
	[dreg:$0x6] =	wrdreg s0;
	s0 =	simm.s32 $0x0  }
.LBB2_1:
0x16: {  	s2 =	rddreg [dreg:$0x3]  }
0x17: {  	[spmem:s13], [sflag:s5] =	dma.local [hbm:s2], $0x2780  }
0x18: {  	_ =	swait.ge [sflag:s14], $0x2780  }
0x19: {  	[sflag:s14] =	ssyncset.done $0x0  }
0x1a: {  	[sflag:s14] =	ssyncadd.s32 $0xFFFFD880  }
0x1b: {  	s8 =	sadd.s32 $0x0, s11;
	[bflag:$0x0] =	sbarrier.arrive $0xFFFF  }
0x1c: {  	[tilespmem:s3], [sflag:$0x1] =	stream.linear.gather [hbm4b:s8+s3], $0x200, $0x38;
	[tilespmem:$0x1C000] =	vst v63  }
0x1d: {  	s9 =	sadd.s32 $0x0, s12  }
0x1e: {  	[tilespmem:s15], [sflag:$0x1] =	stream.linear.gather [hbm4b:s9+s3], $0x200, $0x38;
	[tilespmem:$0x1C000] =	vst v63  }
0x1f: {  	_ =	swait.ge [sflag:s16], $0x200  }
0x20: {  	[sflag:s16] =	ssyncset.done $0x0  }
0x21: {  	[sflag:s16] =	ssyncadd.s32 $0xFFFFFE00  }
0x22: {  	_ =	swait.ge [sflag:s16], $0x200  }
0x23: {  	[sflag:s16] =	ssyncset.done $0x0  }
0x24: {  	[sflag:s16] =	ssyncadd.s32 $0xFFFFFE00  }
0x25: {  	[tilespmem:s18], [sflag:$0x2] =	stream.indirect.gather [hbm4b:s6+s17], $0x40, s3, s17, $0xb8;
	[tilespmem:$0x1C000] =	vst v63  }
0x26: {  	_ = 	snop  }
0x27: {  	[tilespmem:s19], [sflag:$0x3] =	stream.indirect.gather [hbm4b:s6+s17], $0x40, s17, s17, $0xb8;
	[tilespmem:$0x1C000] =	vst v63  }
0x28: {  	_ = 	snop  }
0x29: {  	[tilespmem:s21], [sflag:$0x4] =	stream.indirect.gather [hbm4b:s6+s17], $0x40, s20, s17, $0xb8;
	[tilespmem:$0x1C000] =	vst v63  }
0x2a: {  	_ = 	snop  }
0x2b: {  	[tilespmem:s23], [sflag:$0x5] =	stream.indirect.gather [hbm4b:s6+s17], $0x40, s22, s17, $0xb8;
	[tilespmem:$0x1C000] =	vst v63  }
0x2c: {  	_ =	swait.ge [sflag:s24], $0x2000  }
0x2d: {  	[sflag:s24] =	ssyncset.done $0x0  }
0x2e: {  	[sflag:s24] =	ssyncadd.s32 $0xFFFFE000  }
0x2f: {  	[spmem:s1] =	stream.indirect.scatter.add.f32 [tilespmem:s18], [sflag:$0x6], $0x40, s15, s17, $0xb8;
	[tilespmem:$0x1C000] =	vst v63  }
0x30: {  	_ =	swait.ge [sflag:s14], $0x2000  }
0x31: {  	[sflag:s14] =	ssyncset.done $0x0  }
0x32: {  	[sflag:s14] =	ssyncadd.s32 $0xFFFFE000  }
0x33: {  	_ =	swait.ge [sflag:s25], $0x2000  }
0x34: {  	[sflag:s25] =	ssyncset.done $0x0  }
0x35: {  	[sflag:s25] =	ssyncadd.s32 $0xFFFFE000  }
0x36: {  	[spmem:s1] =	stream.indirect.scatter.add.f32 [tilespmem:s19], [sflag:$0x6], $0x40, s26, s17, $0xb8;
	[tilespmem:$0x1C000] =	vst v63  }
0x37: {  	_ =	swait.ge [sflag:s14], $0x2000  }
0x38: {  	[sflag:s14] =	ssyncset.done $0x0  }
0x39: {  	[sflag:s14] =	ssyncadd.s32 $0xFFFFE000  }
0x3a: {  	_ =	swait.ge [sflag:s28], $0x2000  }
0x3b: {  	[sflag:s28] =	ssyncset.done $0x0  }
0x3c: {  	[sflag:s28] =	ssyncadd.s32 $0xFFFFE000  }
0x3d: {  	[spmem:s1] =	stream.indirect.scatter.add.f32 [tilespmem:s21], [sflag:$0x6], $0x40, s29, s17, $0xb8;
	[tilespmem:$0x1C000] =	vst v63  }
0x3e: {  	_ =	swait.ge [sflag:s14], $0x2000  }
0x3f: {  	[sflag:s14] =	ssyncset.done $0x0  }
0x40: {  	[sflag:s14] =	ssyncadd.s32 $0xFFFFE000  }
0x41: {  	_ =	swait.ge [sflag:s30], $0x2000  }
0x42: {  	[sflag:s30] =	ssyncset.done $0x0  }
0x43: {  	[sflag:s30] =	ssyncadd.s32 $0xFFFFE000  }
0x44: {  	[spmem:s1] =	stream.indirect.scatter.add.f32 [tilespmem:s23], [sflag:$0x6], $0x40, s31, s17, $0xb8;
	[tilespmem:$0x1C000] =	vst v63  }
0x45: {  	_ =	swait.ge [sflag:s14], $0x2000  }
0x46: {  	s4 =	simm.s32 $0x80;
	s2 =	simm.s32 $0x40;
	[sflag:s14] =	ssyncset.done $0x0  }
.LBB2_2:
0x47: {  	s8 =	sadd.s32 s2, s11  }
0x48: {  	[sflag:s14] =	ssyncadd.s32 $0xFFFFE000;
	s9 =	smov.u32 s4;
	s7 =	sadd.s32 $0x40, s4  }
0x49: {  	[tilespmem:s3], [sflag:$0x1] =	stream.linear.gather [hbm4b:s8+s3], $0x200, $0x38;
	[tilespmem:$0x1C000] =	vst v63  }
0x4a: {  	p1 =	sne.s32 s4, $0x980;
	s4 =	sadd.s32 s2, s12;
	s2 =	smov.u32 s9  }
0x4b: {  	[tilespmem:s15], [sflag:$0x1] =	stream.linear.gather [hbm4b:s4+s3], $0x200, $0x38;
	[tilespmem:$0x1C000] =	vst v63  }
0x4c: {  	_ =	swait.ge [sflag:s16], $0x200  }
0x4d: {  	[sflag:s16] =	ssyncset.done $0x0  }
0x4e: {  	[sflag:s16] =	ssyncadd.s32 $0xFFFFFE00  }
0x4f: {  	_ =	swait.ge [sflag:s16], $0x200  }
0x50: {  	[sflag:s16] =	ssyncset.done $0x0  }
0x51: {  	[sflag:s16] =	ssyncadd.s32 $0xFFFFFE00  }
0x52: {  	[tilespmem:s18], [sflag:$0x2] =	stream.indirect.gather [hbm4b:s6+s17], $0x40, s3, s17, $0xb8;
	[tilespmem:$0x1C000] =	vst v63  }
0x53: {  	_ = 	snop  }
0x54: {  	[tilespmem:s19], [sflag:$0x3] =	stream.indirect.gather [hbm4b:s6+s17], $0x40, s17, s17, $0xb8;
	[tilespmem:$0x1C000] =	vst v63  }
0x55: {  	_ = 	snop  }
0x56: {  	[tilespmem:s21], [sflag:$0x4] =	stream.indirect.gather [hbm4b:s6+s17], $0x40, s20, s17, $0xb8;
	[tilespmem:$0x1C000] =	vst v63  }
0x57: {  	_ = 	snop  }
0x58: {  	[tilespmem:s23], [sflag:$0x5] =	stream.indirect.gather [hbm4b:s6+s17], $0x40, s22, s17, $0xb8;
	[tilespmem:$0x1C000] =	vst v63  }
0x59: {  	_ =	swait.ge [sflag:s24], $0x2000  }
0x5a: {  	[sflag:s24] =	ssyncset.done $0x0  }
0x5b: {  	[sflag:s24] =	ssyncadd.s32 $0xFFFFE000  }
0x5c: {  	[spmem:s1] =	stream.indirect.scatter.add.f32 [tilespmem:s18], [sflag:$0x6], $0x40, s15, s17, $0xb8;
	[tilespmem:$0x1C000] =	vst v63  }
0x5d: {  	_ =	swait.ge [sflag:s14], $0x2000  }
0x5e: {  	[sflag:s14] =	ssyncset.done $0x0  }
0x5f: {  	[sflag:s14] =	ssyncadd.s32 $0xFFFFE000  }
0x60: {  	_ =	swait.ge [sflag:s25], $0x2000  }
0x61: {  	[sflag:s25] =	ssyncset.done $0x0  }
0x62: {  	[sflag:s25] =	ssyncadd.s32 $0xFFFFE000  }
0x63: {  	[spmem:s1] =	stream.indirect.scatter.add.f32 [tilespmem:s19], [sflag:$0x6], $0x40, s26, s17, $0xb8;
	[tilespmem:$0x1C000] =	vst v63  }
0x64: {  	_ =	swait.ge [sflag:s14], $0x2000  }
0x65: {  	[sflag:s14] =	ssyncset.done $0x0  }
0x66: {  	[sflag:s14] =	ssyncadd.s32 $0xFFFFE000  }
0x67: {  	_ =	swait.ge [sflag:s28], $0x2000  }
0x68: {  	[sflag:s28] =	ssyncset.done $0x0  }
0x69: {  	[sflag:s28] =	ssyncadd.s32 $0xFFFFE000  }
0x6a: {  	[spmem:s1] =	stream.indirect.scatter.add.f32 [tilespmem:s21], [sflag:$0x6], $0x40, s29, s17, $0xb8;
	[tilespmem:$0x1C000] =	vst v63  }
0x6b: {  	_ =	swait.ge [sflag:s14], $0x2000  }
0x6c: {  	[sflag:s14] =	ssyncset.done $0x0  }
0x6d: {  	[sflag:s14] =	ssyncadd.s32 $0xFFFFE000  }
0x6e: {  	_ =	swait.ge [sflag:s30], $0x2000  }
.Ltmp0:
0x6f: {  	[sflag:s30] =	ssyncset.done $0x0;
	(pc) =	sbr.rel @p1 .LBB2_2-.Ltmp0, $4  }
0x70: {  	[sflag:s30] =	ssyncadd.s32 $0xFFFFE000  }
0x71: {  	[spmem:s1] =	stream.indirect.scatter.add.f32 [tilespmem:s23], [sflag:$0x6], $0x40, s31, s17, $0xb8;
	[tilespmem:$0x1C000] =	vst v63  }
0x72: {  	_ =	swait.ge [sflag:s14], $0x2000  }
0x73: {  	s4 =	smov.u32 s7;
	[sflag:s14] =	ssyncset.done $0x0  }
0x74: {  	s4 =	sadd.s32 s2, s11;
	[sflag:s14] =	ssyncadd.s32 $0xFFFFE000  }
0x75: {  	[tilespmem:s3], [sflag:$0x1] =	stream.linear.gather [hbm4b:s4+s3], $0x200, $0x38;
	[tilespmem:$0x1C000] =	vst v63  }
0x76: {  	s8 =	sadd.s32 s2, s12  }
0x77: {  	[tilespmem:s15], [sflag:$0x1] =	stream.linear.gather [hbm4b:s8+s3], $0x200, $0x38;
	[tilespmem:$0x1C000] =	vst v63  }
0x78: {  	_ =	swait.ge [sflag:s16], $0x200  }
0x79: {  	[sflag:s16] =	ssyncset.done $0x0  }
0x7a: {  	[sflag:s16] =	ssyncadd.s32 $0xFFFFFE00  }
0x7b: {  	_ =	swait.ge [sflag:s16], $0x200  }
0x7c: {  	[sflag:s16] =	ssyncset.done $0x0  }
0x7d: {  	[sflag:s16] =	ssyncadd.s32 $0xFFFFFE00  }
0x7e: {  	[tilespmem:s18], [sflag:$0x2] =	stream.indirect.gather [hbm4b:s6+s17], $0x40, s3, s17, $0xb8;
	[tilespmem:$0x1C000] =	vst v63  }
0x7f: {  	_ = 	snop  }
0x80: {  	[tilespmem:s19], [sflag:$0x3] =	stream.indirect.gather [hbm4b:s6+s17], $0x40, s17, s17, $0xb8;
	[tilespmem:$0x1C000] =	vst v63  }
0x81: {  	_ = 	snop  }
0x82: {  	[tilespmem:s21], [sflag:$0x4] =	stream.indirect.gather [hbm4b:s6+s17], $0x40, s20, s17, $0xb8;
	[tilespmem:$0x1C000] =	vst v63  }
0x83: {  	_ = 	snop  }
0x84: {  	[tilespmem:s23], [sflag:$0x5] =	stream.indirect.gather [hbm4b:s6+s17], $0x40, s22, s17, $0xb8;
	[tilespmem:$0x1C000] =	vst v63  }
0x85: {  	_ =	swait.ge [sflag:s24], $0x2000  }
0x86: {  	[sflag:s24] =	ssyncset.done $0x0  }
0x87: {  	[sflag:s24] =	ssyncadd.s32 $0xFFFFE000  }
0x88: {  	[spmem:s1] =	stream.indirect.scatter.add.f32 [tilespmem:s18], [sflag:$0x6], $0x40, s15, s17, $0xb8;
	[tilespmem:$0x1C000] =	vst v63  }
0x89: {  	_ =	swait.ge [sflag:s14], $0x2000  }
0x8a: {  	[sflag:s14] =	ssyncset.done $0x0  }
0x8b: {  	[sflag:s14] =	ssyncadd.s32 $0xFFFFE000  }
0x8c: {  	_ =	swait.ge [sflag:s25], $0x2000  }
0x8d: {  	[sflag:s25] =	ssyncset.done $0x0  }
0x8e: {  	[sflag:s25] =	ssyncadd.s32 $0xFFFFE000  }
0x8f: {  	[spmem:s1] =	stream.indirect.scatter.add.f32 [tilespmem:s19], [sflag:$0x6], $0x40, s26, s17, $0xb8;
	[tilespmem:$0x1C000] =	vst v63  }
0x90: {  	_ =	swait.ge [sflag:s14], $0x2000  }
0x91: {  	[sflag:s14] =	ssyncset.done $0x0  }
0x92: {  	[sflag:s14] =	ssyncadd.s32 $0xFFFFE000  }
0x93: {  	_ =	swait.ge [sflag:s28], $0x2000  }
0x94: {  	[sflag:s28] =	ssyncset.done $0x0  }
0x95: {  	[sflag:s28] =	ssyncadd.s32 $0xFFFFE000  }
0x96: {  	[spmem:s1] =	stream.indirect.scatter.add.f32 [tilespmem:s21], [sflag:$0x6], $0x40, s29, s17, $0xb8;
	[tilespmem:$0x1C000] =	vst v63  }
0x97: {  	_ =	swait.ge [sflag:s14], $0x2000  }
0x98: {  	[sflag:s14] =	ssyncset.done $0x0  }
0x99: {  	[sflag:s14] =	ssyncadd.s32 $0xFFFFE000  }
0x9a: {  	_ =	swait.ge [sflag:s30], $0x2000  }
0x9b: {  	[sflag:s30] =	ssyncset.done $0x0  }
0x9c: {  	[sflag:s30] =	ssyncadd.s32 $0xFFFFE000  }
0x9d: {  	[spmem:s1] =	stream.indirect.scatter.add.f32 [tilespmem:s23], [sflag:$0x6], $0x40, s31, s17, $0xb8;
	[tilespmem:$0x1C000] =	vst v63  }
0x9e: {  	_ =	swait.ge [sflag:s14], $0x2000  }
0x9f: {  	[sflag:s14] =	ssyncset.done $0x0  }
0xa0: {  	s2 =	simm.s32 @!p0 $0x0;
	s4 =	rddreg [dreg:$0x4];
	[sflag:s14] =	ssyncadd.s32 $0xFFFFE000  }
0xa1: {  	[tilespmem:s2], [sflag:$0x6] =	stream.linear.gather @!p0 [hbm4b:s4+s2], $0x80, $0x38;
	[tilespmem:$0x1C000] =	vst v63  }
0xa2: {  	s4 =	simm.s32 @!p0 $0x6  }
0xa3: {  	_ =	swait.ge @!p0 [sflag:s4], $0x80  }
0xa4: {  	[sflag:s4] =	ssyncset.done @!p0 $0x0  }
0xa5: {  	s7 =	simm.s32 @!p0 $0x200;
	s8 =	rddreg [dreg:$0x5];
	[sflag:s4] =	ssyncadd.s32 @!p0 $0xFFFFFF80  }
0xa6: {  	[tilespmem:s7], [sflag:$0x6] =	stream.linear.gather @!p0 [hbm4b:s8+s2], $0x80, $0x38;
	[tilespmem:$0x1C000] =	vst v63  }
0xa7: {  	_ =	swait.ge @!p0 [sflag:s4], $0x80  }
0xa8: {  	[sflag:s4] =	ssyncset.done @!p0 $0x0  }
0xa9: {  	s9 =	simm.s32 @!p0 $0x400;
	s8 =	simm.s32 @!p0 $0x80;
	[sflag:s4] =	ssyncadd.s32 @!p0 $0xFFFFFF80  }
0xaa: {  	[tilespmem:s9], [sflag:$0x2] =	stream.indirect.gather @!p0 [hbm4b:s6+s8], $0x40, s2, s8, $0xb8;
	[tilespmem:$0x1C000] =	vst v63  }
0xab: {  	s2 =	simm.s32 @!p0 $0x2  }
0xac: {  	_ =	swait.ge @!p0 [sflag:s2], $0x2000  }
0xad: {  	[sflag:s2] =	ssyncset.done @!p0 $0x0  }
0xae: {  	[sflag:s2] =	ssyncadd.s32 @!p0 $0xFFFFE000  }
0xaf: {  	[spmem:s1] =	stream.indirect.scatter.add.f32 @!p0 [tilespmem:s9], [sflag:$0x6], $0x40, s7, s8, $0xb8;
	[tilespmem:$0x1C000] =	vst v63  }
0xb0: {  	_ =	swait.ge @!p0 [sflag:s4], $0x2000  }
0xb1: {  	[sflag:s4] =	ssyncset.done @!p0 $0x0  }
0xb2: {  	s0 =	sadd.s32 $0x1, s0;
	[sflag:s4] =	ssyncadd.s32 @!p0 $0xFFFFE000  }
0xb3: {  	p1 =	sne.s32 s0, s10;
	[bflag:$0x0] =	sbarrier.arrive $0xFFFF  }
.Ltmp1:
0xb4: {  	s9 =	rddreg [dreg:$0x6];
	(pc) =	sbr.rel @p1 .LBB2_1-.Ltmp1, $4  }
0xb5: {  	[hbm:s9], [sflag:s5] =	dma.local [spmem:s13], $0x2780  }
0xb6: {  	_ =	swait.ge [sflag:s14], $0x2780  }
0xb7: {  	[sflag:s14] =	ssyncset.done $0x0  }
0xb8: {  	[sflag:s14] =	ssyncadd.s32 $0xFFFFD880  }
0xb9: {  	_ =	sfence.sel $0x180000  }
0xba: {  	[bflag:$0x0] =	sbarrier.arrive $0xFFFF  }
0xbb: {  	_ =	strace $0x90000047  }
0xbc: {  	s0 =	stileid.u32;
	[bflag:$0x2] =	sbarrier.arrive $0xFFFF  }
0xbd: {  	p0 =	sne.s32 s0, $0x0;
	s0 =	rddreg [dreg:$0x2]  }
0xbe: {  	s0 =	sadd.s32 @!p0 $0x100000, s0  }
0xbf: {  	[sflag:s0] =	ssyncadd.tile.s32 @!p0 $0x1;
	_ =	shalt  }
.Lfunc_end2:
_tile_overlayer_lowered:
.L_overlay_start_2:
0xc0: {  	(tag) =	ssettag $0x2  }
0xc1: {  	s0 =	rddreg [dreg:$0x0];
	s2 =	stileid.u32  }
0xc2: {  	s1 =	rddreg [dreg:$0x1];
	p0 =	sne.s32 s2, $0x0  }
0xc3: {  	s3 =	rddreg [dreg:$0x2];
	[bflag:$0x3] =	sbarrier.arrive $0xFFFF;
	s2 =	simm.s32 @!p0 $0x1C06  }
0xc4: {  	[timem:s3], [sflag:s2] =	dma.local @!p0 [hbm:s0], s1  }
0xc5: {  	s0 =	simm.s32 @!p0 $0x6  }
0xc6: {  	_ =	swait.ge @!p0 [sflag:s0], s1  }
0xc7: {  	s1 =	ssub.s32 @!p0 $0x0, s1;
	[sflag:s0] =	ssyncset.done @!p0 $0x0  }
0xc8: {  	[sflag:s0] =	ssyncadd.s32 @!p0 s1  }
0xc9: {  	[bflag:$0x3] =	sbarrier.arrive $0xFFFF  }
0xca: {  	_ =	shalt  }

</sc_bundles>
